<compile_context>
chip_gen: v7x
topology: tpu7x:2x2x1
jax: 0.10.2.dev20260603
libtpu: 0.0.44.dev20260713+nightly
codegen_flags: <defaults>
</compile_context>

<pallas_src>
import functools

import jax
import jax.numpy as jnp
from jax import lax
from jax.experimental import pallas as pl
from jax.experimental.pallas import tpu as pltpu
from jax.experimental.pallas import tpu_sc as plsc

_ROWS = 8192
_D = 1024
_NC = 2
_NS = 16
_NW = _NC * _NS
_LANES = 16

_SC_ROWS = 3072
_TC_ROWS = _ROWS - _SC_ROWS
_W_ROWS = _SC_ROWS // _NW
_CHUNK_ROWS = 16
_N_CHUNKS = _W_ROWS // _CHUNK_ROWS
_NBUF = 3


@functools.partial(
    pl.kernel,
    mesh=plsc.VectorSubcoreMesh(core_axis_name="c", subcore_axis_name="s"),
    out_type=jax.ShapeDtypeStruct((_SC_ROWS, _D), jnp.float32),
    scratch_types=(
        [pltpu.VMEM((_CHUNK_ROWS, _D), jnp.float32)] * _NBUF
        + [pltpu.VMEM((_CHUNK_ROWS, _D), jnp.float32)] * _NBUF
        + [pltpu.SemaphoreType.DMA] * (3 * _NBUF)
    ),
)
def _sc_add(x_hbm, pe_hbm, out_hbm, *scratch):
    xbufs = scratch[0:_NBUF]
    pebufs = scratch[_NBUF:2 * _NBUF]
    sx = scratch[2 * _NBUF:3 * _NBUF]
    sp = scratch[3 * _NBUF:4 * _NBUF]
    so = scratch[4 * _NBUF:5 * _NBUF]

    wid = lax.axis_index("s") * _NC + lax.axis_index("c")
    base = wid * _W_ROWS

    def fill(c):
        b = c % _NBUF
        off = base + c * _CHUNK_ROWS
        src = _TC_ROWS + off
        pltpu.async_copy(x_hbm.at[pl.ds(src, _CHUNK_ROWS)], xbufs[b], sx[b])
        pltpu.async_copy(pe_hbm.at[pl.ds(src, _CHUNK_ROWS)], pebufs[b], sp[b])

    def wait_fill(c):
        b = c % _NBUF
        off = base + c * _CHUNK_ROWS
        src = _TC_ROWS + off
        pltpu.make_async_copy(
            x_hbm.at[pl.ds(src, _CHUNK_ROWS)], xbufs[b], sx[b]).wait()
        pltpu.make_async_copy(
            pe_hbm.at[pl.ds(src, _CHUNK_ROWS)], pebufs[b], sp[b]).wait()

    def drain(c):
        b = c % _NBUF
        off = base + c * _CHUNK_ROWS
        pltpu.async_copy(xbufs[b], out_hbm.at[pl.ds(off, _CHUNK_ROWS)], so[b])

    def wait_drain(c):
        b = c % _NBUF
        off = base + c * _CHUNK_ROWS
        pltpu.make_async_copy(
            xbufs[b], out_hbm.at[pl.ds(off, _CHUNK_ROWS)], so[b]).wait()

    fill(0)
    fill(1)
    for c in range(_N_CHUNKS):
        if c + 2 < _N_CHUNKS:
            if c >= 1:
                wait_drain(c - 1)
            fill(c + 2)
        b = c % _NBUF
        wait_fill(c)

        def add_body(j, carry, b=b):
            s = pl.ds(j * _LANES, _LANES)
            for r in range(_CHUNK_ROWS):
                plsc.addupdate(xbufs[b].at[r, s], pebufs[b][r, s])
            return carry

        lax.fori_loop(0, _D // _LANES, add_body, 0)
        drain(c)
    for c in range(max(0, _N_CHUNKS - 3), _N_CHUNKS):
        wait_drain(c)


def _tc_add(x_ref, pe_ref, o_ref):
    o_ref[...] = x_ref[...] + pe_ref[...]


def kernel(x, pos_emb):
    seq_len, d = x.shape
    pe = pos_emb[:seq_len]
    sc_out = _sc_add(x, pe)
    blk = 1024
    tc_out = pl.pallas_call(
        _tc_add,
        grid=(_TC_ROWS // blk,),
        in_specs=[
            pl.BlockSpec((blk, d), lambda i: (i, 0)),
            pl.BlockSpec((blk, d), lambda i: (i, 0)),
        ],
        out_specs=pl.BlockSpec((blk, d), lambda i: (i, 0)),
        out_shape=jax.ShapeDtypeStruct((_TC_ROWS, d), x.dtype),
    )(x, pe)
    return jnp.concatenate([tc_out, sc_out], axis=0)

# --- scband reference (transcript-rebuilt; emitter-appended) ---
"""Pipeline reference for scband-learnable-positional-encoding-10917806866568 (READ-ONLY COPY).

The authoritative reference and input builder live on the scoring server;
editing this copy changes nothing except your own understanding.
"""

import jax, jax.numpy as jnp
import numpy as np

D_MODEL = 1024
MAX_LEN = 8192
SEQ_LEN = 8192

def setup_inputs(seed: int = 0) -> dict:
    key = jax.random.key(seed)
    kx, kw = jax.random.split(key)
    x = jax.random.normal(kx, (SEQ_LEN, D_MODEL), dtype=jnp.float32)
    pos_emb = jax.random.normal(kw, (MAX_LEN, D_MODEL), dtype=jnp.float32)
    return {"x": x, "pos_emb": pos_emb}

def reference(x, pos_emb):
    seq_len = x.shape[0]
    position_ids = jnp.arange(seq_len, dtype=jnp.int32)
    pe = jnp.take(pos_emb, position_ids, axis=0)
    return x + pe

if __name__ == "__main__":
    import jax
    _d = setup_inputs()
    print(jax.jit(kernel)(*tuple(_d.values())))

</pallas_src>

<mosaic_0001>
#map = affine_map<(d0, d1) -> (0, 0)>
module attributes {stable_mosaic.version = 14 : i64} {
  func.func @_sc_add(%arg0: i32, %arg1: i32, %arg2: memref<8192x1024xf32, #tpu.memory_space<hbm>>, %arg3: memref<8192x1024xf32, #tpu.memory_space<hbm>>, %arg4: memref<3072x1024xf32, #tpu.memory_space<hbm>>, %arg5: memref<16x1024xf32, #tpu.memory_space<vmem>>, %arg6: memref<16x1024xf32, #tpu.memory_space<vmem>>, %arg7: memref<16x1024xf32, #tpu.memory_space<vmem>>, %arg8: memref<16x1024xf32, #tpu.memory_space<vmem>>, %arg9: memref<16x1024xf32, #tpu.memory_space<vmem>>, %arg10: memref<16x1024xf32, #tpu.memory_space<vmem>>, %arg11: memref<!tpu.dma_semaphore, #tpu.memory_space<semaphore_mem>>, %arg12: memref<!tpu.dma_semaphore, #tpu.memory_space<semaphore_mem>>, %arg13: memref<!tpu.dma_semaphore, #tpu.memory_space<semaphore_mem>>, %arg14: memref<!tpu.dma_semaphore, #tpu.memory_space<semaphore_mem>>, %arg15: memref<!tpu.dma_semaphore, #tpu.memory_space<semaphore_mem>>, %arg16: memref<!tpu.dma_semaphore, #tpu.memory_space<semaphore_mem>>, %arg17: memref<!tpu.dma_semaphore, #tpu.memory_space<semaphore_mem>>, %arg18: memref<!tpu.dma_semaphore, #tpu.memory_space<semaphore_mem>>, %arg19: memref<!tpu.dma_semaphore, #tpu.memory_space<semaphore_mem>>) attributes {dimension_semantics = [#tpu.dimension_semantics<core_parallel>, #tpu.dimension_semantics<subcore_parallel>], iteration_bounds = array<i64: 2, 16>, scalar_prefetch = 0 : i64, scratch_operands = 15 : i64, tpu.core_type = #tpu.core_type<sc_vector_subcore>, window_params = [{transform_indices = #map}, {transform_indices = #map}, {transform_indices = #map}]} {
    %mul3A = arith.constant 2 : i32
    %mul3A_0 = arith.muli %arg1, %mul3A : i32
    %add3A = arith.addi %mul3A_0, %arg0 : i32
    %mul3A_1 = arith.constant 96 : i32
    %mul3A_2 = arith.muli %add3A, %mul3A_1 : i32
    %add3A_3 = arith.constant 0 : i32
    %add3A_4 = arith.addi %mul3A_2, %add3A_3 : i32
    %add3A_5 = arith.constant 5120 : i32
    %add3A_6 = arith.addi %add3A_5, %add3A_4 : i32
    %dma_start3A = arith.constant 0 : i32
    %dma_start3A_7 = tpu.memref_slice %arg2[%add3A_6, %dma_start3A] : memref<8192x1024xf32, #tpu.memory_space<hbm>> -> memref<16x1024xf32, #tpu.memory_space<hbm>>
    %dma_start3A_8 = arith.constant 0 : i32
    %dma_start3A_9 = tpu.memref_slice %arg2[%add3A_6, %dma_start3A_8] : memref<8192x1024xf32, #tpu.memory_space<hbm>> -> memref<16x1024xf32, #tpu.memory_space<hbm>>
    tpu.enqueue_dma source(%dma_start3A_9 : memref<16x1024xf32, #tpu.memory_space<hbm>>) target(%arg5 : memref<16x1024xf32, #tpu.memory_space<vmem>>) target_semaphore(%arg11 : memref<!tpu.dma_semaphore, #tpu.memory_space<semaphore_mem>>)
    %dma_start3A_10 = arith.constant 0 : i32
    %dma_start3A_11 = tpu.memref_slice %arg3[%add3A_6, %dma_start3A_10] : memref<8192x1024xf32, #tpu.memory_space<hbm>> -> memref<16x1024xf32, #tpu.memory_space<hbm>>
    %dma_start3A_12 = arith.constant 0 : i32
    %dma_start3A_13 = tpu.memref_slice %arg3[%add3A_6, %dma_start3A_12] : memref<8192x1024xf32, #tpu.memory_space<hbm>> -> memref<16x1024xf32, #tpu.memory_space<hbm>>
    tpu.enqueue_dma source(%dma_start3A_13 : memref<16x1024xf32, #tpu.memory_space<hbm>>) target(%arg8 : memref<16x1024xf32, #tpu.memory_space<vmem>>) target_semaphore(%arg14 : memref<!tpu.dma_semaphore, #tpu.memory_space<semaphore_mem>>)
    %add3A_14 = arith.constant 16 : i32
    %add3A_15 = arith.addi %mul3A_2, %add3A_14 : i32
    %add3A_16 = arith.constant 5120 : i32
    %add3A_17 = arith.addi %add3A_16, %add3A_15 : i32
    %dma_start3A_18 = arith.constant 0 : i32
    %dma_start3A_19 = tpu.memref_slice %arg2[%add3A_17, %dma_start3A_18] : memref<8192x1024xf32, #tpu.memory_space<hbm>> -> memref<16x1024xf32, #tpu.memory_space<hbm>>
    %dma_start3A_20 = arith.constant 0 : i32
    %dma_start3A_21 = tpu.memref_slice %arg2[%add3A_17, %dma_start3A_20] : memref<8192x1024xf32, #tpu.memory_space<hbm>> -> memref<16x1024xf32, #tpu.memory_space<hbm>>
    tpu.enqueue_dma source(%dma_start3A_21 : memref<16x1024xf32, #tpu.memory_space<hbm>>) target(%arg6 : memref<16x1024xf32, #tpu.memory_space<vmem>>) target_semaphore(%arg12 : memref<!tpu.dma_semaphore, #tpu.memory_space<semaphore_mem>>)
    %dma_start3A_22 = arith.constant 0 : i32
    %dma_start3A_23 = tpu.memref_slice %arg3[%add3A_17, %dma_start3A_22] : memref<8192x1024xf32, #tpu.memory_space<hbm>> -> memref<16x1024xf32, #tpu.memory_space<hbm>>
    %dma_start3A_24 = arith.constant 0 : i32
    %dma_start3A_25 = tpu.memref_slice %arg3[%add3A_17, %dma_start3A_24] : memref<8192x1024xf32, #tpu.memory_space<hbm>> -> memref<16x1024xf32, #tpu.memory_space<hbm>>
    tpu.enqueue_dma source(%dma_start3A_25 : memref<16x1024xf32, #tpu.memory_space<hbm>>) target(%arg9 : memref<16x1024xf32, #tpu.memory_space<vmem>>) target_semaphore(%arg15 : memref<!tpu.dma_semaphore, #tpu.memory_space<semaphore_mem>>)
    %add3A_26 = arith.constant 32 : i32
    %add3A_27 = arith.addi %mul3A_2, %add3A_26 : i32
    %add3A_28 = arith.constant 5120 : i32
    %add3A_29 = arith.addi %add3A_28, %add3A_27 : i32
    %dma_start3A_30 = arith.constant 0 : i32
    %dma_start3A_31 = tpu.memref_slice %arg2[%add3A_29, %dma_start3A_30] : memref<8192x1024xf32, #tpu.memory_space<hbm>> -> memref<16x1024xf32, #tpu.memory_space<hbm>>
    %dma_start3A_32 = arith.constant 0 : i32
    %dma_start3A_33 = tpu.memref_slice %arg2[%add3A_29, %dma_start3A_32] : memref<8192x1024xf32, #tpu.memory_space<hbm>> -> memref<16x1024xf32, #tpu.memory_space<hbm>>
    tpu.enqueue_dma source(%dma_start3A_33 : memref<16x1024xf32, #tpu.memory_space<hbm>>) target(%arg7 : memref<16x1024xf32, #tpu.memory_space<vmem>>) target_semaphore(%arg13 : memref<!tpu.dma_semaphore, #tpu.memory_space<semaphore_mem>>)
    %dma_start3A_34 = arith.constant 0 : i32
    %dma_start3A_35 = tpu.memref_slice %arg3[%add3A_29, %dma_start3A_34] : memref<8192x1024xf32, #tpu.memory_space<hbm>> -> memref<16x1024xf32, #tpu.memory_space<hbm>>
    %dma_start3A_36 = arith.constant 0 : i32
    %dma_start3A_37 = tpu.memref_slice %arg3[%add3A_29, %dma_start3A_36] : memref<8192x1024xf32, #tpu.memory_space<hbm>> -> memref<16x1024xf32, #tpu.memory_space<hbm>>
    tpu.enqueue_dma source(%dma_start3A_37 : memref<16x1024xf32, #tpu.memory_space<hbm>>) target(%arg10 : memref<16x1024xf32, #tpu.memory_space<vmem>>) target_semaphore(%arg16 : memref<!tpu.dma_semaphore, #tpu.memory_space<semaphore_mem>>)
    %add3A_38 = arith.constant 0 : i32
    %add3A_39 = arith.addi %mul3A_2, %add3A_38 : i32
    %add3A_40 = arith.constant 5120 : i32
    %add3A_41 = arith.addi %add3A_40, %add3A_39 : i32
    %dma_wait3A = arith.constant 0 : i32
    %dma_wait3A_42 = tpu.memref_slice %arg2[%add3A_41, %dma_wait3A] : memref<8192x1024xf32, #tpu.memory_space<hbm>> -> memref<16x1024xf32, #tpu.memory_space<hbm>>
    %dma_wait3A_43 = arith.constant 0 : i32
    %dma_wait3A_44 = tpu.memref_slice %arg2[%add3A_41, %dma_wait3A_43] : memref<8192x1024xf32, #tpu.memory_space<hbm>> -> memref<16x1024xf32, #tpu.memory_space<hbm>>
    tpu.wait_dma2 semaphore(%arg11 : memref<!tpu.dma_semaphore, #tpu.memory_space<semaphore_mem>>) src(%dma_wait3A_44 : memref<16x1024xf32, #tpu.memory_space<hbm>>) dst(%arg5 : memref<16x1024xf32, #tpu.memory_space<vmem>>)
    %dma_wait3A_45 = arith.constant 0 : i32
    %dma_wait3A_46 = tpu.memref_slice %arg3[%add3A_41, %dma_wait3A_45] : memref<8192x1024xf32, #tpu.memory_space<hbm>> -> memref<16x1024xf32, #tpu.memory_space<hbm>>
    %dma_wait3A_47 = arith.constant 0 : i32
    %dma_wait3A_48 = tpu.memref_slice %arg3[%add3A_41, %dma_wait3A_47] : memref<8192x1024xf32, #tpu.memory_space<hbm>> -> memref<16x1024xf32, #tpu.memory_space<hbm>>
    tpu.wait_dma2 semaphore(%arg14 : memref<!tpu.dma_semaphore, #tpu.memory_space<semaphore_mem>>) src(%dma_wait3A_48 : memref<16x1024xf32, #tpu.memory_space<hbm>>) dst(%arg8 : memref<16x1024xf32, #tpu.memory_space<vmem>>)
    %scan3A = arith.constant 0 : i32
    %scan3A_49 = arith.constant 0 : i32
    %scan3A_50 = arith.constant 64 : i32
    %scan3A_51 = arith.addi %scan3A_49, %scan3A_50 : i32
    %scan3A_52 = arith.constant 1 : i32
    scf.for %scan3A_252 = %scan3A_49 to %scan3A_51 step %scan3A_52  : i32 {
      %mul3A_253 = arith.constant 16 : i32
      %mul3A_254 = arith.muli %scan3A_252, %mul3A_253 : i32
      %get3A = arith.constant 0 : i32
      %get3A_255 = arith.index_cast %get3A : i32 to index
      %get3A_256 = arith.index_cast %mul3A_254 : i32 to index
      %get3A_257 = tpu.vector_load %arg8[%get3A_255, %get3A_256] {strides = array<i32>} : memref<16x1024xf32, #tpu.memory_space<vmem>>, vector<1x16xf32>,
      %get3A_258 = vector.shape_cast %get3A_257 : vector<1x16xf32> to vector<16xf32>
      %swap3A = arith.constant 0 : i32
      %swap3A_259 = arith.index_cast %swap3A : i32 to index
      %swap3A_260 = arith.index_cast %mul3A_254 : i32 to index
      %swap3A_261 = tpu.vector_load %arg5[%swap3A_259, %swap3A_260] {strides = array<i32>} : memref<16x1024xf32, #tpu.memory_space<vmem>>, vector<1x16xf32>,
      %swap3A_262 = vector.shape_cast %swap3A_261 : vector<1x16xf32> to vector<16xf32>
      %swap3A_263 = vector.shape_cast %get3A_258 : vector<16xf32> to vector<1x16xf32>
      tpu.vector_store %arg5[%swap3A_259, %swap3A_260], %swap3A_263 {add = true, strides = array<i32>} : memref<16x1024xf32, #tpu.memory_space<vmem>>, vector<1x16xf32>,
      %get3A_264 = arith.constant 1 : i32
      %get3A_265 = arith.index_cast %get3A_264 : i32 to index
      %get3A_266 = arith.index_cast %mul3A_254 : i32 to index
      %get3A_267 = tpu.vector_load %arg8[%get3A_265, %get3A_266] {strides = array<i32>} : memref<16x1024xf32, #tpu.memory_space<vmem>>, vector<1x16xf32>,
      %get3A_268 = vector.shape_cast %get3A_267 : vector<1x16xf32> to vector<16xf32>
      %swap3A_269 = arith.constant 1 : i32
      %swap3A_270 = arith.index_cast %swap3A_269 : i32 to index
      %swap3A_271 = arith.index_cast %mul3A_254 : i32 to index
      %swap3A_272 = tpu.vector_load %arg5[%swap3A_270, %swap3A_271] {strides = array<i32>} : memref<16x1024xf32, #tpu.memory_space<vmem>>, vector<1x16xf32>,
      %swap3A_273 = vector.shape_cast %swap3A_272 : vector<1x16xf32> to vector<16xf32>
      %swap3A_274 = vector.shape_cast %get3A_268 : vector<16xf32> to vector<1x16xf32>
      tpu.vector_store %arg5[%swap3A_270, %swap3A_271], %swap3A_274 {add = true, strides = array<i32>} : memref<16x1024xf32, #tpu.memory_space<vmem>>, vector<1x16xf32>,
      %get3A_275 = arith.constant 2 : i32
      %get3A_276 = arith.index_cast %get3A_275 : i32 to index
      %get3A_277 = arith.index_cast %mul3A_254 : i32 to index
      %get3A_278 = tpu.vector_load %arg8[%get3A_276, %get3A_277] {strides = array<i32>} : memref<16x1024xf32, #tpu.memory_space<vmem>>, vector<1x16xf32>,
      %get3A_279 = vector.shape_cast %get3A_278 : vector<1x16xf32> to vector<16xf32>
      %swap3A_280 = arith.constant 2 : i32
      %swap3A_281 = arith.index_cast %swap3A_280 : i32 to index
      %swap3A_282 = arith.index_cast %mul3A_254 : i32 to index
      %swap3A_283 = tpu.vector_load %arg5[%swap3A_281, %swap3A_282] {strides = array<i32>} : memref<16x1024xf32, #tpu.memory_space<vmem>>, vector<1x16xf32>,
      %swap3A_284 = vector.shape_cast %swap3A_283 : vector<1x16xf32> to vector<16xf32>
      %swap3A_285 = vector.shape_cast %get3A_279 : vector<16xf32> to vector<1x16xf32>
      tpu.vector_store %arg5[%swap3A_281, %swap3A_282], %swap3A_285 {add = true, strides = array<i32>} : memref<16x1024xf32, #tpu.memory_space<vmem>>, vector<1x16xf32>,
      %get3A_286 = arith.constant 3 : i32
      %get3A_287 = arith.index_cast %get3A_286 : i32 to index
      %get3A_288 = arith.index_cast %mul3A_254 : i32 to index
      %get3A_289 = tpu.vector_load %arg8[%get3A_287, %get3A_288] {strides = array<i32>} : memref<16x1024xf32, #tpu.memory_space<vmem>>, vector<1x16xf32>,
      %get3A_290 = vector.shape_cast %get3A_289 : vector<1x16xf32> to vector<16xf32>
      %swap3A_291 = arith.constant 3 : i32
      %swap3A_292 = arith.index_cast %swap3A_291 : i32 to index
      %swap3A_293 = arith.index_cast %mul3A_254 : i32 to index
      %swap3A_294 = tpu.vector_load %arg5[%swap3A_292, %swap3A_293] {strides = array<i32>} : memref<16x1024xf32, #tpu.memory_space<vmem>>, vector<1x16xf32>,
      %swap3A_295 = vector.shape_cast %swap3A_294 : vector<1x16xf32> to vector<16xf32>
      %swap3A_296 = vector.shape_cast %get3A_290 : vector<16xf32> to vector<1x16xf32>
      tpu.vector_store %arg5[%swap3A_292, %swap3A_293], %swap3A_296 {add = true, strides = array<i32>} : memref<16x1024xf32, #tpu.memory_space<vmem>>, vector<1x16xf32>,
      %get3A_297 = arith.constant 4 : i32
      %get3A_298 = arith.index_cast %get3A_297 : i32 to index
      %get3A_299 = arith.index_cast %mul3A_254 : i32 to index
      %get3A_300 = tpu.vector_load %arg8[%get3A_298, %get3A_299] {strides = array<i32>} : memref<16x1024xf32, #tpu.memory_space<vmem>>, vector<1x16xf32>,
      %get3A_301 = vector.shape_cast %get3A_300 : vector<1x16xf32> to vector<16xf32>
      %swap3A_302 = arith.constant 4 : i32
      %swap3A_303 = arith.index_cast %swap3A_302 : i32 to index
      %swap3A_304 = arith.index_cast %mul3A_254 : i32 to index
      %swap3A_305 = tpu.vector_load %arg5[%swap3A_303, %swap3A_304] {strides = array<i32>} : memref<16x1024xf32, #tpu.memory_space<vmem>>, vector<1x16xf32>,
      %swap3A_306 = vector.shape_cast %swap3A_305 : vector<1x16xf32> to vector<16xf32>
      %swap3A_307 = vector.shape_cast %get3A_301 : vector<16xf32> to vector<1x16xf32>
      tpu.vector_store %arg5[%swap3A_303, %swap3A_304], %swap3A_307 {add = true, strides = array<i32>} : memref<16x1024xf32, #tpu.memory_space<vmem>>, vector<1x16xf32>,
      %get3A_308 = arith.constant 5 : i32
      %get3A_309 = arith.index_cast %get3A_308 : i32 to index
      %get3A_310 = arith.index_cast %mul3A_254 : i32 to index
      %get3A_311 = tpu.vector_load %arg8[%get3A_309, %get3A_310] {strides = array<i32>} : memref<16x1024xf32, #tpu.memory_space<vmem>>, vector<1x16xf32>,
      %get3A_312 = vector.shape_cast %get3A_311 : vector<1x16xf32> to vector<16xf32>
      %swap3A_313 = arith.constant 5 : i32
      %swap3A_314 = arith.index_cast %swap3A_313 : i32 to index
      %swap3A_315 = arith.index_cast %mul3A_254 : i32 to index
      %swap3A_316 = tpu.vector_load %arg5[%swap3A_314, %swap3A_315] {strides = array<i32>} : memref<16x1024xf32, #tpu.memory_space<vmem>>, vector<1x16xf32>,
      %swap3A_317 = vector.shape_cast %swap3A_316 : vector<1x16xf32> to vector<16xf32>
      %swap3A_318 = vector.shape_cast %get3A_312 : vector<16xf32> to vector<1x16xf32>
      tpu.vector_store %arg5[%swap3A_314, %swap3A_315], %swap3A_318 {add = true, strides = array<i32>} : memref<16x1024xf32, #tpu.memory_space<vmem>>, vector<1x16xf32>,
      %get3A_319 = arith.constant 6 : i32
      %get3A_320 = arith.index_cast %get3A_319 : i32 to index
      %get3A_321 = arith.index_cast %mul3A_254 : i32 to index
      %get3A_322 = tpu.vector_load %arg8[%get3A_320, %get3A_321] {strides = array<i32>} : memref<16x1024xf32, #tpu.memory_space<vmem>>, vector<1x16xf32>,
      %get3A_323 = vector.shape_cast %get3A_322 : vector<1x16xf32> to vector<16xf32>
      %swap3A_324 = arith.constant 6 : i32
      %swap3A_325 = arith.index_cast %swap3A_324 : i32 to index
      %swap3A_326 = arith.index_cast %mul3A_254 : i32 to index
      %swap3A_327 = tpu.vector_load %arg5[%swap3A_325, %swap3A_326] {strides = array<i32>} : memref<16x1024xf32, #tpu.memory_space<vmem>>, vector<1x16xf32>,
      %swap3A_328 = vector.shape_cast %swap3A_327 : vector<1x16xf32> to vector<16xf32>
      %swap3A_329 = vector.shape_cast %get3A_323 : vector<16xf32> to vector<1x16xf32>
      tpu.vector_store %arg5[%swap3A_325, %swap3A_326], %swap3A_329 {add = true, strides = array<i32>} : memref<16x1024xf32, #tpu.memory_space<vmem>>, vector<1x16xf32>,
      %get3A_330 = arith.constant 7 : i32
      %get3A_331 = arith.index_cast %get3A_330 : i32 to index
      %get3A_332 = arith.index_cast %mul3A_254 : i32 to index
      %get3A_333 = tpu.vector_load %arg8[%get3A_331, %get3A_332] {strides = array<i32>} : memref<16x1024xf32, #tpu.memory_space<vmem>>, vector<1x16xf32>,
      %get3A_334 = vector.shape_cast %get3A_333 : vector<1x16xf32> to vector<16xf32>
      %swap3A_335 = arith.constant 7 : i32
      %swap3A_336 = arith.index_cast %swap3A_335 : i32 to index
      %swap3A_337 = arith.index_cast %mul3A_254 : i32 to index
      %swap3A_338 = tpu.vector_load %arg5[%swap3A_336, %swap3A_337] {strides = array<i32>} : memref<16x1024xf32, #tpu.memory_space<vmem>>, vector<1x16xf32>,
      %swap3A_339 = vector.shape_cast %swap3A_338 : vector<1x16xf32> to vector<16xf32>
      %swap3A_340 = vector.shape_cast %get3A_334 : vector<16xf32> to vector<1x16xf32>
      tpu.vector_store %arg5[%swap3A_336, %swap3A_337], %swap3A_340 {add = true, strides = array<i32>} : memref<16x1024xf32, #tpu.memory_space<vmem>>, vector<1x16xf32>,
      %get3A_341 = arith.constant 8 : i32
      %get3A_342 = arith.index_cast %get3A_341 : i32 to index
      %get3A_343 = arith.index_cast %mul3A_254 : i32 to index
      %get3A_344 = tpu.vector_load %arg8[%get3A_342, %get3A_343] {strides = array<i32>} : memref<16x1024xf32, #tpu.memory_space<vmem>>, vector<1x16xf32>,
      %get3A_345 = vector.shape_cast %get3A_344 : vector<1x16xf32> to vector<16xf32>
      %swap3A_346 = arith.constant 8 : i32
      %swap3A_347 = arith.index_cast %swap3A_346 : i32 to index
      %swap3A_348 = arith.index_cast %mul3A_254 : i32 to index
      %swap3A_349 = tpu.vector_load %arg5[%swap3A_347, %swap3A_348] {strides = array<i32>} : memref<16x1024xf32, #tpu.memory_space<vmem>>, vector<1x16xf32>,
      %swap3A_350 = vector.shape_cast %swap3A_349 : vector<1x16xf32> to vector<16xf32>
      %swap3A_351 = vector.shape_cast %get3A_345 : vector<16xf32> to vector<1x16xf32>
      tpu.vector_store %arg5[%swap3A_347, %swap3A_348], %swap3A_351 {add = true, strides = array<i32>} : memref<16x1024xf32, #tpu.memory_space<vmem>>, vector<1x16xf32>,
      %get3A_352 = arith.constant 9 : i32
      %get3A_353 = arith.index_cast %get3A_352 : i32 to index
      %get3A_354 = arith.index_cast %mul3A_254 : i32 to index
      %get3A_355 = tpu.vector_load %arg8[%get3A_353, %get3A_354] {strides = array<i32>} : memref<16x1024xf32, #tpu.memory_space<vmem>>, vector<1x16xf32>,
      %get3A_356 = vector.shape_cast %get3A_355 : vector<1x16xf32> to vector<16xf32>
      %swap3A_357 = arith.constant 9 : i32
      %swap3A_358 = arith.index_cast %swap3A_357 : i32 to index
      %swap3A_359 = arith.index_cast %mul3A_254 : i32 to index
      %swap3A_360 = tpu.vector_load %arg5[%swap3A_358, %swap3A_359] {strides = array<i32>} : memref<16x1024xf32, #tpu.memory_space<vmem>>, vector<1x16xf32>,
      %swap3A_361 = vector.shape_cast %swap3A_360 : vector<1x16xf32> to vector<16xf32>
      %swap3A_362 = vector.shape_cast %get3A_356 : vector<16xf32> to vector<1x16xf32>
      tpu.vector_store %arg5[%swap3A_358, %swap3A_359], %swap3A_362 {add = true, strides = array<i32>} : memref<16x1024xf32, #tpu.memory_space<vmem>>, vector<1x16xf32>,
      %get3A_363 = arith.constant 10 : i32
      %get3A_364 = arith.index_cast %get3A_363 : i32 to index
      %get3A_365 = arith.index_cast %mul3A_254 : i32 to index
      %get3A_366 = tpu.vector_load %arg8[%get3A_364, %get3A_365] {strides = array<i32>} : memref<16x1024xf32, #tpu.memory_space<vmem>>, vector<1x16xf32>,
      %get3A_367 = vector.shape_cast %get3A_366 : vector<1x16xf32> to vector<16xf32>
      %swap3A_368 = arith.constant 10 : i32
      %swap3A_369 = arith.index_cast %swap3A_368 : i32 to index
      %swap3A_370 = arith.index_cast %mul3A_254 : i32 to index
      %swap3A_371 = tpu.vector_load %arg5[%swap3A_369, %swap3A_370] {strides = array<i32>} : memref<16x1024xf32, #tpu.memory_space<vmem>>, vector<1x16xf32>,
      %swap3A_372 = vector.shape_cast %swap3A_371 : vector<1x16xf32> to vector<16xf32>
      %swap3A_373 = vector.shape_cast %get3A_367 : vector<16xf32> to vector<1x16xf32>
      tpu.vector_store %arg5[%swap3A_369, %swap3A_370], %swap3A_373 {add = true, strides = array<i32>} : memref<16x1024xf32, #tpu.memory_space<vmem>>, vector<1x16xf32>,
      %get3A_374 = arith.constant 11 : i32
      %get3A_375 = arith.index_cast %get3A_374 : i32 to index
      %get3A_376 = arith.index_cast %mul3A_254 : i32 to index
      %get3A_377 = tpu.vector_load %arg8[%get3A_375, %get3A_376] {strides = array<i32>} : memref<16x1024xf32, #tpu.memory_space<vmem>>, vector<1x16xf32>,
      %get3A_378 = vector.shape_cast %get3A_377 : vector<1x16xf32> to vector<16xf32>
      %swap3A_379 = arith.constant 11 : i32
      %swap3A_380 = arith.index_cast %swap3A_379 : i32 to index
      %swap3A_381 = arith.index_cast %mul3A_254 : i32 to index
      %swap3A_382 = tpu.vector_load %arg5[%swap3A_380, %swap3A_381] {strides = array<i32>} : memref<16x1024xf32, #tpu.memory_space<vmem>>, vector<1x16xf32>,
      %swap3A_383 = vector.shape_cast %swap3A_382 : vector<1x16xf32> to vector<16xf32>
      %swap3A_384 = vector.shape_cast %get3A_378 : vector<16xf32> to vector<1x16xf32>
      tpu.vector_store %arg5[%swap3A_380, %swap3A_381], %swap3A_384 {add = true, strides = array<i32>} : memref<16x1024xf32, #tpu.memory_space<vmem>>, vector<1x16xf32>,
      %get3A_385 = arith.constant 12 : i32
      %get3A_386 = arith.index_cast %get3A_385 : i32 to index
      %get3A_387 = arith.index_cast %mul3A_254 : i32 to index
      %get3A_388 = tpu.vector_load %arg8[%get3A_386, %get3A_387] {strides = array<i32>} : memref<16x1024xf32, #tpu.memory_space<vmem>>, vector<1x16xf32>,
      %get3A_389 = vector.shape_cast %get3A_388 : vector<1x16xf32> to vector<16xf32>
      %swap3A_390 = arith.constant 12 : i32
      %swap3A_391 = arith.index_cast %swap3A_390 : i32 to index
      %swap3A_392 = arith.index_cast %mul3A_254 : i32 to index
      %swap3A_393 = tpu.vector_load %arg5[%swap3A_391, %swap3A_392] {strides = array<i32>} : memref<16x1024xf32, #tpu.memory_space<vmem>>, vector<1x16xf32>,
      %swap3A_394 = vector.shape_cast %swap3A_393 : vector<1x16xf32> to vector<16xf32>
      %swap3A_395 = vector.shape_cast %get3A_389 : vector<16xf32> to vector<1x16xf32>
      tpu.vector_store %arg5[%swap3A_391, %swap3A_392], %swap3A_395 {add = true, strides = array<i32>} : memref<16x1024xf32, #tpu.memory_space<vmem>>, vector<1x16xf32>,
      %get3A_396 = arith.constant 13 : i32
      %get3A_397 = arith.index_cast %get3A_396 : i32 to index
      %get3A_398 = arith.index_cast %mul3A_254 : i32 to index
      %get3A_399 = tpu.vector_load %arg8[%get3A_397, %get3A_398] {strides = array<i32>} : memref<16x1024xf32, #tpu.memory_space<vmem>>, vector<1x16xf32>,
      %get3A_400 = vector.shape_cast %get3A_399 : vector<1x16xf32> to vector<16xf32>
      %swap3A_401 = arith.constant 13 : i32
      %swap3A_402 = arith.index_cast %swap3A_401 : i32 to index
      %swap3A_403 = arith.index_cast %mul3A_254 : i32 to index
      %swap3A_404 = tpu.vector_load %arg5[%swap3A_402, %swap3A_403] {strides = array<i32>} : memref<16x1024xf32, #tpu.memory_space<vmem>>, vector<1x16xf32>,
      %swap3A_405 = vector.shape_cast %swap3A_404 : vector<1x16xf32> to vector<16xf32>
      %swap3A_406 = vector.shape_cast %get3A_400 : vector<16xf32> to vector<1x16xf32>
      tpu.vector_store %arg5[%swap3A_402, %swap3A_403], %swap3A_406 {add = true, strides = array<i32>} : memref<16x1024xf32, #tpu.memory_space<vmem>>, vector<1x16xf32>,
      %get3A_407 = arith.constant 14 : i32
      %get3A_408 = arith.index_cast %get3A_407 : i32 to index
      %get3A_409 = arith.index_cast %mul3A_254 : i32 to index
      %get3A_410 = tpu.vector_load %arg8[%get3A_408, %get3A_409] {strides = array<i32>} : memref<16x1024xf32, #tpu.memory_space<vmem>>, vector<1x16xf32>,
      %get3A_411 = vector.shape_cast %get3A_410 : vector<1x16xf32> to vector<16xf32>
      %swap3A_412 = arith.constant 14 : i32
      %swap3A_413 = arith.index_cast %swap3A_412 : i32 to index
      %swap3A_414 = arith.index_cast %mul3A_254 : i32 to index
      %swap3A_415 = tpu.vector_load %arg5[%swap3A_413, %swap3A_414] {strides = array<i32>} : memref<16x1024xf32, #tpu.memory_space<vmem>>, vector<1x16xf32>,
      %swap3A_416 = vector.shape_cast %swap3A_415 : vector<1x16xf32> to vector<16xf32>
      %swap3A_417 = vector.shape_cast %get3A_411 : vector<16xf32> to vector<1x16xf32>
      tpu.vector_store %arg5[%swap3A_413, %swap3A_414], %swap3A_417 {add = true, strides = array<i32>} : memref<16x1024xf32, #tpu.memory_space<vmem>>, vector<1x16xf32>,
      %get3A_418 = arith.constant 15 : i32
      %get3A_419 = arith.index_cast %get3A_418 : i32 to index
      %get3A_420 = arith.index_cast %mul3A_254 : i32 to index
      %get3A_421 = tpu.vector_load %arg8[%get3A_419, %get3A_420] {strides = array<i32>} : memref<16x1024xf32, #tpu.memory_space<vmem>>, vector<1x16xf32>,
      %get3A_422 = vector.shape_cast %get3A_421 : vector<1x16xf32> to vector<16xf32>
      %swap3A_423 = arith.constant 15 : i32
      %swap3A_424 = arith.index_cast %swap3A_423 : i32 to index
      %swap3A_425 = arith.index_cast %mul3A_254 : i32 to index
      %swap3A_426 = tpu.vector_load %arg5[%swap3A_424, %swap3A_425] {strides = array<i32>} : memref<16x1024xf32, #tpu.memory_space<vmem>>, vector<1x16xf32>,
      %swap3A_427 = vector.shape_cast %swap3A_426 : vector<1x16xf32> to vector<16xf32>
      %swap3A_428 = vector.shape_cast %get3A_422 : vector<16xf32> to vector<1x16xf32>
      tpu.vector_store %arg5[%swap3A_424, %swap3A_425], %swap3A_428 {add = true, strides = array<i32>} : memref<16x1024xf32, #tpu.memory_space<vmem>>, vector<1x16xf32>,
    }
    %scan3A_53 = arith.constant 64 : i32
    %add3A_54 = arith.constant 0 : i32
    %add3A_55 = arith.addi %mul3A_2, %add3A_54 : i32
    %dma_start3A_56 = arith.constant 0 : i32
    %dma_start3A_57 = tpu.memref_slice %arg4[%add3A_55, %dma_start3A_56] : memref<3072x1024xf32, #tpu.memory_space<hbm>> -> memref<16x1024xf32, #tpu.memory_space<hbm>>
    %dma_start3A_58 = arith.constant 0 : i32
    %dma_start3A_59 = tpu.memref_slice %arg4[%add3A_55, %dma_start3A_58] : memref<3072x1024xf32, #tpu.memory_space<hbm>> -> memref<16x1024xf32, #tpu.memory_space<hbm>>
    tpu.enqueue_dma source(%arg5 : memref<16x1024xf32, #tpu.memory_space<vmem>>) target(%dma_start3A_59 : memref<16x1024xf32, #tpu.memory_space<hbm>>) target_semaphore(%arg17 : memref<!tpu.dma_semaphore, #tpu.memory_space<semaphore_mem>>)
    %add3A_60 = arith.constant 0 : i32
    %add3A_61 = arith.addi %mul3A_2, %add3A_60 : i32
    %dma_wait3A_62 = arith.constant 0 : i32
    %dma_wait3A_63 = tpu.memref_slice %arg4[%add3A_61, %dma_wait3A_62] : memref<3072x1024xf32, #tpu.memory_space<hbm>> -> memref<16x1024xf32, #tpu.memory_space<hbm>>
    %dma_wait3A_64 = arith.constant 0 : i32
    %dma_wait3A_65 = tpu.memref_slice %arg4[%add3A_61, %dma_wait3A_64] : memref<3072x1024xf32, #tpu.memory_space<hbm>> -> memref<16x1024xf32, #tpu.memory_space<hbm>>
    tpu.wait_dma2 semaphore(%arg17 : memref<!tpu.dma_semaphore, #tpu.memory_space<semaphore_mem>>) src(%arg5 : memref<16x1024xf32, #tpu.memory_space<vmem>>) dst(%dma_wait3A_65 : memref<16x1024xf32, #tpu.memory_space<hbm>>)
    %add3A_66 = arith.constant 48 : i32
    %add3A_67 = arith.addi %mul3A_2, %add3A_66 : i32
    %add3A_68 = arith.constant 5120 : i32
    %add3A_69 = arith.addi %add3A_68, %add3A_67 : i32
    %dma_start3A_70 = arith.constant 0 : i32
    %dma_start3A_71 = tpu.memref_slice %arg2[%add3A_69, %dma_start3A_70] : memref<8192x1024xf32, #tpu.memory_space<hbm>> -> memref<16x1024xf32, #tpu.memory_space<hbm>>
    %dma_start3A_72 = arith.constant 0 : i32
    %dma_start3A_73 = tpu.memref_slice %arg2[%add3A_69, %dma_start3A_72] : memref<8192x1024xf32, #tpu.memory_space<hbm>> -> memref<16x1024xf32, #tpu.memory_space<hbm>>
    tpu.enqueue_dma source(%dma_start3A_73 : memref<16x1024xf32, #tpu.memory_space<hbm>>) target(%arg5 : memref<16x1024xf32, #tpu.memory_space<vmem>>) target_semaphore(%arg11 : memref<!tpu.dma_semaphore, #tpu.memory_space<semaphore_mem>>)
    %dma_start3A_74 = arith.constant 0 : i32
    %dma_start3A_75 = tpu.memref_slice %arg3[%add3A_69, %dma_start3A_74] : memref<8192x1024xf32, #tpu.memory_space<hbm>> -> memref<16x1024xf32, #tpu.memory_space<hbm>>
    %dma_start3A_76 = arith.constant 0 : i32
    %dma_start3A_77 = tpu.memref_slice %arg3[%add3A_69, %dma_start3A_76] : memref<8192x1024xf32, #tpu.memory_space<hbm>> -> memref<16x1024xf32, #tpu.memory_space<hbm>>
    tpu.enqueue_dma source(%dma_start3A_77 : memref<16x1024xf32, #tpu.memory_space<hbm>>) target(%arg8 : memref<16x1024xf32, #tpu.memory_space<vmem>>) target_semaphore(%arg14 : memref<!tpu.dma_semaphore, #tpu.memory_space<semaphore_mem>>)
    %add3A_78 = arith.constant 16 : i32
    %add3A_79 = arith.addi %mul3A_2, %add3A_78 : i32
    %add3A_80 = arith.constant 5120 : i32
    %add3A_81 = arith.addi %add3A_80, %add3A_79 : i32
    %dma_wait3A_82 = arith.constant 0 : i32
    %dma_wait3A_83 = tpu.memref_slice %arg2[%add3A_81, %dma_wait3A_82] : memref<8192x1024xf32, #tpu.memory_space<hbm>> -> memref<16x1024xf32, #tpu.memory_space<hbm>>
    %dma_wait3A_84 = arith.constant 0 : i32
    %dma_wait3A_85 = tpu.memref_slice %arg2[%add3A_81, %dma_wait3A_84] : memref<8192x1024xf32, #tpu.memory_space<hbm>> -> memref<16x1024xf32, #tpu.memory_space<hbm>>
    tpu.wait_dma2 semaphore(%arg12 : memref<!tpu.dma_semaphore, #tpu.memory_space<semaphore_mem>>) src(%dma_wait3A_85 : memref<16x1024xf32, #tpu.memory_space<hbm>>) dst(%arg6 : memref<16x1024xf32, #tpu.memory_space<vmem>>)
    %dma_wait3A_86 = arith.constant 0 : i32
    %dma_wait3A_87 = tpu.memref_slice %arg3[%add3A_81, %dma_wait3A_86] : memref<8192x1024xf32, #tpu.memory_space<hbm>> -> memref<16x1024xf32, #tpu.memory_space<hbm>>
    %dma_wait3A_88 = arith.constant 0 : i32
    %dma_wait3A_89 = tpu.memref_slice %arg3[%add3A_81, %dma_wait3A_88] : memref<8192x1024xf32, #tpu.memory_space<hbm>> -> memref<16x1024xf32, #tpu.memory_space<hbm>>
    tpu.wait_dma2 semaphore(%arg15 : memref<!tpu.dma_semaphore, #tpu.memory_space<semaphore_mem>>) src(%dma_wait3A_89 : memref<16x1024xf32, #tpu.memory_space<hbm>>) dst(%arg9 : memref<16x1024xf32, #tpu.memory_space<vmem>>)
    %scan3A_90 = arith.constant 0 : i32
    %scan3A_91 = arith.constant 0 : i32
    %scan3A_92 = arith.constant 64 : i32
    %scan3A_93 = arith.addi %scan3A_91, %scan3A_92 : i32
    %scan3A_94 = arith.constant 1 : i32
    scf.for %scan3A_252 = %scan3A_91 to %scan3A_93 step %scan3A_94  : i32 {
      %mul3A_253 = arith.constant 16 : i32
      %mul3A_254 = arith.muli %scan3A_252, %mul3A_253 : i32
      %get3A = arith.constant 0 : i32
      %get3A_255 = arith.index_cast %get3A : i32 to index
      %get3A_256 = arith.index_cast %mul3A_254 : i32 to index
      %get3A_257 = tpu.vector_load %arg9[%get3A_255, %get3A_256] {strides = array<i32>} : memref<16x1024xf32, #tpu.memory_space<vmem>>, vector<1x16xf32>,
      %get3A_258 = vector.shape_cast %get3A_257 : vector<1x16xf32> to vector<16xf32>
      %swap3A = arith.constant 0 : i32
      %swap3A_259 = arith.index_cast %swap3A : i32 to index
      %swap3A_260 = arith.index_cast %mul3A_254 : i32 to index
      %swap3A_261 = tpu.vector_load %arg6[%swap3A_259, %swap3A_260] {strides = array<i32>} : memref<16x1024xf32, #tpu.memory_space<vmem>>, vector<1x16xf32>,
      %swap3A_262 = vector.shape_cast %swap3A_261 : vector<1x16xf32> to vector<16xf32>
      %swap3A_263 = vector.shape_cast %get3A_258 : vector<16xf32> to vector<1x16xf32>
      tpu.vector_store %arg6[%swap3A_259, %swap3A_260], %swap3A_263 {add = true, strides = array<i32>} : memref<16x1024xf32, #tpu.memory_space<vmem>>, vector<1x16xf32>,
      %get3A_264 = arith.constant 1 : i32
      %get3A_265 = arith.index_cast %get3A_264 : i32 to index
      %get3A_266 = arith.index_cast %mul3A_254 : i32 to index
      %get3A_267 = tpu.vector_load %arg9[%get3A_265, %get3A_266] {strides = array<i32>} : memref<16x1024xf32, #tpu.memory_space<vmem>>, vector<1x16xf32>,
      %get3A_268 = vector.shape_cast %get3A_267 : vector<1x16xf32> to vector<16xf32>
      %swap3A_269 = arith.constant 1 : i32
      %swap3A_270 = arith.index_cast %swap3A_269 : i32 to index
      %swap3A_271 = arith.index_cast %mul3A_254 : i32 to index
      %swap3A_272 = tpu.vector_load %arg6[%swap3A_270, %swap3A_271] {strides = array<i32>} : memref<16x1024xf32, #tpu.memory_space<vmem>>, vector<1x16xf32>,
      %swap3A_273 = vector.shape_cast %swap3A_272 : vector<1x16xf32> to vector<16xf32>
      %swap3A_274 = vector.shape_cast %get3A_268 : vector<16xf32> to vector<1x16xf32>
      tpu.vector_store %arg6[%swap3A_270, %swap3A_271], %swap3A_274 {add = true, strides = array<i32>} : memref<16x1024xf32, #tpu.memory_space<vmem>>, vector<1x16xf32>,
      %get3A_275 = arith.constant 2 : i32
      %get3A_276 = arith.index_cast %get3A_275 : i32 to index
      %get3A_277 = arith.index_cast %mul3A_254 : i32 to index
      %get3A_278 = tpu.vector_load %arg9[%get3A_276, %get3A_277] {strides = array<i32>} : memref<16x1024xf32, #tpu.memory_space<vmem>>, vector<1x16xf32>,
      %get3A_279 = vector.shape_cast %get3A_278 : vector<1x16xf32> to vector<16xf32>
      %swap3A_280 = arith.constant 2 : i32
      %swap3A_281 = arith.index_cast %swap3A_280 : i32 to index
      %swap3A_282 = arith.index_cast %mul3A_254 : i32 to index
      %swap3A_283 = tpu.vector_load %arg6[%swap3A_281, %swap3A_282] {strides = array<i32>} : memref<16x1024xf32, #tpu.memory_space<vmem>>, vector<1x16xf32>,
      %swap3A_284 = vector.shape_cast %swap3A_283 : vector<1x16xf32> to vector<16xf32>
      %swap3A_285 = vector.shape_cast %get3A_279 : vector<16xf32> to vector<1x16xf32>
      tpu.vector_store %arg6[%swap3A_281, %swap3A_282], %swap3A_285 {add = true, strides = array<i32>} : memref<16x1024xf32, #tpu.memory_space<vmem>>, vector<1x16xf32>,
      %get3A_286 = arith.constant 3 : i32
      %get3A_287 = arith.index_cast %get3A_286 : i32 to index
      %get3A_288 = arith.index_cast %mul3A_254 : i32 to index
      %get3A_289 = tpu.vector_load %arg9[%get3A_287, %get3A_288] {strides = array<i32>} : memref<16x1024xf32, #tpu.memory_space<vmem>>, vector<1x16xf32>,
      %get3A_290 = vector.shape_cast %get3A_289 : vector<1x16xf32> to vector<16xf32>
      %swap3A_291 = arith.constant 3 : i32
      %swap3A_292 = arith.index_cast %swap3A_291 : i32 to index
      %swap3A_293 = arith.index_cast %mul3A_254 : i32 to index
      %swap3A_294 = tpu.vector_load %arg6[%swap3A_292, %swap3A_293] {strides = array<i32>} : memref<16x1024xf32, #tpu.memory_space<vmem>>, vector<1x16xf32>,
      %swap3A_295 = vector.shape_cast %swap3A_294 : vector<1x16xf32> to vector<16xf32>
      %swap3A_296 = vector.shape_cast %get3A_290 : vector<16xf32> to vector<1x16xf32>
      tpu.vector_store %arg6[%swap3A_292, %swap3A_293], %swap3A_296 {add = true, strides = array<i32>} : memref<16x1024xf32, #tpu.memory_space<vmem>>, vector<1x16xf32>,
      %get3A_297 = arith.constant 4 : i32
      %get3A_298 = arith.index_cast %get3A_297 : i32 to index
      %get3A_299 = arith.index_cast %mul3A_254 : i32 to index
      %get3A_300 = tpu.vector_load %arg9[%get3A_298, %get3A_299] {strides = array<i32>} : memref<16x1024xf32, #tpu.memory_space<vmem>>, vector<1x16xf32>,
      %get3A_301 = vector.shape_cast %get3A_300 : vector<1x16xf32> to vector<16xf32>
      %swap3A_302 = arith.constant 4 : i32
      %swap3A_303 = arith.index_cast %swap3A_302 : i32 to index
      %swap3A_304 = arith.index_cast %mul3A_254 : i32 to index
      %swap3A_305 = tpu.vector_load %arg6[%swap3A_303, %swap3A_304] {strides = array<i32>} : memref<16x1024xf32, #tpu.memory_space<vmem>>, vector<1x16xf32>,
      %swap3A_306 = vector.shape_cast %swap3A_305 : vector<1x16xf32> to vector<16xf32>
      %swap3A_307 = vector.shape_cast %get3A_301 : vector<16xf32> to vector<1x16xf32>
      tpu.vector_store %arg6[%swap3A_303, %swap3A_304], %swap3A_307 {add = true, strides = array<i32>} : memref<16x1024xf32, #tpu.memory_space<vmem>>, vector<1x16xf32>,
      %get3A_308 = arith.constant 5 : i32
      %get3A_309 = arith.index_cast %get3A_308 : i32 to index
      %get3A_310 = arith.index_cast %mul3A_254 : i32 to index
      %get3A_311 = tpu.vector_load %arg9[%get3A_309, %get3A_310] {strides = array<i32>} : memref<16x1024xf32, #tpu.memory_space<vmem>>, vector<1x16xf32>,
      %get3A_312 = vector.shape_cast %get3A_311 : vector<1x16xf32> to vector<16xf32>
      %swap3A_313 = arith.constant 5 : i32
      %swap3A_314 = arith.index_cast %swap3A_313 : i32 to index
      %swap3A_315 = arith.index_cast %mul3A_254 : i32 to index
      %swap3A_316 = tpu.vector_load %arg6[%swap3A_314, %swap3A_315] {strides = array<i32>} : memref<16x1024xf32, #tpu.memory_space<vmem>>, vector<1x16xf32>,
      %swap3A_317 = vector.shape_cast %swap3A_316 : vector<1x16xf32> to vector<16xf32>
      %swap3A_318 = vector.shape_cast %get3A_312 : vector<16xf32> to vector<1x16xf32>
      tpu.vector_store %arg6[%swap3A_314, %swap3A_315], %swap3A_318 {add = true, strides = array<i32>} : memref<16x1024xf32, #tpu.memory_space<vmem>>, vector<1x16xf32>,
      %get3A_319 = arith.constant 6 : i32
      %get3A_320 = arith.index_cast %get3A_319 : i32 to index
      %get3A_321 = arith.index_cast %mul3A_254 : i32 to index
      %get3A_322 = tpu.vector_load %arg9[%get3A_320, %get3A_321] {strides = array<i32>} : memref<16x1024xf32, #tpu.memory_space<vmem>>, vector<1x16xf32>,
      %get3A_323 = vector.shape_cast %get3A_322 : vector<1x16xf32> to vector<16xf32>
      %swap3A_324 = arith.constant 6 : i32
      %swap3A_325 = arith.index_cast %swap3A_324 : i32 to index
      %swap3A_326 = arith.index_cast %mul3A_254 : i32 to index
      %swap3A_327 = tpu.vector_load %arg6[%swap3A_325, %swap3A_326] {strides = array<i32>} : memref<16x1024xf32, #tpu.memory_space<vmem>>, vector<1x16xf32>,
      %swap3A_328 = vector.shape_cast %swap3A_327 : vector<1x16xf32> to vector<16xf32>
      %swap3A_329 = vector.shape_cast %get3A_323 : vector<16xf32> to vector<1x16xf32>
      tpu.vector_store %arg6[%swap3A_325, %swap3A_326], %swap3A_329 {add = true, strides = array<i32>} : memref<16x1024xf32, #tpu.memory_space<vmem>>, vector<1x16xf32>,
      %get3A_330 = arith.constant 7 : i32
      %get3A_331 = arith.index_cast %get3A_330 : i32 to index
      %get3A_332 = arith.index_cast %mul3A_254 : i32 to index
      %get3A_333 = tpu.vector_load %arg9[%get3A_331, %get3A_332] {strides = array<i32>} : memref<16x1024xf32, #tpu.memory_space<vmem>>, vector<1x16xf32>,
      %get3A_334 = vector.shape_cast %get3A_333 : vector<1x16xf32> to vector<16xf32>
      %swap3A_335 = arith.constant 7 : i32
      %swap3A_336 = arith.index_cast %swap3A_335 : i32 to index
      %swap3A_337 = arith.index_cast %mul3A_254 : i32 to index
      %swap3A_338 = tpu.vector_load %arg6[%swap3A_336, %swap3A_337] {strides = array<i32>} : memref<16x1024xf32, #tpu.memory_space<vmem>>, vector<1x16xf32>,
      %swap3A_339 = vector.shape_cast %swap3A_338 : vector<1x16xf32> to vector<16xf32>
      %swap3A_340 = vector.shape_cast %get3A_334 : vector<16xf32> to vector<1x16xf32>
      tpu.vector_store %arg6[%swap3A_336, %swap3A_337], %swap3A_340 {add = true, strides = array<i32>} : memref<16x1024xf32, #tpu.memory_space<vmem>>, vector<1x16xf32>,
      %get3A_341 = arith.constant 8 : i32
      %get3A_342 = arith.index_cast %get3A_341 : i32 to index
      %get3A_343 = arith.index_cast %mul3A_254 : i32 to index
      %get3A_344 = tpu.vector_load %arg9[%get3A_342, %get3A_343] {strides = array<i32>} : memref<16x1024xf32, #tpu.memory_space<vmem>>, vector<1x16xf32>,
      %get3A_345 = vector.shape_cast %get3A_344 : vector<1x16xf32> to vector<16xf32>
      %swap3A_346 = arith.constant 8 : i32
      %swap3A_347 = arith.index_cast %swap3A_346 : i32 to index
      %swap3A_348 = arith.index_cast %mul3A_254 : i32 to index
      %swap3A_349 = tpu.vector_load %arg6[%swap3A_347, %swap3A_348] {strides = array<i32>} : memref<16x1024xf32, #tpu.memory_space<vmem>>, vector<1x16xf32>,
      %swap3A_350 = vector.shape_cast %swap3A_349 : vector<1x16xf32> to vector<16xf32>
      %swap3A_351 = vector.shape_cast %get3A_345 : vector<16xf32> to vector<1x16xf32>
      tpu.vector_store %arg6[%swap3A_347, %swap3A_348], %swap3A_351 {add = true, strides = array<i32>} : memref<16x1024xf32, #tpu.memory_space<vmem>>, vector<1x16xf32>,
      %get3A_352 = arith.constant 9 : i32
      %get3A_353 = arith.index_cast %get3A_352 : i32 to index
      %get3A_354 = arith.index_cast %mul3A_254 : i32 to index
      %get3A_355 = tpu.vector_load %arg9[%get3A_353, %get3A_354] {strides = array<i32>} : memref<16x1024xf32, #tpu.memory_space<vmem>>, vector<1x16xf32>,
      %get3A_356 = vector.shape_cast %get3A_355 : vector<1x16xf32> to vector<16xf32>
      %swap3A_357 = arith.constant 9 : i32
      %swap3A_358 = arith.index_cast %swap3A_357 : i32 to index
      %swap3A_359 = arith.index_cast %mul3A_254 : i32 to index
      %swap3A_360 = tpu.vector_load %arg6[%swap3A_358, %swap3A_359] {strides = array<i32>} : memref<16x1024xf32, #tpu.memory_space<vmem>>, vector<1x16xf32>,
      %swap3A_361 = vector.shape_cast %swap3A_360 : vector<1x16xf32> to vector<16xf32>
      %swap3A_362 = vector.shape_cast %get3A_356 : vector<16xf32> to vector<1x16xf32>
      tpu.vector_store %arg6[%swap3A_358, %swap3A_359], %swap3A_362 {add = true, strides = array<i32>} : memref<16x1024xf32, #tpu.memory_space<vmem>>, vector<1x16xf32>,
      %get3A_363 = arith.constant 10 : i32
      %get3A_364 = arith.index_cast %get3A_363 : i32 to index
      %get3A_365 = arith.index_cast %mul3A_254 : i32 to index
      %get3A_366 = tpu.vector_load %arg9[%get3A_364, %get3A_365] {strides = array<i32>} : memref<16x1024xf32, #tpu.memory_space<vmem>>, vector<1x16xf32>,
      %get3A_367 = vector.shape_cast %get3A_366 : vector<1x16xf32> to vector<16xf32>
      %swap3A_368 = arith.constant 10 : i32
      %swap3A_369 = arith.index_cast %swap3A_368 : i32 to index
      %swap3A_370 = arith.index_cast %mul3A_254 : i32 to index
      %swap3A_371 = tpu.vector_load %arg6[%swap3A_369, %swap3A_370] {strides = array<i32>} : memref<16x1024xf32, #tpu.memory_space<vmem>>, vector<1x16xf32>,
      %swap3A_372 = vector.shape_cast %swap3A_371 : vector<1x16xf32> to vector<16xf32>
      %swap3A_373 = vector.shape_cast %get3A_367 : vector<16xf32> to vector<1x16xf32>
      tpu.vector_store %arg6[%swap3A_369, %swap3A_370], %swap3A_373 {add = true, strides = array<i32>} : memref<16x1024xf32, #tpu.memory_space<vmem>>, vector<1x16xf32>,
      %get3A_374 = arith.constant 11 : i32
      %get3A_375 = arith.index_cast %get3A_374 : i32 to index
      %get3A_376 = arith.index_cast %mul3A_254 : i32 to index
      %get3A_377 = tpu.vector_load %arg9[%get3A_375, %get3A_376] {strides = array<i32>} : memref<16x1024xf32, #tpu.memory_space<vmem>>, vector<1x16xf32>,
      %get3A_378 = vector.shape_cast %get3A_377 : vector<1x16xf32> to vector<16xf32>
      %swap3A_379 = arith.constant 11 : i32
      %swap3A_380 = arith.index_cast %swap3A_379 : i32 to index
      %swap3A_381 = arith.index_cast %mul3A_254 : i32 to index
      %swap3A_382 = tpu.vector_load %arg6[%swap3A_380, %swap3A_381] {strides = array<i32>} : memref<16x1024xf32, #tpu.memory_space<vmem>>, vector<1x16xf32>,
      %swap3A_383 = vector.shape_cast %swap3A_382 : vector<1x16xf32> to vector<16xf32>
      %swap3A_384 = vector.shape_cast %get3A_378 : vector<16xf32> to vector<1x16xf32>
      tpu.vector_store %arg6[%swap3A_380, %swap3A_381], %swap3A_384 {add = true, strides = array<i32>} : memref<16x1024xf32, #tpu.memory_space<vmem>>, vector<1x16xf32>,
      %get3A_385 = arith.constant 12 : i32
      %get3A_386 = arith.index_cast %get3A_385 : i32 to index
      %get3A_387 = arith.index_cast %mul3A_254 : i32 to index
      %get3A_388 = tpu.vector_load %arg9[%get3A_386, %get3A_387] {strides = array<i32>} : memref<16x1024xf32, #tpu.memory_space<vmem>>, vector<1x16xf32>,
      %get3A_389 = vector.shape_cast %get3A_388 : vector<1x16xf32> to vector<16xf32>
      %swap3A_390 = arith.constant 12 : i32
      %swap3A_391 = arith.index_cast %swap3A_390 : i32 to index
      %swap3A_392 = arith.index_cast %mul3A_254 : i32 to index
      %swap3A_393 = tpu.vector_load %arg6[%swap3A_391, %swap3A_392] {strides = array<i32>} : memref<16x1024xf32, #tpu.memory_space<vmem>>, vector<1x16xf32>,
      %swap3A_394 = vector.shape_cast %swap3A_393 : vector<1x16xf32> to vector<16xf32>
      %swap3A_395 = vector.shape_cast %get3A_389 : vector<16xf32> to vector<1x16xf32>
      tpu.vector_store %arg6[%swap3A_391, %swap3A_392], %swap3A_395 {add = true, strides = array<i32>} : memref<16x1024xf32, #tpu.memory_space<vmem>>, vector<1x16xf32>,
      %get3A_396 = arith.constant 13 : i32
      %get3A_397 = arith.index_cast %get3A_396 : i32 to index
      %get3A_398 = arith.index_cast %mul3A_254 : i32 to index
      %get3A_399 = tpu.vector_load %arg9[%get3A_397, %get3A_398] {strides = array<i32>} : memref<16x1024xf32, #tpu.memory_space<vmem>>, vector<1x16xf32>,
      %get3A_400 = vector.shape_cast %get3A_399 : vector<1x16xf32> to vector<16xf32>
      %swap3A_401 = arith.constant 13 : i32
      %swap3A_402 = arith.index_cast %swap3A_401 : i32 to index
      %swap3A_403 = arith.index_cast %mul3A_254 : i32 to index
      %swap3A_404 = tpu.vector_load %arg6[%swap3A_402, %swap3A_403] {strides = array<i32>} : memref<16x1024xf32, #tpu.memory_space<vmem>>, vector<1x16xf32>,
      %swap3A_405 = vector.shape_cast %swap3A_404 : vector<1x16xf32> to vector<16xf32>
      %swap3A_406 = vector.shape_cast %get3A_400 : vector<16xf32> to vector<1x16xf32>
      tpu.vector_store %arg6[%swap3A_402, %swap3A_403], %swap3A_406 {add = true, strides = array<i32>} : memref<16x1024xf32, #tpu.memory_space<vmem>>, vector<1x16xf32>,
      %get3A_407 = arith.constant 14 : i32
      %get3A_408 = arith.index_cast %get3A_407 : i32 to index
      %get3A_409 = arith.index_cast %mul3A_254 : i32 to index
      %get3A_410 = tpu.vector_load %arg9[%get3A_408, %get3A_409] {strides = array<i32>} : memref<16x1024xf32, #tpu.memory_space<vmem>>, vector<1x16xf32>,
      %get3A_411 = vector.shape_cast %get3A_410 : vector<1x16xf32> to vector<16xf32>
      %swap3A_412 = arith.constant 14 : i32
      %swap3A_413 = arith.index_cast %swap3A_412 : i32 to index
      %swap3A_414 = arith.index_cast %mul3A_254 : i32 to index
      %swap3A_415 = tpu.vector_load %arg6[%swap3A_413, %swap3A_414] {strides = array<i32>} : memref<16x1024xf32, #tpu.memory_space<vmem>>, vector<1x16xf32>,
      %swap3A_416 = vector.shape_cast %swap3A_415 : vector<1x16xf32> to vector<16xf32>
      %swap3A_417 = vector.shape_cast %get3A_411 : vector<16xf32> to vector<1x16xf32>
      tpu.vector_store %arg6[%swap3A_413, %swap3A_414], %swap3A_417 {add = true, strides = array<i32>} : memref<16x1024xf32, #tpu.memory_space<vmem>>, vector<1x16xf32>,
      %get3A_418 = arith.constant 15 : i32
      %get3A_419 = arith.index_cast %get3A_418 : i32 to index
      %get3A_420 = arith.index_cast %mul3A_254 : i32 to index
      %get3A_421 = tpu.vector_load %arg9[%get3A_419, %get3A_420] {strides = array<i32>} : memref<16x1024xf32, #tpu.memory_space<vmem>>, vector<1x16xf32>,
      %get3A_422 = vector.shape_cast %get3A_421 : vector<1x16xf32> to vector<16xf32>
      %swap3A_423 = arith.constant 15 : i32
      %swap3A_424 = arith.index_cast %swap3A_423 : i32 to index
      %swap3A_425 = arith.index_cast %mul3A_254 : i32 to index
      %swap3A_426 = tpu.vector_load %arg6[%swap3A_424, %swap3A_425] {strides = array<i32>} : memref<16x1024xf32, #tpu.memory_space<vmem>>, vector<1x16xf32>,
      %swap3A_427 = vector.shape_cast %swap3A_426 : vector<1x16xf32> to vector<16xf32>
      %swap3A_428 = vector.shape_cast %get3A_422 : vector<16xf32> to vector<1x16xf32>
      tpu.vector_store %arg6[%swap3A_424, %swap3A_425], %swap3A_428 {add = true, strides = array<i32>} : memref<16x1024xf32, #tpu.memory_space<vmem>>, vector<1x16xf32>,
    }
    %scan3A_95 = arith.constant 64 : i32
    %add3A_96 = arith.constant 16 : i32
    %add3A_97 = arith.addi %mul3A_2, %add3A_96 : i32
    %dma_start3A_98 = arith.constant 0 : i32
    %dma_start3A_99 = tpu.memref_slice %arg4[%add3A_97, %dma_start3A_98] : memref<3072x1024xf32, #tpu.memory_space<hbm>> -> memref<16x1024xf32, #tpu.memory_space<hbm>>
    %dma_start3A_100 = arith.constant 0 : i32
    %dma_start3A_101 = tpu.memref_slice %arg4[%add3A_97, %dma_start3A_100] : memref<3072x1024xf32, #tpu.memory_space<hbm>> -> memref<16x1024xf32, #tpu.memory_space<hbm>>
    tpu.enqueue_dma source(%arg6 : memref<16x1024xf32, #tpu.memory_space<vmem>>) target(%dma_start3A_101 : memref<16x1024xf32, #tpu.memory_space<hbm>>) target_semaphore(%arg18 : memref<!tpu.dma_semaphore, #tpu.memory_space<semaphore_mem>>)
    %add3A_102 = arith.constant 16 : i32
    %add3A_103 = arith.addi %mul3A_2, %add3A_102 : i32
    %dma_wait3A_104 = arith.constant 0 : i32
    %dma_wait3A_105 = tpu.memref_slice %arg4[%add3A_103, %dma_wait3A_104] : memref<3072x1024xf32, #tpu.memory_space<hbm>> -> memref<16x1024xf32, #tpu.memory_space<hbm>>
    %dma_wait3A_106 = arith.constant 0 : i32
    %dma_wait3A_107 = tpu.memref_slice %arg4[%add3A_103, %dma_wait3A_106] : memref<3072x1024xf32, #tpu.memory_space<hbm>> -> memref<16x1024xf32, #tpu.memory_space<hbm>>
    tpu.wait_dma2 semaphore(%arg18 : memref<!tpu.dma_semaphore, #tpu.memory_space<semaphore_mem>>) src(%arg6 : memref<16x1024xf32, #tpu.memory_space<vmem>>) dst(%dma_wait3A_107 : memref<16x1024xf32, #tpu.memory_space<hbm>>)
    %add3A_108 = arith.constant 64 : i32
    %add3A_109 = arith.addi %mul3A_2, %add3A_108 : i32
    %add3A_110 = arith.constant 5120 : i32
    %add3A_111 = arith.addi %add3A_110, %add3A_109 : i32
    %dma_start3A_112 = arith.constant 0 : i32
    %dma_start3A_113 = tpu.memref_slice %arg2[%add3A_111, %dma_start3A_112] : memref<8192x1024xf32, #tpu.memory_space<hbm>> -> memref<16x1024xf32, #tpu.memory_space<hbm>>
    %dma_start3A_114 = arith.constant 0 : i32
    %dma_start3A_115 = tpu.memref_slice %arg2[%add3A_111, %dma_start3A_114] : memref<8192x1024xf32, #tpu.memory_space<hbm>> -> memref<16x1024xf32, #tpu.memory_space<hbm>>
    tpu.enqueue_dma source(%dma_start3A_115 : memref<16x1024xf32, #tpu.memory_space<hbm>>) target(%arg6 : memref<16x1024xf32, #tpu.memory_space<vmem>>) target_semaphore(%arg12 : memref<!tpu.dma_semaphore, #tpu.memory_space<semaphore_mem>>)
    %dma_start3A_116 = arith.constant 0 : i32
    %dma_start3A_117 = tpu.memref_slice %arg3[%add3A_111, %dma_start3A_116] : memref<8192x1024xf32, #tpu.memory_space<hbm>> -> memref<16x1024xf32, #tpu.memory_space<hbm>>
    %dma_start3A_118 = arith.constant 0 : i32
    %dma_start3A_119 = tpu.memref_slice %arg3[%add3A_111, %dma_start3A_118] : memref<8192x1024xf32, #tpu.memory_space<hbm>> -> memref<16x1024xf32, #tpu.memory_space<hbm>>
    tpu.enqueue_dma source(%dma_start3A_119 : memref<16x1024xf32, #tpu.memory_space<hbm>>) target(%arg9 : memref<16x1024xf32, #tpu.memory_space<vmem>>) target_semaphore(%arg15 : memref<!tpu.dma_semaphore, #tpu.memory_space<semaphore_mem>>)
    %add3A_120 = arith.constant 32 : i32
    %add3A_121 = arith.addi %mul3A_2, %add3A_120 : i32
    %add3A_122 = arith.constant 5120 : i32
    %add3A_123 = arith.addi %add3A_122, %add3A_121 : i32
    %dma_wait3A_124 = arith.constant 0 : i32
    %dma_wait3A_125 = tpu.memref_slice %arg2[%add3A_123, %dma_wait3A_124] : memref<8192x1024xf32, #tpu.memory_space<hbm>> -> memref<16x1024xf32, #tpu.memory_space<hbm>>
    %dma_wait3A_126 = arith.constant 0 : i32
    %dma_wait3A_127 = tpu.memref_slice %arg2[%add3A_123, %dma_wait3A_126] : memref<8192x1024xf32, #tpu.memory_space<hbm>> -> memref<16x1024xf32, #tpu.memory_space<hbm>>
    tpu.wait_dma2 semaphore(%arg13 : memref<!tpu.dma_semaphore, #tpu.memory_space<semaphore_mem>>) src(%dma_wait3A_127 : memref<16x1024xf32, #tpu.memory_space<hbm>>) dst(%arg7 : memref<16x1024xf32, #tpu.memory_space<vmem>>)
    %dma_wait3A_128 = arith.constant 0 : i32
    %dma_wait3A_129 = tpu.memref_slice %arg3[%add3A_123, %dma_wait3A_128] : memref<8192x1024xf32, #tpu.memory_space<hbm>> -> memref<16x1024xf32, #tpu.memory_space<hbm>>
    %dma_wait3A_130 = arith.constant 0 : i32
    %dma_wait3A_131 = tpu.memref_slice %arg3[%add3A_123, %dma_wait3A_130] : memref<8192x1024xf32, #tpu.memory_space<hbm>> -> memref<16x1024xf32, #tpu.memory_space<hbm>>
    tpu.wait_dma2 semaphore(%arg16 : memref<!tpu.dma_semaphore, #tpu.memory_space<semaphore_mem>>) src(%dma_wait3A_131 : memref<16x1024xf32, #tpu.memory_space<hbm>>) dst(%arg10 : memref<16x1024xf32, #tpu.memory_space<vmem>>)
    %scan3A_132 = arith.constant 0 : i32
    %scan3A_133 = arith.constant 0 : i32
    %scan3A_134 = arith.constant 64 : i32
    %scan3A_135 = arith.addi %scan3A_133, %scan3A_134 : i32
    %scan3A_136 = arith.constant 1 : i32
    scf.for %scan3A_252 = %scan3A_133 to %scan3A_135 step %scan3A_136  : i32 {
      %mul3A_253 = arith.constant 16 : i32
      %mul3A_254 = arith.muli %scan3A_252, %mul3A_253 : i32
      %get3A = arith.constant 0 : i32
      %get3A_255 = arith.index_cast %get3A : i32 to index
      %get3A_256 = arith.index_cast %mul3A_254 : i32 to index
      %get3A_257 = tpu.vector_load %arg10[%get3A_255, %get3A_256] {strides = array<i32>} : memref<16x1024xf32, #tpu.memory_space<vmem>>, vector<1x16xf32>,
      %get3A_258 = vector.shape_cast %get3A_257 : vector<1x16xf32> to vector<16xf32>
      %swap3A = arith.constant 0 : i32
      %swap3A_259 = arith.index_cast %swap3A : i32 to index
      %swap3A_260 = arith.index_cast %mul3A_254 : i32 to index
      %swap3A_261 = tpu.vector_load %arg7[%swap3A_259, %swap3A_260] {strides = array<i32>} : memref<16x1024xf32, #tpu.memory_space<vmem>>, vector<1x16xf32>,
      %swap3A_262 = vector.shape_cast %swap3A_261 : vector<1x16xf32> to vector<16xf32>
      %swap3A_263 = vector.shape_cast %get3A_258 : vector<16xf32> to vector<1x16xf32>
      tpu.vector_store %arg7[%swap3A_259, %swap3A_260], %swap3A_263 {add = true, strides = array<i32>} : memref<16x1024xf32, #tpu.memory_space<vmem>>, vector<1x16xf32>,
      %get3A_264 = arith.constant 1 : i32
      %get3A_265 = arith.index_cast %get3A_264 : i32 to index
      %get3A_266 = arith.index_cast %mul3A_254 : i32 to index
      %get3A_267 = tpu.vector_load %arg10[%get3A_265, %get3A_266] {strides = array<i32>} : memref<16x1024xf32, #tpu.memory_space<vmem>>, vector<1x16xf32>,
      %get3A_268 = vector.shape_cast %get3A_267 : vector<1x16xf32> to vector<16xf32>
      %swap3A_269 = arith.constant 1 : i32
      %swap3A_270 = arith.index_cast %swap3A_269 : i32 to index
      %swap3A_271 = arith.index_cast %mul3A_254 : i32 to index
      %swap3A_272 = tpu.vector_load %arg7[%swap3A_270, %swap3A_271] {strides = array<i32>} : memref<16x1024xf32, #tpu.memory_space<vmem>>, vector<1x16xf32>,
      %swap3A_273 = vector.shape_cast %swap3A_272 : vector<1x16xf32> to vector<16xf32>
      %swap3A_274 = vector.shape_cast %get3A_268 : vector<16xf32> to vector<1x16xf32>
      tpu.vector_store %arg7[%swap3A_270, %swap3A_271], %swap3A_274 {add = true, strides = array<i32>} : memref<16x1024xf32, #tpu.memory_space<vmem>>, vector<1x16xf32>,
      %get3A_275 = arith.constant 2 : i32
      %get3A_276 = arith.index_cast %get3A_275 : i32 to index
      %get3A_277 = arith.index_cast %mul3A_254 : i32 to index
      %get3A_278 = tpu.vector_load %arg10[%get3A_276, %get3A_277] {strides = array<i32>} : memref<16x1024xf32, #tpu.memory_space<vmem>>, vector<1x16xf32>,
      %get3A_279 = vector.shape_cast %get3A_278 : vector<1x16xf32> to vector<16xf32>
      %swap3A_280 = arith.constant 2 : i32
      %swap3A_281 = arith.index_cast %swap3A_280 : i32 to index
      %swap3A_282 = arith.index_cast %mul3A_254 : i32 to index
      %swap3A_283 = tpu.vector_load %arg7[%swap3A_281, %swap3A_282] {strides = array<i32>} : memref<16x1024xf32, #tpu.memory_space<vmem>>, vector<1x16xf32>,
      %swap3A_284 = vector.shape_cast %swap3A_283 : vector<1x16xf32> to vector<16xf32>
      %swap3A_285 = vector.shape_cast %get3A_279 : vector<16xf32> to vector<1x16xf32>
      tpu.vector_store %arg7[%swap3A_281, %swap3A_282], %swap3A_285 {add = true, strides = array<i32>} : memref<16x1024xf32, #tpu.memory_space<vmem>>, vector<1x16xf32>,
      %get3A_286 = arith.constant 3 : i32
      %get3A_287 = arith.index_cast %get3A_286 : i32 to index
      %get3A_288 = arith.index_cast %mul3A_254 : i32 to index
      %get3A_289 = tpu.vector_load %arg10[%get3A_287, %get3A_288] {strides = array<i32>} : memref<16x1024xf32, #tpu.memory_space<vmem>>, vector<1x16xf32>,
      %get3A_290 = vector.shape_cast %get3A_289 : vector<1x16xf32> to vector<16xf32>
      %swap3A_291 = arith.constant 3 : i32
      %swap3A_292 = arith.index_cast %swap3A_291 : i32 to index
      %swap3A_293 = arith.index_cast %mul3A_254 : i32 to index
      %swap3A_294 = tpu.vector_load %arg7[%swap3A_292, %swap3A_293] {strides = array<i32>} : memref<16x1024xf32, #tpu.memory_space<vmem>>, vector<1x16xf32>,
      %swap3A_295 = vector.shape_cast %swap3A_294 : vector<1x16xf32> to vector<16xf32>
      %swap3A_296 = vector.shape_cast %get3A_290 : vector<16xf32> to vector<1x16xf32>
      tpu.vector_store %arg7[%swap3A_292, %swap3A_293], %swap3A_296 {add = true, strides = array<i32>} : memref<16x1024xf32, #tpu.memory_space<vmem>>, vector<1x16xf32>,
      %get3A_297 = arith.constant 4 : i32
      %get3A_298 = arith.index_cast %get3A_297 : i32 to index
      %get3A_299 = arith.index_cast %mul3A_254 : i32 to index
      %get3A_300 = tpu.vector_load %arg10[%get3A_298, %get3A_299] {strides = array<i32>} : memref<16x1024xf32, #tpu.memory_space<vmem>>, vector<1x16xf32>,
      %get3A_301 = vector.shape_cast %get3A_300 : vector<1x16xf32> to vector<16xf32>
      %swap3A_302 = arith.constant 4 : i32
      %swap3A_303 = arith.index_cast %swap3A_302 : i32 to index
      %swap3A_304 = arith.index_cast %mul3A_254 : i32 to index
      %swap3A_305 = tpu.vector_load %arg7[%swap3A_303, %swap3A_304] {strides = array<i32>} : memref<16x1024xf32, #tpu.memory_space<vmem>>, vector<1x16xf32>,
      %swap3A_306 = vector.shape_cast %swap3A_305 : vector<1x16xf32> to vector<16xf32>
      %swap3A_307 = vector.shape_cast %get3A_301 : vector<16xf32> to vector<1x16xf32>
      tpu.vector_store %arg7[%swap3A_303, %swap3A_304], %swap3A_307 {add = true, strides = array<i32>} : memref<16x1024xf32, #tpu.memory_space<vmem>>, vector<1x16xf32>,
      %get3A_308 = arith.constant 5 : i32
      %get3A_309 = arith.index_cast %get3A_308 : i32 to index
      %get3A_310 = arith.index_cast %mul3A_254 : i32 to index
      %get3A_311 = tpu.vector_load %arg10[%get3A_309, %get3A_310] {strides = array<i32>} : memref<16x1024xf32, #tpu.memory_space<vmem>>, vector<1x16xf32>,
      %get3A_312 = vector.shape_cast %get3A_311 : vector<1x16xf32> to vector<16xf32>
      %swap3A_313 = arith.constant 5 : i32
      %swap3A_314 = arith.index_cast %swap3A_313 : i32 to index
      %swap3A_315 = arith.index_cast %mul3A_254 : i32 to index
      %swap3A_316 = tpu.vector_load %arg7[%swap3A_314, %swap3A_315] {strides = array<i32>} : memref<16x1024xf32, #tpu.memory_space<vmem>>, vector<1x16xf32>,
      %swap3A_317 = vector.shape_cast %swap3A_316 : vector<1x16xf32> to vector<16xf32>
      %swap3A_318 = vector.shape_cast %get3A_312 : vector<16xf32> to vector<1x16xf32>
      tpu.vector_store %arg7[%swap3A_314, %swap3A_315], %swap3A_318 {add = true, strides = array<i32>} : memref<16x1024xf32, #tpu.memory_space<vmem>>, vector<1x16xf32>,
      %get3A_319 = arith.constant 6 : i32
      %get3A_320 = arith.index_cast %get3A_319 : i32 to index
      %get3A_321 = arith.index_cast %mul3A_254 : i32 to index
      %get3A_322 = tpu.vector_load %arg10[%get3A_320, %get3A_321] {strides = array<i32>} : memref<16x1024xf32, #tpu.memory_space<vmem>>, vector<1x16xf32>,
      %get3A_323 = vector.shape_cast %get3A_322 : vector<1x16xf32> to vector<16xf32>
      %swap3A_324 = arith.constant 6 : i32
      %swap3A_325 = arith.index_cast %swap3A_324 : i32 to index
      %swap3A_326 = arith.index_cast %mul3A_254 : i32 to index
      %swap3A_327 = tpu.vector_load %arg7[%swap3A_325, %swap3A_326] {strides = array<i32>} : memref<16x1024xf32, #tpu.memory_space<vmem>>, vector<1x16xf32>,
      %swap3A_328 = vector.shape_cast %swap3A_327 : vector<1x16xf32> to vector<16xf32>
      %swap3A_329 = vector.shape_cast %get3A_323 : vector<16xf32> to vector<1x16xf32>
      tpu.vector_store %arg7[%swap3A_325, %swap3A_326], %swap3A_329 {add = true, strides = array<i32>} : memref<16x1024xf32, #tpu.memory_space<vmem>>, vector<1x16xf32>,
      %get3A_330 = arith.constant 7 : i32
      %get3A_331 = arith.index_cast %get3A_330 : i32 to index
      %get3A_332 = arith.index_cast %mul3A_254 : i32 to index
      %get3A_333 = tpu.vector_load %arg10[%get3A_331, %get3A_332] {strides = array<i32>} : memref<16x1024xf32, #tpu.memory_space<vmem>>, vector<1x16xf32>,
      %get3A_334 = vector.shape_cast %get3A_333 : vector<1x16xf32> to vector<16xf32>
      %swap3A_335 = arith.constant 7 : i32
      %swap3A_336 = arith.index_cast %swap3A_335 : i32 to index
      %swap3A_337 = arith.index_cast %mul3A_254 : i32 to index
      %swap3A_338 = tpu.vector_load %arg7[%swap3A_336, %swap3A_337] {strides = array<i32>} : memref<16x1024xf32, #tpu.memory_space<vmem>>, vector<1x16xf32>,
      %swap3A_339 = vector.shape_cast %swap3A_338 : vector<1x16xf32> to vector<16xf32>
      %swap3A_340 = vector.shape_cast %get3A_334 : vector<16xf32> to vector<1x16xf32>
      tpu.vector_store %arg7[%swap3A_336, %swap3A_337], %swap3A_340 {add = true, strides = array<i32>} : memref<16x1024xf32, #tpu.memory_space<vmem>>, vector<1x16xf32>,
      %get3A_341 = arith.constant 8 : i32
      %get3A_342 = arith.index_cast %get3A_341 : i32 to index
      %get3A_343 = arith.index_cast %mul3A_254 : i32 to index
      %get3A_344 = tpu.vector_load %arg10[%get3A_342, %get3A_343] {strides = array<i32>} : memref<16x1024xf32, #tpu.memory_space<vmem>>, vector<1x16xf32>,
      %get3A_345 = vector.shape_cast %get3A_344 : vector<1x16xf32> to vector<16xf32>
      %swap3A_346 = arith.constant 8 : i32
      %swap3A_347 = arith.index_cast %swap3A_346 : i32 to index
      %swap3A_348 = arith.index_cast %mul3A_254 : i32 to index
      %swap3A_349 = tpu.vector_load %arg7[%swap3A_347, %swap3A_348] {strides = array<i32>} : memref<16x1024xf32, #tpu.memory_space<vmem>>, vector<1x16xf32>,
      %swap3A_350 = vector.shape_cast %swap3A_349 : vector<1x16xf32> to vector<16xf32>
      %swap3A_351 = vector.shape_cast %get3A_345 : vector<16xf32> to vector<1x16xf32>
      tpu.vector_store %arg7[%swap3A_347, %swap3A_348], %swap3A_351 {add = true, strides = array<i32>} : memref<16x1024xf32, #tpu.memory_space<vmem>>, vector<1x16xf32>,
      %get3A_352 = arith.constant 9 : i32
      %get3A_353 = arith.index_cast %get3A_352 : i32 to index
      %get3A_354 = arith.index_cast %mul3A_254 : i32 to index
      %get3A_355 = tpu.vector_load %arg10[%get3A_353, %get3A_354] {strides = array<i32>} : memref<16x1024xf32, #tpu.memory_space<vmem>>, vector<1x16xf32>,
      %get3A_356 = vector.shape_cast %get3A_355 : vector<1x16xf32> to vector<16xf32>
      %swap3A_357 = arith.constant 9 : i32
      %swap3A_358 = arith.index_cast %swap3A_357 : i32 to index
      %swap3A_359 = arith.index_cast %mul3A_254 : i32 to index
      %swap3A_360 = tpu.vector_load %arg7[%swap3A_358, %swap3A_359] {strides = array<i32>} : memref<16x1024xf32, #tpu.memory_space<vmem>>, vector<1x16xf32>,
      %swap3A_361 = vector.shape_cast %swap3A_360 : vector<1x16xf32> to vector<16xf32>
      %swap3A_362 = vector.shape_cast %get3A_356 : vector<16xf32> to vector<1x16xf32>
      tpu.vector_store %arg7[%swap3A_358, %swap3A_359], %swap3A_362 {add = true, strides = array<i32>} : memref<16x1024xf32, #tpu.memory_space<vmem>>, vector<1x16xf32>,
      %get3A_363 = arith.constant 10 : i32
      %get3A_364 = arith.index_cast %get3A_363 : i32 to index
      %get3A_365 = arith.index_cast %mul3A_254 : i32 to index
      %get3A_366 = tpu.vector_load %arg10[%get3A_364, %get3A_365] {strides = array<i32>} : memref<16x1024xf32, #tpu.memory_space<vmem>>, vector<1x16xf32>,
      %get3A_367 = vector.shape_cast %get3A_366 : vector<1x16xf32> to vector<16xf32>
      %swap3A_368 = arith.constant 10 : i32
      %swap3A_369 = arith.index_cast %swap3A_368 : i32 to index
      %swap3A_370 = arith.index_cast %mul3A_254 : i32 to index
      %swap3A_371 = tpu.vector_load %arg7[%swap3A_369, %swap3A_370] {strides = array<i32>} : memref<16x1024xf32, #tpu.memory_space<vmem>>, vector<1x16xf32>,
      %swap3A_372 = vector.shape_cast %swap3A_371 : vector<1x16xf32> to vector<16xf32>
      %swap3A_373 = vector.shape_cast %get3A_367 : vector<16xf32> to vector<1x16xf32>
      tpu.vector_store %arg7[%swap3A_369, %swap3A_370], %swap3A_373 {add = true, strides = array<i32>} : memref<16x1024xf32, #tpu.memory_space<vmem>>, vector<1x16xf32>,
      %get3A_374 = arith.constant 11 : i32
      %get3A_375 = arith.index_cast %get3A_374 : i32 to index
      %get3A_376 = arith.index_cast %mul3A_254 : i32 to index
      %get3A_377 = tpu.vector_load %arg10[%get3A_375, %get3A_376] {strides = array<i32>} : memref<16x1024xf32, #tpu.memory_space<vmem>>, vector<1x16xf32>,
      %get3A_378 = vector.shape_cast %get3A_377 : vector<1x16xf32> to vector<16xf32>
      %swap3A_379 = arith.constant 11 : i32
      %swap3A_380 = arith.index_cast %swap3A_379 : i32 to index
      %swap3A_381 = arith.index_cast %mul3A_254 : i32 to index
      %swap3A_382 = tpu.vector_load %arg7[%swap3A_380, %swap3A_381] {strides = array<i32>} : memref<16x1024xf32, #tpu.memory_space<vmem>>, vector<1x16xf32>,
      %swap3A_383 = vector.shape_cast %swap3A_382 : vector<1x16xf32> to vector<16xf32>
      %swap3A_384 = vector.shape_cast %get3A_378 : vector<16xf32> to vector<1x16xf32>
      tpu.vector_store %arg7[%swap3A_380, %swap3A_381], %swap3A_384 {add = true, strides = array<i32>} : memref<16x1024xf32, #tpu.memory_space<vmem>>, vector<1x16xf32>,
      %get3A_385 = arith.constant 12 : i32
      %get3A_386 = arith.index_cast %get3A_385 : i32 to index
      %get3A_387 = arith.index_cast %mul3A_254 : i32 to index
      %get3A_388 = tpu.vector_load %arg10[%get3A_386, %get3A_387] {strides = array<i32>} : memref<16x1024xf32, #tpu.memory_space<vmem>>, vector<1x16xf32>,
      %get3A_389 = vector.shape_cast %get3A_388 : vector<1x16xf32> to vector<16xf32>
      %swap3A_390 = arith.constant 12 : i32
      %swap3A_391 = arith.index_cast %swap3A_390 : i32 to index
      %swap3A_392 = arith.index_cast %mul3A_254 : i32 to index
      %swap3A_393 = tpu.vector_load %arg7[%swap3A_391, %swap3A_392] {strides = array<i32>} : memref<16x1024xf32, #tpu.memory_space<vmem>>, vector<1x16xf32>,
      %swap3A_394 = vector.shape_cast %swap3A_393 : vector<1x16xf32> to vector<16xf32>
      %swap3A_395 = vector.shape_cast %get3A_389 : vector<16xf32> to vector<1x16xf32>
      tpu.vector_store %arg7[%swap3A_391, %swap3A_392], %swap3A_395 {add = true, strides = array<i32>} : memref<16x1024xf32, #tpu.memory_space<vmem>>, vector<1x16xf32>,
      %get3A_396 = arith.constant 13 : i32
      %get3A_397 = arith.index_cast %get3A_396 : i32 to index
      %get3A_398 = arith.index_cast %mul3A_254 : i32 to index
      %get3A_399 = tpu.vector_load %arg10[%get3A_397, %get3A_398] {strides = array<i32>} : memref<16x1024xf32, #tpu.memory_space<vmem>>, vector<1x16xf32>,
      %get3A_400 = vector.shape_cast %get3A_399 : vector<1x16xf32> to vector<16xf32>
      %swap3A_401 = arith.constant 13 : i32
      %swap3A_402 = arith.index_cast %swap3A_401 : i32 to index
      %swap3A_403 = arith.index_cast %mul3A_254 : i32 to index
      %swap3A_404 = tpu.vector_load %arg7[%swap3A_402, %swap3A_403] {strides = array<i32>} : memref<16x1024xf32, #tpu.memory_space<vmem>>, vector<1x16xf32>,
      %swap3A_405 = vector.shape_cast %swap3A_404 : vector<1x16xf32> to vector<16xf32>
      %swap3A_406 = vector.shape_cast %get3A_400 : vector<16xf32> to vector<1x16xf32>
      tpu.vector_store %arg7[%swap3A_402, %swap3A_403], %swap3A_406 {add = true, strides = array<i32>} : memref<16x1024xf32, #tpu.memory_space<vmem>>, vector<1x16xf32>,
      %get3A_407 = arith.constant 14 : i32
      %get3A_408 = arith.index_cast %get3A_407 : i32 to index
      %get3A_409 = arith.index_cast %mul3A_254 : i32 to index
      %get3A_410 = tpu.vector_load %arg10[%get3A_408, %get3A_409] {strides = array<i32>} : memref<16x1024xf32, #tpu.memory_space<vmem>>, vector<1x16xf32>,
      %get3A_411 = vector.shape_cast %get3A_410 : vector<1x16xf32> to vector<16xf32>
      %swap3A_412 = arith.constant 14 : i32
      %swap3A_413 = arith.index_cast %swap3A_412 : i32 to index
      %swap3A_414 = arith.index_cast %mul3A_254 : i32 to index
      %swap3A_415 = tpu.vector_load %arg7[%swap3A_413, %swap3A_414] {strides = array<i32>} : memref<16x1024xf32, #tpu.memory_space<vmem>>, vector<1x16xf32>,
      %swap3A_416 = vector.shape_cast %swap3A_415 : vector<1x16xf32> to vector<16xf32>
      %swap3A_417 = vector.shape_cast %get3A_411 : vector<16xf32> to vector<1x16xf32>
      tpu.vector_store %arg7[%swap3A_413, %swap3A_414], %swap3A_417 {add = true, strides = array<i32>} : memref<16x1024xf32, #tpu.memory_space<vmem>>, vector<1x16xf32>,
      %get3A_418 = arith.constant 15 : i32
      %get3A_419 = arith.index_cast %get3A_418 : i32 to index
      %get3A_420 = arith.index_cast %mul3A_254 : i32 to index
      %get3A_421 = tpu.vector_load %arg10[%get3A_419, %get3A_420] {strides = array<i32>} : memref<16x1024xf32, #tpu.memory_space<vmem>>, vector<1x16xf32>,
      %get3A_422 = vector.shape_cast %get3A_421 : vector<1x16xf32> to vector<16xf32>
      %swap3A_423 = arith.constant 15 : i32
      %swap3A_424 = arith.index_cast %swap3A_423 : i32 to index
      %swap3A_425 = arith.index_cast %mul3A_254 : i32 to index
      %swap3A_426 = tpu.vector_load %arg7[%swap3A_424, %swap3A_425] {strides = array<i32>} : memref<16x1024xf32, #tpu.memory_space<vmem>>, vector<1x16xf32>,
      %swap3A_427 = vector.shape_cast %swap3A_426 : vector<1x16xf32> to vector<16xf32>
      %swap3A_428 = vector.shape_cast %get3A_422 : vector<16xf32> to vector<1x16xf32>
      tpu.vector_store %arg7[%swap3A_424, %swap3A_425], %swap3A_428 {add = true, strides = array<i32>} : memref<16x1024xf32, #tpu.memory_space<vmem>>, vector<1x16xf32>,
    }
    %scan3A_137 = arith.constant 64 : i32
    %add3A_138 = arith.constant 32 : i32
    %add3A_139 = arith.addi %mul3A_2, %add3A_138 : i32
    %dma_start3A_140 = arith.constant 0 : i32
    %dma_start3A_141 = tpu.memref_slice %arg4[%add3A_139, %dma_start3A_140] : memref<3072x1024xf32, #tpu.memory_space<hbm>> -> memref<16x1024xf32, #tpu.memory_space<hbm>>
    %dma_start3A_142 = arith.constant 0 : i32
    %dma_start3A_143 = tpu.memref_slice %arg4[%add3A_139, %dma_start3A_142] : memref<3072x1024xf32, #tpu.memory_space<hbm>> -> memref<16x1024xf32, #tpu.memory_space<hbm>>
    tpu.enqueue_dma source(%arg7 : memref<16x1024xf32, #tpu.memory_space<vmem>>) target(%dma_start3A_143 : memref<16x1024xf32, #tpu.memory_space<hbm>>) target_semaphore(%arg19 : memref<!tpu.dma_semaphore, #tpu.memory_space<semaphore_mem>>)
    %add3A_144 = arith.constant 32 : i32
    %add3A_145 = arith.addi %mul3A_2, %add3A_144 : i32
    %dma_wait3A_146 = arith.constant 0 : i32
    %dma_wait3A_147 = tpu.memref_slice %arg4[%add3A_145, %dma_wait3A_146] : memref<3072x1024xf32, #tpu.memory_space<hbm>> -> memref<16x1024xf32, #tpu.memory_space<hbm>>
    %dma_wait3A_148 = arith.constant 0 : i32
    %dma_wait3A_149 = tpu.memref_slice %arg4[%add3A_145, %dma_wait3A_148] : memref<3072x1024xf32, #tpu.memory_space<hbm>> -> memref<16x1024xf32, #tpu.memory_space<hbm>>
    tpu.wait_dma2 semaphore(%arg19 : memref<!tpu.dma_semaphore, #tpu.memory_space<semaphore_mem>>) src(%arg7 : memref<16x1024xf32, #tpu.memory_space<vmem>>) dst(%dma_wait3A_149 : memref<16x1024xf32, #tpu.memory_space<hbm>>)
    %add3A_150 = arith.constant 80 : i32
    %add3A_151 = arith.addi %mul3A_2, %add3A_150 : i32
    %add3A_152 = arith.constant 5120 : i32
    %add3A_153 = arith.addi %add3A_152, %add3A_151 : i32
    %dma_start3A_154 = arith.constant 0 : i32
    %dma_start3A_155 = tpu.memref_slice %arg2[%add3A_153, %dma_start3A_154] : memref<8192x1024xf32, #tpu.memory_space<hbm>> -> memref<16x1024xf32, #tpu.memory_space<hbm>>
    %dma_start3A_156 = arith.constant 0 : i32
    %dma_start3A_157 = tpu.memref_slice %arg2[%add3A_153, %dma_start3A_156] : memref<8192x1024xf32, #tpu.memory_space<hbm>> -> memref<16x1024xf32, #tpu.memory_space<hbm>>
    tpu.enqueue_dma source(%dma_start3A_157 : memref<16x1024xf32, #tpu.memory_space<hbm>>) target(%arg7 : memref<16x1024xf32, #tpu.memory_space<vmem>>) target_semaphore(%arg13 : memref<!tpu.dma_semaphore, #tpu.memory_space<semaphore_mem>>)
    %dma_start3A_158 = arith.constant 0 : i32
    %dma_start3A_159 = tpu.memref_slice %arg3[%add3A_153, %dma_start3A_158] : memref<8192x1024xf32, #tpu.memory_space<hbm>> -> memref<16x1024xf32, #tpu.memory_space<hbm>>
    %dma_start3A_160 = arith.constant 0 : i32
    %dma_start3A_161 = tpu.memref_slice %arg3[%add3A_153, %dma_start3A_160] : memref<8192x1024xf32, #tpu.memory_space<hbm>> -> memref<16x1024xf32, #tpu.memory_space<hbm>>
    tpu.enqueue_dma source(%dma_start3A_161 : memref<16x1024xf32, #tpu.memory_space<hbm>>) target(%arg10 : memref<16x1024xf32, #tpu.memory_space<vmem>>) target_semaphore(%arg16 : memref<!tpu.dma_semaphore, #tpu.memory_space<semaphore_mem>>)
    %add3A_162 = arith.constant 48 : i32
    %add3A_163 = arith.addi %mul3A_2, %add3A_162 : i32
    %add3A_164 = arith.constant 5120 : i32
    %add3A_165 = arith.addi %add3A_164, %add3A_163 : i32
    %dma_wait3A_166 = arith.constant 0 : i32
    %dma_wait3A_167 = tpu.memref_slice %arg2[%add3A_165, %dma_wait3A_166] : memref<8192x1024xf32, #tpu.memory_space<hbm>> -> memref<16x1024xf32, #tpu.memory_space<hbm>>
    %dma_wait3A_168 = arith.constant 0 : i32
    %dma_wait3A_169 = tpu.memref_slice %arg2[%add3A_165, %dma_wait3A_168] : memref<8192x1024xf32, #tpu.memory_space<hbm>> -> memref<16x1024xf32, #tpu.memory_space<hbm>>
    tpu.wait_dma2 semaphore(%arg11 : memref<!tpu.dma_semaphore, #tpu.memory_space<semaphore_mem>>) src(%dma_wait3A_169 : memref<16x1024xf32, #tpu.memory_space<hbm>>) dst(%arg5 : memref<16x1024xf32, #tpu.memory_space<vmem>>)
    %dma_wait3A_170 = arith.constant 0 : i32
    %dma_wait3A_171 = tpu.memref_slice %arg3[%add3A_165, %dma_wait3A_170] : memref<8192x1024xf32, #tpu.memory_space<hbm>> -> memref<16x1024xf32, #tpu.memory_space<hbm>>
    %dma_wait3A_172 = arith.constant 0 : i32
    %dma_wait3A_173 = tpu.memref_slice %arg3[%add3A_165, %dma_wait3A_172] : memref<8192x1024xf32, #tpu.memory_space<hbm>> -> memref<16x1024xf32, #tpu.memory_space<hbm>>
    tpu.wait_dma2 semaphore(%arg14 : memref<!tpu.dma_semaphore, #tpu.memory_space<semaphore_mem>>) src(%dma_wait3A_173 : memref<16x1024xf32, #tpu.memory_space<hbm>>) dst(%arg8 : memref<16x1024xf32, #tpu.memory_space<vmem>>)
    %scan3A_174 = arith.constant 0 : i32
    %scan3A_175 = arith.constant 0 : i32
    %scan3A_176 = arith.constant 64 : i32
    %scan3A_177 = arith.addi %scan3A_175, %scan3A_176 : i32
    %scan3A_178 = arith.constant 1 : i32
    scf.for %scan3A_252 = %scan3A_175 to %scan3A_177 step %scan3A_178  : i32 {
      %mul3A_253 = arith.constant 16 : i32
      %mul3A_254 = arith.muli %scan3A_252, %mul3A_253 : i32
      %get3A = arith.constant 0 : i32
      %get3A_255 = arith.index_cast %get3A : i32 to index
      %get3A_256 = arith.index_cast %mul3A_254 : i32 to index
      %get3A_257 = tpu.vector_load %arg8[%get3A_255, %get3A_256] {strides = array<i32>} : memref<16x1024xf32, #tpu.memory_space<vmem>>, vector<1x16xf32>,
      %get3A_258 = vector.shape_cast %get3A_257 : vector<1x16xf32> to vector<16xf32>
      %swap3A = arith.constant 0 : i32
      %swap3A_259 = arith.index_cast %swap3A : i32 to index
      %swap3A_260 = arith.index_cast %mul3A_254 : i32 to index
      %swap3A_261 = tpu.vector_load %arg5[%swap3A_259, %swap3A_260] {strides = array<i32>} : memref<16x1024xf32, #tpu.memory_space<vmem>>, vector<1x16xf32>,
      %swap3A_262 = vector.shape_cast %swap3A_261 : vector<1x16xf32> to vector<16xf32>
      %swap3A_263 = vector.shape_cast %get3A_258 : vector<16xf32> to vector<1x16xf32>
      tpu.vector_store %arg5[%swap3A_259, %swap3A_260], %swap3A_263 {add = true, strides = array<i32>} : memref<16x1024xf32, #tpu.memory_space<vmem>>, vector<1x16xf32>,
      %get3A_264 = arith.constant 1 : i32
      %get3A_265 = arith.index_cast %get3A_264 : i32 to index
      %get3A_266 = arith.index_cast %mul3A_254 : i32 to index
      %get3A_267 = tpu.vector_load %arg8[%get3A_265, %get3A_266] {strides = array<i32>} : memref<16x1024xf32, #tpu.memory_space<vmem>>, vector<1x16xf32>,
      %get3A_268 = vector.shape_cast %get3A_267 : vector<1x16xf32> to vector<16xf32>
      %swap3A_269 = arith.constant 1 : i32
      %swap3A_270 = arith.index_cast %swap3A_269 : i32 to index
      %swap3A_271 = arith.index_cast %mul3A_254 : i32 to index
      %swap3A_272 = tpu.vector_load %arg5[%swap3A_270, %swap3A_271] {strides = array<i32>} : memref<16x1024xf32, #tpu.memory_space<vmem>>, vector<1x16xf32>,
      %swap3A_273 = vector.shape_cast %swap3A_272 : vector<1x16xf32> to vector<16xf32>
      %swap3A_274 = vector.shape_cast %get3A_268 : vector<16xf32> to vector<1x16xf32>
      tpu.vector_store %arg5[%swap3A_270, %swap3A_271], %swap3A_274 {add = true, strides = array<i32>} : memref<16x1024xf32, #tpu.memory_space<vmem>>, vector<1x16xf32>,
      %get3A_275 = arith.constant 2 : i32
      %get3A_276 = arith.index_cast %get3A_275 : i32 to index
      %get3A_277 = arith.index_cast %mul3A_254 : i32 to index
      %get3A_278 = tpu.vector_load %arg8[%get3A_276, %get3A_277] {strides = array<i32>} : memref<16x1024xf32, #tpu.memory_space<vmem>>, vector<1x16xf32>,
      %get3A_279 = vector.shape_cast %get3A_278 : vector<1x16xf32> to vector<16xf32>
      %swap3A_280 = arith.constant 2 : i32
      %swap3A_281 = arith.index_cast %swap3A_280 : i32 to index
      %swap3A_282 = arith.index_cast %mul3A_254 : i32 to index
      %swap3A_283 = tpu.vector_load %arg5[%swap3A_281, %swap3A_282] {strides = array<i32>} : memref<16x1024xf32, #tpu.memory_space<vmem>>, vector<1x16xf32>,
      %swap3A_284 = vector.shape_cast %swap3A_283 : vector<1x16xf32> to vector<16xf32>
      %swap3A_285 = vector.shape_cast %get3A_279 : vector<16xf32> to vector<1x16xf32>
      tpu.vector_store %arg5[%swap3A_281, %swap3A_282], %swap3A_285 {add = true, strides = array<i32>} : memref<16x1024xf32, #tpu.memory_space<vmem>>, vector<1x16xf32>,
      %get3A_286 = arith.constant 3 : i32
      %get3A_287 = arith.index_cast %get3A_286 : i32 to index
      %get3A_288 = arith.index_cast %mul3A_254 : i32 to index
      %get3A_289 = tpu.vector_load %arg8[%get3A_287, %get3A_288] {strides = array<i32>} : memref<16x1024xf32, #tpu.memory_space<vmem>>, vector<1x16xf32>,
      %get3A_290 = vector.shape_cast %get3A_289 : vector<1x16xf32> to vector<16xf32>
      %swap3A_291 = arith.constant 3 : i32
      %swap3A_292 = arith.index_cast %swap3A_291 : i32 to index
      %swap3A_293 = arith.index_cast %mul3A_254 : i32 to index
      %swap3A_294 = tpu.vector_load %arg5[%swap3A_292, %swap3A_293] {strides = array<i32>} : memref<16x1024xf32, #tpu.memory_space<vmem>>, vector<1x16xf32>,
      %swap3A_295 = vector.shape_cast %swap3A_294 : vector<1x16xf32> to vector<16xf32>
      %swap3A_296 = vector.shape_cast %get3A_290 : vector<16xf32> to vector<1x16xf32>
      tpu.vector_store %arg5[%swap3A_292, %swap3A_293], %swap3A_296 {add = true, strides = array<i32>} : memref<16x1024xf32, #tpu.memory_space<vmem>>, vector<1x16xf32>,
      %get3A_297 = arith.constant 4 : i32
      %get3A_298 = arith.index_cast %get3A_297 : i32 to index
      %get3A_299 = arith.index_cast %mul3A_254 : i32 to index
      %get3A_300 = tpu.vector_load %arg8[%get3A_298, %get3A_299] {strides = array<i32>} : memref<16x1024xf32, #tpu.memory_space<vmem>>, vector<1x16xf32>,
      %get3A_301 = vector.shape_cast %get3A_300 : vector<1x16xf32> to vector<16xf32>
      %swap3A_302 = arith.constant 4 : i32
      %swap3A_303 = arith.index_cast %swap3A_302 : i32 to index
      %swap3A_304 = arith.index_cast %mul3A_254 : i32 to index
      %swap3A_305 = tpu.vector_load %arg5[%swap3A_303, %swap3A_304] {strides = array<i32>} : memref<16x1024xf32, #tpu.memory_space<vmem>>, vector<1x16xf32>,
      %swap3A_306 = vector.shape_cast %swap3A_305 : vector<1x16xf32> to vector<16xf32>
      %swap3A_307 = vector.shape_cast %get3A_301 : vector<16xf32> to vector<1x16xf32>
      tpu.vector_store %arg5[%swap3A_303, %swap3A_304], %swap3A_307 {add = true, strides = array<i32>} : memref<16x1024xf32, #tpu.memory_space<vmem>>, vector<1x16xf32>,
      %get3A_308 = arith.constant 5 : i32
      %get3A_309 = arith.index_cast %get3A_308 : i32 to index
      %get3A_310 = arith.index_cast %mul3A_254 : i32 to index
      %get3A_311 = tpu.vector_load %arg8[%get3A_309, %get3A_310] {strides = array<i32>} : memref<16x1024xf32, #tpu.memory_space<vmem>>, vector<1x16xf32>,
      %get3A_312 = vector.shape_cast %get3A_311 : vector<1x16xf32> to vector<16xf32>
      %swap3A_313 = arith.constant 5 : i32
      %swap3A_314 = arith.index_cast %swap3A_313 : i32 to index
      %swap3A_315 = arith.index_cast %mul3A_254 : i32 to index
      %swap3A_316 = tpu.vector_load %arg5[%swap3A_314, %swap3A_315] {strides = array<i32>} : memref<16x1024xf32, #tpu.memory_space<vmem>>, vector<1x16xf32>,
      %swap3A_317 = vector.shape_cast %swap3A_316 : vector<1x16xf32> to vector<16xf32>
      %swap3A_318 = vector.shape_cast %get3A_312 : vector<16xf32> to vector<1x16xf32>
      tpu.vector_store %arg5[%swap3A_314, %swap3A_315], %swap3A_318 {add = true, strides = array<i32>} : memref<16x1024xf32, #tpu.memory_space<vmem>>, vector<1x16xf32>,
      %get3A_319 = arith.constant 6 : i32
      %get3A_320 = arith.index_cast %get3A_319 : i32 to index
      %get3A_321 = arith.index_cast %mul3A_254 : i32 to index
      %get3A_322 = tpu.vector_load %arg8[%get3A_320, %get3A_321] {strides = array<i32>} : memref<16x1024xf32, #tpu.memory_space<vmem>>, vector<1x16xf32>,
      %get3A_323 = vector.shape_cast %get3A_322 : vector<1x16xf32> to vector<16xf32>
      %swap3A_324 = arith.constant 6 : i32
      %swap3A_325 = arith.index_cast %swap3A_324 : i32 to index
      %swap3A_326 = arith.index_cast %mul3A_254 : i32 to index
      %swap3A_327 = tpu.vector_load %arg5[%swap3A_325, %swap3A_326] {strides = array<i32>} : memref<16x1024xf32, #tpu.memory_space<vmem>>, vector<1x16xf32>,
      %swap3A_328 = vector.shape_cast %swap3A_327 : vector<1x16xf32> to vector<16xf32>
      %swap3A_329 = vector.shape_cast %get3A_323 : vector<16xf32> to vector<1x16xf32>
      tpu.vector_store %arg5[%swap3A_325, %swap3A_326], %swap3A_329 {add = true, strides = array<i32>} : memref<16x1024xf32, #tpu.memory_space<vmem>>, vector<1x16xf32>,
      %get3A_330 = arith.constant 7 : i32
      %get3A_331 = arith.index_cast %get3A_330 : i32 to index
      %get3A_332 = arith.index_cast %mul3A_254 : i32 to index
      %get3A_333 = tpu.vector_load %arg8[%get3A_331, %get3A_332] {strides = array<i32>} : memref<16x1024xf32, #tpu.memory_space<vmem>>, vector<1x16xf32>,
      %get3A_334 = vector.shape_cast %get3A_333 : vector<1x16xf32> to vector<16xf32>
      %swap3A_335 = arith.constant 7 : i32
      %swap3A_336 = arith.index_cast %swap3A_335 : i32 to index
      %swap3A_337 = arith.index_cast %mul3A_254 : i32 to index
      %swap3A_338 = tpu.vector_load %arg5[%swap3A_336, %swap3A_337] {strides = array<i32>} : memref<16x1024xf32, #tpu.memory_space<vmem>>, vector<1x16xf32>,
      %swap3A_339 = vector.shape_cast %swap3A_338 : vector<1x16xf32> to vector<16xf32>
      %swap3A_340 = vector.shape_cast %get3A_334 : vector<16xf32> to vector<1x16xf32>
      tpu.vector_store %arg5[%swap3A_336, %swap3A_337], %swap3A_340 {add = true, strides = array<i32>} : memref<16x1024xf32, #tpu.memory_space<vmem>>, vector<1x16xf32>,
      %get3A_341 = arith.constant 8 : i32
      %get3A_342 = arith.index_cast %get3A_341 : i32 to index
      %get3A_343 = arith.index_cast %mul3A_254 : i32 to index
      %get3A_344 = tpu.vector_load %arg8[%get3A_342, %get3A_343] {strides = array<i32>} : memref<16x1024xf32, #tpu.memory_space<vmem>>, vector<1x16xf32>,
      %get3A_345 = vector.shape_cast %get3A_344 : vector<1x16xf32> to vector<16xf32>
      %swap3A_346 = arith.constant 8 : i32
      %swap3A_347 = arith.index_cast %swap3A_346 : i32 to index
      %swap3A_348 = arith.index_cast %mul3A_254 : i32 to index
      %swap3A_349 = tpu.vector_load %arg5[%swap3A_347, %swap3A_348] {strides = array<i32>} : memref<16x1024xf32, #tpu.memory_space<vmem>>, vector<1x16xf32>,
      %swap3A_350 = vector.shape_cast %swap3A_349 : vector<1x16xf32> to vector<16xf32>
      %swap3A_351 = vector.shape_cast %get3A_345 : vector<16xf32> to vector<1x16xf32>
      tpu.vector_store %arg5[%swap3A_347, %swap3A_348], %swap3A_351 {add = true, strides = array<i32>} : memref<16x1024xf32, #tpu.memory_space<vmem>>, vector<1x16xf32>,
      %get3A_352 = arith.constant 9 : i32
      %get3A_353 = arith.index_cast %get3A_352 : i32 to index
      %get3A_354 = arith.index_cast %mul3A_254 : i32 to index
      %get3A_355 = tpu.vector_load %arg8[%get3A_353, %get3A_354] {strides = array<i32>} : memref<16x1024xf32, #tpu.memory_space<vmem>>, vector<1x16xf32>,
      %get3A_356 = vector.shape_cast %get3A_355 : vector<1x16xf32> to vector<16xf32>
      %swap3A_357 = arith.constant 9 : i32
      %swap3A_358 = arith.index_cast %swap3A_357 : i32 to index
      %swap3A_359 = arith.index_cast %mul3A_254 : i32 to index
      %swap3A_360 = tpu.vector_load %arg5[%swap3A_358, %swap3A_359] {strides = array<i32>} : memref<16x1024xf32, #tpu.memory_space<vmem>>, vector<1x16xf32>,
      %swap3A_361 = vector.shape_cast %swap3A_360 : vector<1x16xf32> to vector<16xf32>
      %swap3A_362 = vector.shape_cast %get3A_356 : vector<16xf32> to vector<1x16xf32>
      tpu.vector_store %arg5[%swap3A_358, %swap3A_359], %swap3A_362 {add = true, strides = array<i32>} : memref<16x1024xf32, #tpu.memory_space<vmem>>, vector<1x16xf32>,
      %get3A_363 = arith.constant 10 : i32
      %get3A_364 = arith.index_cast %get3A_363 : i32 to index
      %get3A_365 = arith.index_cast %mul3A_254 : i32 to index
      %get3A_366 = tpu.vector_load %arg8[%get3A_364, %get3A_365] {strides = array<i32>} : memref<16x1024xf32, #tpu.memory_space<vmem>>, vector<1x16xf32>,
      %get3A_367 = vector.shape_cast %get3A_366 : vector<1x16xf32> to vector<16xf32>
      %swap3A_368 = arith.constant 10 : i32
      %swap3A_369 = arith.index_cast %swap3A_368 : i32 to index
      %swap3A_370 = arith.index_cast %mul3A_254 : i32 to index
      %swap3A_371 = tpu.vector_load %arg5[%swap3A_369, %swap3A_370] {strides = array<i32>} : memref<16x1024xf32, #tpu.memory_space<vmem>>, vector<1x16xf32>,
      %swap3A_372 = vector.shape_cast %swap3A_371 : vector<1x16xf32> to vector<16xf32>
      %swap3A_373 = vector.shape_cast %get3A_367 : vector<16xf32> to vector<1x16xf32>
      tpu.vector_store %arg5[%swap3A_369, %swap3A_370], %swap3A_373 {add = true, strides = array<i32>} : memref<16x1024xf32, #tpu.memory_space<vmem>>, vector<1x16xf32>,
      %get3A_374 = arith.constant 11 : i32
      %get3A_375 = arith.index_cast %get3A_374 : i32 to index
      %get3A_376 = arith.index_cast %mul3A_254 : i32 to index
      %get3A_377 = tpu.vector_load %arg8[%get3A_375, %get3A_376] {strides = array<i32>} : memref<16x1024xf32, #tpu.memory_space<vmem>>, vector<1x16xf32>,
      %get3A_378 = vector.shape_cast %get3A_377 : vector<1x16xf32> to vector<16xf32>
      %swap3A_379 = arith.constant 11 : i32
      %swap3A_380 = arith.index_cast %swap3A_379 : i32 to index
      %swap3A_381 = arith.index_cast %mul3A_254 : i32 to index
      %swap3A_382 = tpu.vector_load %arg5[%swap3A_380, %swap3A_381] {strides = array<i32>} : memref<16x1024xf32, #tpu.memory_space<vmem>>, vector<1x16xf32>,
      %swap3A_383 = vector.shape_cast %swap3A_382 : vector<1x16xf32> to vector<16xf32>
      %swap3A_384 = vector.shape_cast %get3A_378 : vector<16xf32> to vector<1x16xf32>
      tpu.vector_store %arg5[%swap3A_380, %swap3A_381], %swap3A_384 {add = true, strides = array<i32>} : memref<16x1024xf32, #tpu.memory_space<vmem>>, vector<1x16xf32>,
      %get3A_385 = arith.constant 12 : i32
      %get3A_386 = arith.index_cast %get3A_385 : i32 to index
      %get3A_387 = arith.index_cast %mul3A_254 : i32 to index
      %get3A_388 = tpu.vector_load %arg8[%get3A_386, %get3A_387] {strides = array<i32>} : memref<16x1024xf32, #tpu.memory_space<vmem>>, vector<1x16xf32>,
      %get3A_389 = vector.shape_cast %get3A_388 : vector<1x16xf32> to vector<16xf32>
      %swap3A_390 = arith.constant 12 : i32
      %swap3A_391 = arith.index_cast %swap3A_390 : i32 to index
      %swap3A_392 = arith.index_cast %mul3A_254 : i32 to index
      %swap3A_393 = tpu.vector_load %arg5[%swap3A_391, %swap3A_392] {strides = array<i32>} : memref<16x1024xf32, #tpu.memory_space<vmem>>, vector<1x16xf32>,
      %swap3A_394 = vector.shape_cast %swap3A_393 : vector<1x16xf32> to vector<16xf32>
      %swap3A_395 = vector.shape_cast %get3A_389 : vector<16xf32> to vector<1x16xf32>
      tpu.vector_store %arg5[%swap3A_391, %swap3A_392], %swap3A_395 {add = true, strides = array<i32>} : memref<16x1024xf32, #tpu.memory_space<vmem>>, vector<1x16xf32>,
      %get3A_396 = arith.constant 13 : i32
      %get3A_397 = arith.index_cast %get3A_396 : i32 to index
      %get3A_398 = arith.index_cast %mul3A_254 : i32 to index
      %get3A_399 = tpu.vector_load %arg8[%get3A_397, %get3A_398] {strides = array<i32>} : memref<16x1024xf32, #tpu.memory_space<vmem>>, vector<1x16xf32>,
      %get3A_400 = vector.shape_cast %get3A_399 : vector<1x16xf32> to vector<16xf32>
      %swap3A_401 = arith.constant 13 : i32
      %swap3A_402 = arith.index_cast %swap3A_401 : i32 to index
      %swap3A_403 = arith.index_cast %mul3A_254 : i32 to index
      %swap3A_404 = tpu.vector_load %arg5[%swap3A_402, %swap3A_403] {strides = array<i32>} : memref<16x1024xf32, #tpu.memory_space<vmem>>, vector<1x16xf32>,
      %swap3A_405 = vector.shape_cast %swap3A_404 : vector<1x16xf32> to vector<16xf32>
      %swap3A_406 = vector.shape_cast %get3A_400 : vector<16xf32> to vector<1x16xf32>
      tpu.vector_store %arg5[%swap3A_402, %swap3A_403], %swap3A_406 {add = true, strides = array<i32>} : memref<16x1024xf32, #tpu.memory_space<vmem>>, vector<1x16xf32>,
      %get3A_407 = arith.constant 14 : i32
      %get3A_408 = arith.index_cast %get3A_407 : i32 to index
      %get3A_409 = arith.index_cast %mul3A_254 : i32 to index
      %get3A_410 = tpu.vector_load %arg8[%get3A_408, %get3A_409] {strides = array<i32>} : memref<16x1024xf32, #tpu.memory_space<vmem>>, vector<1x16xf32>,
      %get3A_411 = vector.shape_cast %get3A_410 : vector<1x16xf32> to vector<16xf32>
      %swap3A_412 = arith.constant 14 : i32
      %swap3A_413 = arith.index_cast %swap3A_412 : i32 to index
      %swap3A_414 = arith.index_cast %mul3A_254 : i32 to index
      %swap3A_415 = tpu.vector_load %arg5[%swap3A_413, %swap3A_414] {strides = array<i32>} : memref<16x1024xf32, #tpu.memory_space<vmem>>, vector<1x16xf32>,
      %swap3A_416 = vector.shape_cast %swap3A_415 : vector<1x16xf32> to vector<16xf32>
      %swap3A_417 = vector.shape_cast %get3A_411 : vector<16xf32> to vector<1x16xf32>
      tpu.vector_store %arg5[%swap3A_413, %swap3A_414], %swap3A_417 {add = true, strides = array<i32>} : memref<16x1024xf32, #tpu.memory_space<vmem>>, vector<1x16xf32>,
      %get3A_418 = arith.constant 15 : i32
      %get3A_419 = arith.index_cast %get3A_418 : i32 to index
      %get3A_420 = arith.index_cast %mul3A_254 : i32 to index
      %get3A_421 = tpu.vector_load %arg8[%get3A_419, %get3A_420] {strides = array<i32>} : memref<16x1024xf32, #tpu.memory_space<vmem>>, vector<1x16xf32>,
      %get3A_422 = vector.shape_cast %get3A_421 : vector<1x16xf32> to vector<16xf32>
      %swap3A_423 = arith.constant 15 : i32
      %swap3A_424 = arith.index_cast %swap3A_423 : i32 to index
      %swap3A_425 = arith.index_cast %mul3A_254 : i32 to index
      %swap3A_426 = tpu.vector_load %arg5[%swap3A_424, %swap3A_425] {strides = array<i32>} : memref<16x1024xf32, #tpu.memory_space<vmem>>, vector<1x16xf32>,
      %swap3A_427 = vector.shape_cast %swap3A_426 : vector<1x16xf32> to vector<16xf32>
      %swap3A_428 = vector.shape_cast %get3A_422 : vector<16xf32> to vector<1x16xf32>
      tpu.vector_store %arg5[%swap3A_424, %swap3A_425], %swap3A_428 {add = true, strides = array<i32>} : memref<16x1024xf32, #tpu.memory_space<vmem>>, vector<1x16xf32>,
    }
    %scan3A_179 = arith.constant 64 : i32
    %add3A_180 = arith.constant 48 : i32
    %add3A_181 = arith.addi %mul3A_2, %add3A_180 : i32
    %dma_start3A_182 = arith.constant 0 : i32
    %dma_start3A_183 = tpu.memref_slice %arg4[%add3A_181, %dma_start3A_182] : memref<3072x1024xf32, #tpu.memory_space<hbm>> -> memref<16x1024xf32, #tpu.memory_space<hbm>>
    %dma_start3A_184 = arith.constant 0 : i32
    %dma_start3A_185 = tpu.memref_slice %arg4[%add3A_181, %dma_start3A_184] : memref<3072x1024xf32, #tpu.memory_space<hbm>> -> memref<16x1024xf32, #tpu.memory_space<hbm>>
    tpu.enqueue_dma source(%arg5 : memref<16x1024xf32, #tpu.memory_space<vmem>>) target(%dma_start3A_185 : memref<16x1024xf32, #tpu.memory_space<hbm>>) target_semaphore(%arg17 : memref<!tpu.dma_semaphore, #tpu.memory_space<semaphore_mem>>)
    %add3A_186 = arith.constant 64 : i32
    %add3A_187 = arith.addi %mul3A_2, %add3A_186 : i32
    %add3A_188 = arith.constant 5120 : i32
    %add3A_189 = arith.addi %add3A_188, %add3A_187 : i32
    %dma_wait3A_190 = arith.constant 0 : i32
    %dma_wait3A_191 = tpu.memref_slice %arg2[%add3A_189, %dma_wait3A_190] : memref<8192x1024xf32, #tpu.memory_space<hbm>> -> memref<16x1024xf32, #tpu.memory_space<hbm>>
    %dma_wait3A_192 = arith.constant 0 : i32
    %dma_wait3A_193 = tpu.memref_slice %arg2[%add3A_189, %dma_wait3A_192] : memref<8192x1024xf32, #tpu.memory_space<hbm>> -> memref<16x1024xf32, #tpu.memory_space<hbm>>
    tpu.wait_dma2 semaphore(%arg12 : memref<!tpu.dma_semaphore, #tpu.memory_space<semaphore_mem>>) src(%dma_wait3A_193 : memref<16x1024xf32, #tpu.memory_space<hbm>>) dst(%arg6 : memref<16x1024xf32, #tpu.memory_space<vmem>>)
    %dma_wait3A_194 = arith.constant 0 : i32
    %dma_wait3A_195 = tpu.memref_slice %arg3[%add3A_189, %dma_wait3A_194] : memref<8192x1024xf32, #tpu.memory_space<hbm>> -> memref<16x1024xf32, #tpu.memory_space<hbm>>
    %dma_wait3A_196 = arith.constant 0 : i32
    %dma_wait3A_197 = tpu.memref_slice %arg3[%add3A_189, %dma_wait3A_196] : memref<8192x1024xf32, #tpu.memory_space<hbm>> -> memref<16x1024xf32, #tpu.memory_space<hbm>>
    tpu.wait_dma2 semaphore(%arg15 : memref<!tpu.dma_semaphore, #tpu.memory_space<semaphore_mem>>) src(%dma_wait3A_197 : memref<16x1024xf32, #tpu.memory_space<hbm>>) dst(%arg9 : memref<16x1024xf32, #tpu.memory_space<vmem>>)
    %scan3A_198 = arith.constant 0 : i32
    %scan3A_199 = arith.constant 0 : i32
    %scan3A_200 = arith.constant 64 : i32
    %scan3A_201 = arith.addi %scan3A_199, %scan3A_200 : i32
    %scan3A_202 = arith.constant 1 : i32
    scf.for %scan3A_252 = %scan3A_199 to %scan3A_201 step %scan3A_202  : i32 {
      %mul3A_253 = arith.constant 16 : i32
      %mul3A_254 = arith.muli %scan3A_252, %mul3A_253 : i32
      %get3A = arith.constant 0 : i32
      %get3A_255 = arith.index_cast %get3A : i32 to index
      %get3A_256 = arith.index_cast %mul3A_254 : i32 to index
      %get3A_257 = tpu.vector_load %arg9[%get3A_255, %get3A_256] {strides = array<i32>} : memref<16x1024xf32, #tpu.memory_space<vmem>>, vector<1x16xf32>,
      %get3A_258 = vector.shape_cast %get3A_257 : vector<1x16xf32> to vector<16xf32>
      %swap3A = arith.constant 0 : i32
      %swap3A_259 = arith.index_cast %swap3A : i32 to index
      %swap3A_260 = arith.index_cast %mul3A_254 : i32 to index
      %swap3A_261 = tpu.vector_load %arg6[%swap3A_259, %swap3A_260] {strides = array<i32>} : memref<16x1024xf32, #tpu.memory_space<vmem>>, vector<1x16xf32>,
      %swap3A_262 = vector.shape_cast %swap3A_261 : vector<1x16xf32> to vector<16xf32>
      %swap3A_263 = vector.shape_cast %get3A_258 : vector<16xf32> to vector<1x16xf32>
      tpu.vector_store %arg6[%swap3A_259, %swap3A_260], %swap3A_263 {add = true, strides = array<i32>} : memref<16x1024xf32, #tpu.memory_space<vmem>>, vector<1x16xf32>,
      %get3A_264 = arith.constant 1 : i32
      %get3A_265 = arith.index_cast %get3A_264 : i32 to index
      %get3A_266 = arith.index_cast %mul3A_254 : i32 to index
      %get3A_267 = tpu.vector_load %arg9[%get3A_265, %get3A_266] {strides = array<i32>} : memref<16x1024xf32, #tpu.memory_space<vmem>>, vector<1x16xf32>,
      %get3A_268 = vector.shape_cast %get3A_267 : vector<1x16xf32> to vector<16xf32>
      %swap3A_269 = arith.constant 1 : i32
      %swap3A_270 = arith.index_cast %swap3A_269 : i32 to index
      %swap3A_271 = arith.index_cast %mul3A_254 : i32 to index
      %swap3A_272 = tpu.vector_load %arg6[%swap3A_270, %swap3A_271] {strides = array<i32>} : memref<16x1024xf32, #tpu.memory_space<vmem>>, vector<1x16xf32>,
      %swap3A_273 = vector.shape_cast %swap3A_272 : vector<1x16xf32> to vector<16xf32>
      %swap3A_274 = vector.shape_cast %get3A_268 : vector<16xf32> to vector<1x16xf32>
      tpu.vector_store %arg6[%swap3A_270, %swap3A_271], %swap3A_274 {add = true, strides = array<i32>} : memref<16x1024xf32, #tpu.memory_space<vmem>>, vector<1x16xf32>,
      %get3A_275 = arith.constant 2 : i32
      %get3A_276 = arith.index_cast %get3A_275 : i32 to index
      %get3A_277 = arith.index_cast %mul3A_254 : i32 to index
      %get3A_278 = tpu.vector_load %arg9[%get3A_276, %get3A_277] {strides = array<i32>} : memref<16x1024xf32, #tpu.memory_space<vmem>>, vector<1x16xf32>,
      %get3A_279 = vector.shape_cast %get3A_278 : vector<1x16xf32> to vector<16xf32>
      %swap3A_280 = arith.constant 2 : i32
      %swap3A_281 = arith.index_cast %swap3A_280 : i32 to index
      %swap3A_282 = arith.index_cast %mul3A_254 : i32 to index
      %swap3A_283 = tpu.vector_load %arg6[%swap3A_281, %swap3A_282] {strides = array<i32>} : memref<16x1024xf32, #tpu.memory_space<vmem>>, vector<1x16xf32>,
      %swap3A_284 = vector.shape_cast %swap3A_283 : vector<1x16xf32> to vector<16xf32>
      %swap3A_285 = vector.shape_cast %get3A_279 : vector<16xf32> to vector<1x16xf32>
      tpu.vector_store %arg6[%swap3A_281, %swap3A_282], %swap3A_285 {add = true, strides = array<i32>} : memref<16x1024xf32, #tpu.memory_space<vmem>>, vector<1x16xf32>,
      %get3A_286 = arith.constant 3 : i32
      %get3A_287 = arith.index_cast %get3A_286 : i32 to index
      %get3A_288 = arith.index_cast %mul3A_254 : i32 to index
      %get3A_289 = tpu.vector_load %arg9[%get3A_287, %get3A_288] {strides = array<i32>} : memref<16x1024xf32, #tpu.memory_space<vmem>>, vector<1x16xf32>,
      %get3A_290 = vector.shape_cast %get3A_289 : vector<1x16xf32> to vector<16xf32>
      %swap3A_291 = arith.constant 3 : i32
      %swap3A_292 = arith.index_cast %swap3A_291 : i32 to index
      %swap3A_293 = arith.index_cast %mul3A_254 : i32 to index
      %swap3A_294 = tpu.vector_load %arg6[%swap3A_292, %swap3A_293] {strides = array<i32>} : memref<16x1024xf32, #tpu.memory_space<vmem>>, vector<1x16xf32>,
      %swap3A_295 = vector.shape_cast %swap3A_294 : vector<1x16xf32> to vector<16xf32>
      %swap3A_296 = vector.shape_cast %get3A_290 : vector<16xf32> to vector<1x16xf32>
      tpu.vector_store %arg6[%swap3A_292, %swap3A_293], %swap3A_296 {add = true, strides = array<i32>} : memref<16x1024xf32, #tpu.memory_space<vmem>>, vector<1x16xf32>,
      %get3A_297 = arith.constant 4 : i32
      %get3A_298 = arith.index_cast %get3A_297 : i32 to index
      %get3A_299 = arith.index_cast %mul3A_254 : i32 to index
      %get3A_300 = tpu.vector_load %arg9[%get3A_298, %get3A_299] {strides = array<i32>} : memref<16x1024xf32, #tpu.memory_space<vmem>>, vector<1x16xf32>,
      %get3A_301 = vector.shape_cast %get3A_300 : vector<1x16xf32> to vector<16xf32>
      %swap3A_302 = arith.constant 4 : i32
      %swap3A_303 = arith.index_cast %swap3A_302 : i32 to index
      %swap3A_304 = arith.index_cast %mul3A_254 : i32 to index
      %swap3A_305 = tpu.vector_load %arg6[%swap3A_303, %swap3A_304] {strides = array<i32>} : memref<16x1024xf32, #tpu.memory_space<vmem>>, vector<1x16xf32>,
      %swap3A_306 = vector.shape_cast %swap3A_305 : vector<1x16xf32> to vector<16xf32>
      %swap3A_307 = vector.shape_cast %get3A_301 : vector<16xf32> to vector<1x16xf32>
      tpu.vector_store %arg6[%swap3A_303, %swap3A_304], %swap3A_307 {add = true, strides = array<i32>} : memref<16x1024xf32, #tpu.memory_space<vmem>>, vector<1x16xf32>,
      %get3A_308 = arith.constant 5 : i32
      %get3A_309 = arith.index_cast %get3A_308 : i32 to index
      %get3A_310 = arith.index_cast %mul3A_254 : i32 to index
      %get3A_311 = tpu.vector_load %arg9[%get3A_309, %get3A_310] {strides = array<i32>} : memref<16x1024xf32, #tpu.memory_space<vmem>>, vector<1x16xf32>,
      %get3A_312 = vector.shape_cast %get3A_311 : vector<1x16xf32> to vector<16xf32>
      %swap3A_313 = arith.constant 5 : i32
      %swap3A_314 = arith.index_cast %swap3A_313 : i32 to index
      %swap3A_315 = arith.index_cast %mul3A_254 : i32 to index
      %swap3A_316 = tpu.vector_load %arg6[%swap3A_314, %swap3A_315] {strides = array<i32>} : memref<16x1024xf32, #tpu.memory_space<vmem>>, vector<1x16xf32>,
      %swap3A_317 = vector.shape_cast %swap3A_316 : vector<1x16xf32> to vector<16xf32>
      %swap3A_318 = vector.shape_cast %get3A_312 : vector<16xf32> to vector<1x16xf32>
      tpu.vector_store %arg6[%swap3A_314, %swap3A_315], %swap3A_318 {add = true, strides = array<i32>} : memref<16x1024xf32, #tpu.memory_space<vmem>>, vector<1x16xf32>,
      %get3A_319 = arith.constant 6 : i32
      %get3A_320 = arith.index_cast %get3A_319 : i32 to index
      %get3A_321 = arith.index_cast %mul3A_254 : i32 to index
      %get3A_322 = tpu.vector_load %arg9[%get3A_320, %get3A_321] {strides = array<i32>} : memref<16x1024xf32, #tpu.memory_space<vmem>>, vector<1x16xf32>,
      %get3A_323 = vector.shape_cast %get3A_322 : vector<1x16xf32> to vector<16xf32>
      %swap3A_324 = arith.constant 6 : i32
      %swap3A_325 = arith.index_cast %swap3A_324 : i32 to index
      %swap3A_326 = arith.index_cast %mul3A_254 : i32 to index
      %swap3A_327 = tpu.vector_load %arg6[%swap3A_325, %swap3A_326] {strides = array<i32>} : memref<16x1024xf32, #tpu.memory_space<vmem>>, vector<1x16xf32>,
      %swap3A_328 = vector.shape_cast %swap3A_327 : vector<1x16xf32> to vector<16xf32>
      %swap3A_329 = vector.shape_cast %get3A_323 : vector<16xf32> to vector<1x16xf32>
      tpu.vector_store %arg6[%swap3A_325, %swap3A_326], %swap3A_329 {add = true, strides = array<i32>} : memref<16x1024xf32, #tpu.memory_space<vmem>>, vector<1x16xf32>,
      %get3A_330 = arith.constant 7 : i32
      %get3A_331 = arith.index_cast %get3A_330 : i32 to index
      %get3A_332 = arith.index_cast %mul3A_254 : i32 to index
      %get3A_333 = tpu.vector_load %arg9[%get3A_331, %get3A_332] {strides = array<i32>} : memref<16x1024xf32, #tpu.memory_space<vmem>>, vector<1x16xf32>,
      %get3A_334 = vector.shape_cast %get3A_333 : vector<1x16xf32> to vector<16xf32>
      %swap3A_335 = arith.constant 7 : i32
      %swap3A_336 = arith.index_cast %swap3A_335 : i32 to index
      %swap3A_337 = arith.index_cast %mul3A_254 : i32 to index
      %swap3A_338 = tpu.vector_load %arg6[%swap3A_336, %swap3A_337] {strides = array<i32>} : memref<16x1024xf32, #tpu.memory_space<vmem>>, vector<1x16xf32>,
      %swap3A_339 = vector.shape_cast %swap3A_338 : vector<1x16xf32> to vector<16xf32>
      %swap3A_340 = vector.shape_cast %get3A_334 : vector<16xf32> to vector<1x16xf32>
      tpu.vector_store %arg6[%swap3A_336, %swap3A_337], %swap3A_340 {add = true, strides = array<i32>} : memref<16x1024xf32, #tpu.memory_space<vmem>>, vector<1x16xf32>,
      %get3A_341 = arith.constant 8 : i32
      %get3A_342 = arith.index_cast %get3A_341 : i32 to index
      %get3A_343 = arith.index_cast %mul3A_254 : i32 to index
      %get3A_344 = tpu.vector_load %arg9[%get3A_342, %get3A_343] {strides = array<i32>} : memref<16x1024xf32, #tpu.memory_space<vmem>>, vector<1x16xf32>,
      %get3A_345 = vector.shape_cast %get3A_344 : vector<1x16xf32> to vector<16xf32>
      %swap3A_346 = arith.constant 8 : i32
      %swap3A_347 = arith.index_cast %swap3A_346 : i32 to index
      %swap3A_348 = arith.index_cast %mul3A_254 : i32 to index
      %swap3A_349 = tpu.vector_load %arg6[%swap3A_347, %swap3A_348] {strides = array<i32>} : memref<16x1024xf32, #tpu.memory_space<vmem>>, vector<1x16xf32>,
      %swap3A_350 = vector.shape_cast %swap3A_349 : vector<1x16xf32> to vector<16xf32>
      %swap3A_351 = vector.shape_cast %get3A_345 : vector<16xf32> to vector<1x16xf32>
      tpu.vector_store %arg6[%swap3A_347, %swap3A_348], %swap3A_351 {add = true, strides = array<i32>} : memref<16x1024xf32, #tpu.memory_space<vmem>>, vector<1x16xf32>,
      %get3A_352 = arith.constant 9 : i32
      %get3A_353 = arith.index_cast %get3A_352 : i32 to index
      %get3A_354 = arith.index_cast %mul3A_254 : i32 to index
      %get3A_355 = tpu.vector_load %arg9[%get3A_353, %get3A_354] {strides = array<i32>} : memref<16x1024xf32, #tpu.memory_space<vmem>>, vector<1x16xf32>,
      %get3A_356 = vector.shape_cast %get3A_355 : vector<1x16xf32> to vector<16xf32>
      %swap3A_357 = arith.constant 9 : i32
      %swap3A_358 = arith.index_cast %swap3A_357 : i32 to index
      %swap3A_359 = arith.index_cast %mul3A_254 : i32 to index
      %swap3A_360 = tpu.vector_load %arg6[%swap3A_358, %swap3A_359] {strides = array<i32>} : memref<16x1024xf32, #tpu.memory_space<vmem>>, vector<1x16xf32>,
      %swap3A_361 = vector.shape_cast %swap3A_360 : vector<1x16xf32> to vector<16xf32>
      %swap3A_362 = vector.shape_cast %get3A_356 : vector<16xf32> to vector<1x16xf32>
      tpu.vector_store %arg6[%swap3A_358, %swap3A_359], %swap3A_362 {add = true, strides = array<i32>} : memref<16x1024xf32, #tpu.memory_space<vmem>>, vector<1x16xf32>,
      %get3A_363 = arith.constant 10 : i32
      %get3A_364 = arith.index_cast %get3A_363 : i32 to index
      %get3A_365 = arith.index_cast %mul3A_254 : i32 to index
      %get3A_366 = tpu.vector_load %arg9[%get3A_364, %get3A_365] {strides = array<i32>} : memref<16x1024xf32, #tpu.memory_space<vmem>>, vector<1x16xf32>,
      %get3A_367 = vector.shape_cast %get3A_366 : vector<1x16xf32> to vector<16xf32>
      %swap3A_368 = arith.constant 10 : i32
      %swap3A_369 = arith.index_cast %swap3A_368 : i32 to index
      %swap3A_370 = arith.index_cast %mul3A_254 : i32 to index
      %swap3A_371 = tpu.vector_load %arg6[%swap3A_369, %swap3A_370] {strides = array<i32>} : memref<16x1024xf32, #tpu.memory_space<vmem>>, vector<1x16xf32>,
      %swap3A_372 = vector.shape_cast %swap3A_371 : vector<1x16xf32> to vector<16xf32>
      %swap3A_373 = vector.shape_cast %get3A_367 : vector<16xf32> to vector<1x16xf32>
      tpu.vector_store %arg6[%swap3A_369, %swap3A_370], %swap3A_373 {add = true, strides = array<i32>} : memref<16x1024xf32, #tpu.memory_space<vmem>>, vector<1x16xf32>,
      %get3A_374 = arith.constant 11 : i32
      %get3A_375 = arith.index_cast %get3A_374 : i32 to index
      %get3A_376 = arith.index_cast %mul3A_254 : i32 to index
      %get3A_377 = tpu.vector_load %arg9[%get3A_375, %get3A_376] {strides = array<i32>} : memref<16x1024xf32, #tpu.memory_space<vmem>>, vector<1x16xf32>,
      %get3A_378 = vector.shape_cast %get3A_377 : vector<1x16xf32> to vector<16xf32>
      %swap3A_379 = arith.constant 11 : i32
      %swap3A_380 = arith.index_cast %swap3A_379 : i32 to index
      %swap3A_381 = arith.index_cast %mul3A_254 : i32 to index
      %swap3A_382 = tpu.vector_load %arg6[%swap3A_380, %swap3A_381] {strides = array<i32>} : memref<16x1024xf32, #tpu.memory_space<vmem>>, vector<1x16xf32>,
      %swap3A_383 = vector.shape_cast %swap3A_382 : vector<1x16xf32> to vector<16xf32>
      %swap3A_384 = vector.shape_cast %get3A_378 : vector<16xf32> to vector<1x16xf32>
      tpu.vector_store %arg6[%swap3A_380, %swap3A_381], %swap3A_384 {add = true, strides = array<i32>} : memref<16x1024xf32, #tpu.memory_space<vmem>>, vector<1x16xf32>,
      %get3A_385 = arith.constant 12 : i32
      %get3A_386 = arith.index_cast %get3A_385 : i32 to index
      %get3A_387 = arith.index_cast %mul3A_254 : i32 to index
      %get3A_388 = tpu.vector_load %arg9[%get3A_386, %get3A_387] {strides = array<i32>} : memref<16x1024xf32, #tpu.memory_space<vmem>>, vector<1x16xf32>,
      %get3A_389 = vector.shape_cast %get3A_388 : vector<1x16xf32> to vector<16xf32>
      %swap3A_390 = arith.constant 12 : i32
      %swap3A_391 = arith.index_cast %swap3A_390 : i32 to index
      %swap3A_392 = arith.index_cast %mul3A_254 : i32 to index
      %swap3A_393 = tpu.vector_load %arg6[%swap3A_391, %swap3A_392] {strides = array<i32>} : memref<16x1024xf32, #tpu.memory_space<vmem>>, vector<1x16xf32>,
      %swap3A_394 = vector.shape_cast %swap3A_393 : vector<1x16xf32> to vector<16xf32>
      %swap3A_395 = vector.shape_cast %get3A_389 : vector<16xf32> to vector<1x16xf32>
      tpu.vector_store %arg6[%swap3A_391, %swap3A_392], %swap3A_395 {add = true, strides = array<i32>} : memref<16x1024xf32, #tpu.memory_space<vmem>>, vector<1x16xf32>,
      %get3A_396 = arith.constant 13 : i32
      %get3A_397 = arith.index_cast %get3A_396 : i32 to index
      %get3A_398 = arith.index_cast %mul3A_254 : i32 to index
      %get3A_399 = tpu.vector_load %arg9[%get3A_397, %get3A_398] {strides = array<i32>} : memref<16x1024xf32, #tpu.memory_space<vmem>>, vector<1x16xf32>,
      %get3A_400 = vector.shape_cast %get3A_399 : vector<1x16xf32> to vector<16xf32>
      %swap3A_401 = arith.constant 13 : i32
      %swap3A_402 = arith.index_cast %swap3A_401 : i32 to index
      %swap3A_403 = arith.index_cast %mul3A_254 : i32 to index
      %swap3A_404 = tpu.vector_load %arg6[%swap3A_402, %swap3A_403] {strides = array<i32>} : memref<16x1024xf32, #tpu.memory_space<vmem>>, vector<1x16xf32>,
      %swap3A_405 = vector.shape_cast %swap3A_404 : vector<1x16xf32> to vector<16xf32>
      %swap3A_406 = vector.shape_cast %get3A_400 : vector<16xf32> to vector<1x16xf32>
      tpu.vector_store %arg6[%swap3A_402, %swap3A_403], %swap3A_406 {add = true, strides = array<i32>} : memref<16x1024xf32, #tpu.memory_space<vmem>>, vector<1x16xf32>,
      %get3A_407 = arith.constant 14 : i32
      %get3A_408 = arith.index_cast %get3A_407 : i32 to index
      %get3A_409 = arith.index_cast %mul3A_254 : i32 to index
      %get3A_410 = tpu.vector_load %arg9[%get3A_408, %get3A_409] {strides = array<i32>} : memref<16x1024xf32, #tpu.memory_space<vmem>>, vector<1x16xf32>,
      %get3A_411 = vector.shape_cast %get3A_410 : vector<1x16xf32> to vector<16xf32>
      %swap3A_412 = arith.constant 14 : i32
      %swap3A_413 = arith.index_cast %swap3A_412 : i32 to index
      %swap3A_414 = arith.index_cast %mul3A_254 : i32 to index
      %swap3A_415 = tpu.vector_load %arg6[%swap3A_413, %swap3A_414] {strides = array<i32>} : memref<16x1024xf32, #tpu.memory_space<vmem>>, vector<1x16xf32>,
      %swap3A_416 = vector.shape_cast %swap3A_415 : vector<1x16xf32> to vector<16xf32>
      %swap3A_417 = vector.shape_cast %get3A_411 : vector<16xf32> to vector<1x16xf32>
      tpu.vector_store %arg6[%swap3A_413, %swap3A_414], %swap3A_417 {add = true, strides = array<i32>} : memref<16x1024xf32, #tpu.memory_space<vmem>>, vector<1x16xf32>,
      %get3A_418 = arith.constant 15 : i32
      %get3A_419 = arith.index_cast %get3A_418 : i32 to index
      %get3A_420 = arith.index_cast %mul3A_254 : i32 to index
      %get3A_421 = tpu.vector_load %arg9[%get3A_419, %get3A_420] {strides = array<i32>} : memref<16x1024xf32, #tpu.memory_space<vmem>>, vector<1x16xf32>,
      %get3A_422 = vector.shape_cast %get3A_421 : vector<1x16xf32> to vector<16xf32>
      %swap3A_423 = arith.constant 15 : i32
      %swap3A_424 = arith.index_cast %swap3A_423 : i32 to index
      %swap3A_425 = arith.index_cast %mul3A_254 : i32 to index
      %swap3A_426 = tpu.vector_load %arg6[%swap3A_424, %swap3A_425] {strides = array<i32>} : memref<16x1024xf32, #tpu.memory_space<vmem>>, vector<1x16xf32>,
      %swap3A_427 = vector.shape_cast %swap3A_426 : vector<1x16xf32> to vector<16xf32>
      %swap3A_428 = vector.shape_cast %get3A_422 : vector<16xf32> to vector<1x16xf32>
      tpu.vector_store %arg6[%swap3A_424, %swap3A_425], %swap3A_428 {add = true, strides = array<i32>} : memref<16x1024xf32, #tpu.memory_space<vmem>>, vector<1x16xf32>,
    }
    %scan3A_203 = arith.constant 64 : i32
    %add3A_204 = arith.constant 64 : i32
    %add3A_205 = arith.addi %mul3A_2, %add3A_204 : i32
    %dma_start3A_206 = arith.constant 0 : i32
    %dma_start3A_207 = tpu.memref_slice %arg4[%add3A_205, %dma_start3A_206] : memref<3072x1024xf32, #tpu.memory_space<hbm>> -> memref<16x1024xf32, #tpu.memory_space<hbm>>
    %dma_start3A_208 = arith.constant 0 : i32
    %dma_start3A_209 = tpu.memref_slice %arg4[%add3A_205, %dma_start3A_208] : memref<3072x1024xf32, #tpu.memory_space<hbm>> -> memref<16x1024xf32, #tpu.memory_space<hbm>>
    tpu.enqueue_dma source(%arg6 : memref<16x1024xf32, #tpu.memory_space<vmem>>) target(%dma_start3A_209 : memref<16x1024xf32, #tpu.memory_space<hbm>>) target_semaphore(%arg18 : memref<!tpu.dma_semaphore, #tpu.memory_space<semaphore_mem>>)
    %add3A_210 = arith.constant 80 : i32
    %add3A_211 = arith.addi %mul3A_2, %add3A_210 : i32
    %add3A_212 = arith.constant 5120 : i32
    %add3A_213 = arith.addi %add3A_212, %add3A_211 : i32
    %dma_wait3A_214 = arith.constant 0 : i32
    %dma_wait3A_215 = tpu.memref_slice %arg2[%add3A_213, %dma_wait3A_214] : memref<8192x1024xf32, #tpu.memory_space<hbm>> -> memref<16x1024xf32, #tpu.memory_space<hbm>>
    %dma_wait3A_216 = arith.constant 0 : i32
    %dma_wait3A_217 = tpu.memref_slice %arg2[%add3A_213, %dma_wait3A_216] : memref<8192x1024xf32, #tpu.memory_space<hbm>> -> memref<16x1024xf32, #tpu.memory_space<hbm>>
    tpu.wait_dma2 semaphore(%arg13 : memref<!tpu.dma_semaphore, #tpu.memory_space<semaphore_mem>>) src(%dma_wait3A_217 : memref<16x1024xf32, #tpu.memory_space<hbm>>) dst(%arg7 : memref<16x1024xf32, #tpu.memory_space<vmem>>)
    %dma_wait3A_218 = arith.constant 0 : i32
    %dma_wait3A_219 = tpu.memref_slice %arg3[%add3A_213, %dma_wait3A_218] : memref<8192x1024xf32, #tpu.memory_space<hbm>> -> memref<16x1024xf32, #tpu.memory_space<hbm>>
    %dma_wait3A_220 = arith.constant 0 : i32
    %dma_wait3A_221 = tpu.memref_slice %arg3[%add3A_213, %dma_wait3A_220] : memref<8192x1024xf32, #tpu.memory_space<hbm>> -> memref<16x1024xf32, #tpu.memory_space<hbm>>
    tpu.wait_dma2 semaphore(%arg16 : memref<!tpu.dma_semaphore, #tpu.memory_space<semaphore_mem>>) src(%dma_wait3A_221 : memref<16x1024xf32, #tpu.memory_space<hbm>>) dst(%arg10 : memref<16x1024xf32, #tpu.memory_space<vmem>>)
    %scan3A_222 = arith.constant 0 : i32
    %scan3A_223 = arith.constant 0 : i32
    %scan3A_224 = arith.constant 64 : i32
    %scan3A_225 = arith.addi %scan3A_223, %scan3A_224 : i32
    %scan3A_226 = arith.constant 1 : i32
    scf.for %scan3A_252 = %scan3A_223 to %scan3A_225 step %scan3A_226  : i32 {
      %mul3A_253 = arith.constant 16 : i32
      %mul3A_254 = arith.muli %scan3A_252, %mul3A_253 : i32
      %get3A = arith.constant 0 : i32
      %get3A_255 = arith.index_cast %get3A : i32 to index
      %get3A_256 = arith.index_cast %mul3A_254 : i32 to index
      %get3A_257 = tpu.vector_load %arg10[%get3A_255, %get3A_256] {strides = array<i32>} : memref<16x1024xf32, #tpu.memory_space<vmem>>, vector<1x16xf32>,
      %get3A_258 = vector.shape_cast %get3A_257 : vector<1x16xf32> to vector<16xf32>
      %swap3A = arith.constant 0 : i32
      %swap3A_259 = arith.index_cast %swap3A : i32 to index
      %swap3A_260 = arith.index_cast %mul3A_254 : i32 to index
      %swap3A_261 = tpu.vector_load %arg7[%swap3A_259, %swap3A_260] {strides = array<i32>} : memref<16x1024xf32, #tpu.memory_space<vmem>>, vector<1x16xf32>,
      %swap3A_262 = vector.shape_cast %swap3A_261 : vector<1x16xf32> to vector<16xf32>
      %swap3A_263 = vector.shape_cast %get3A_258 : vector<16xf32> to vector<1x16xf32>
      tpu.vector_store %arg7[%swap3A_259, %swap3A_260], %swap3A_263 {add = true, strides = array<i32>} : memref<16x1024xf32, #tpu.memory_space<vmem>>, vector<1x16xf32>,
      %get3A_264 = arith.constant 1 : i32
      %get3A_265 = arith.index_cast %get3A_264 : i32 to index
      %get3A_266 = arith.index_cast %mul3A_254 : i32 to index
      %get3A_267 = tpu.vector_load %arg10[%get3A_265, %get3A_266] {strides = array<i32>} : memref<16x1024xf32, #tpu.memory_space<vmem>>, vector<1x16xf32>,
      %get3A_268 = vector.shape_cast %get3A_267 : vector<1x16xf32> to vector<16xf32>
      %swap3A_269 = arith.constant 1 : i32
      %swap3A_270 = arith.index_cast %swap3A_269 : i32 to index
      %swap3A_271 = arith.index_cast %mul3A_254 : i32 to index
      %swap3A_272 = tpu.vector_load %arg7[%swap3A_270, %swap3A_271] {strides = array<i32>} : memref<16x1024xf32, #tpu.memory_space<vmem>>, vector<1x16xf32>,
      %swap3A_273 = vector.shape_cast %swap3A_272 : vector<1x16xf32> to vector<16xf32>
      %swap3A_274 = vector.shape_cast %get3A_268 : vector<16xf32> to vector<1x16xf32>
      tpu.vector_store %arg7[%swap3A_270, %swap3A_271], %swap3A_274 {add = true, strides = array<i32>} : memref<16x1024xf32, #tpu.memory_space<vmem>>, vector<1x16xf32>,
      %get3A_275 = arith.constant 2 : i32
      %get3A_276 = arith.index_cast %get3A_275 : i32 to index
      %get3A_277 = arith.index_cast %mul3A_254 : i32 to index
      %get3A_278 = tpu.vector_load %arg10[%get3A_276, %get3A_277] {strides = array<i32>} : memref<16x1024xf32, #tpu.memory_space<vmem>>, vector<1x16xf32>,
      %get3A_279 = vector.shape_cast %get3A_278 : vector<1x16xf32> to vector<16xf32>
      %swap3A_280 = arith.constant 2 : i32
      %swap3A_281 = arith.index_cast %swap3A_280 : i32 to index
      %swap3A_282 = arith.index_cast %mul3A_254 : i32 to index
      %swap3A_283 = tpu.vector_load %arg7[%swap3A_281, %swap3A_282] {strides = array<i32>} : memref<16x1024xf32, #tpu.memory_space<vmem>>, vector<1x16xf32>,
      %swap3A_284 = vector.shape_cast %swap3A_283 : vector<1x16xf32> to vector<16xf32>
      %swap3A_285 = vector.shape_cast %get3A_279 : vector<16xf32> to vector<1x16xf32>
      tpu.vector_store %arg7[%swap3A_281, %swap3A_282], %swap3A_285 {add = true, strides = array<i32>} : memref<16x1024xf32, #tpu.memory_space<vmem>>, vector<1x16xf32>,
      %get3A_286 = arith.constant 3 : i32
      %get3A_287 = arith.index_cast %get3A_286 : i32 to index
      %get3A_288 = arith.index_cast %mul3A_254 : i32 to index
      %get3A_289 = tpu.vector_load %arg10[%get3A_287, %get3A_288] {strides = array<i32>} : memref<16x1024xf32, #tpu.memory_space<vmem>>, vector<1x16xf32>,
      %get3A_290 = vector.shape_cast %get3A_289 : vector<1x16xf32> to vector<16xf32>
      %swap3A_291 = arith.constant 3 : i32
      %swap3A_292 = arith.index_cast %swap3A_291 : i32 to index
      %swap3A_293 = arith.index_cast %mul3A_254 : i32 to index
      %swap3A_294 = tpu.vector_load %arg7[%swap3A_292, %swap3A_293] {strides = array<i32>} : memref<16x1024xf32, #tpu.memory_space<vmem>>, vector<1x16xf32>,
      %swap3A_295 = vector.shape_cast %swap3A_294 : vector<1x16xf32> to vector<16xf32>
      %swap3A_296 = vector.shape_cast %get3A_290 : vector<16xf32> to vector<1x16xf32>
      tpu.vector_store %arg7[%swap3A_292, %swap3A_293], %swap3A_296 {add = true, strides = array<i32>} : memref<16x1024xf32, #tpu.memory_space<vmem>>, vector<1x16xf32>,
      %get3A_297 = arith.constant 4 : i32
      %get3A_298 = arith.index_cast %get3A_297 : i32 to index
      %get3A_299 = arith.index_cast %mul3A_254 : i32 to index
      %get3A_300 = tpu.vector_load %arg10[%get3A_298, %get3A_299] {strides = array<i32>} : memref<16x1024xf32, #tpu.memory_space<vmem>>, vector<1x16xf32>,
      %get3A_301 = vector.shape_cast %get3A_300 : vector<1x16xf32> to vector<16xf32>
      %swap3A_302 = arith.constant 4 : i32
      %swap3A_303 = arith.index_cast %swap3A_302 : i32 to index
      %swap3A_304 = arith.index_cast %mul3A_254 : i32 to index
      %swap3A_305 = tpu.vector_load %arg7[%swap3A_303, %swap3A_304] {strides = array<i32>} : memref<16x1024xf32, #tpu.memory_space<vmem>>, vector<1x16xf32>,
      %swap3A_306 = vector.shape_cast %swap3A_305 : vector<1x16xf32> to vector<16xf32>
      %swap3A_307 = vector.shape_cast %get3A_301 : vector<16xf32> to vector<1x16xf32>
      tpu.vector_store %arg7[%swap3A_303, %swap3A_304], %swap3A_307 {add = true, strides = array<i32>} : memref<16x1024xf32, #tpu.memory_space<vmem>>, vector<1x16xf32>,
      %get3A_308 = arith.constant 5 : i32
      %get3A_309 = arith.index_cast %get3A_308 : i32 to index
      %get3A_310 = arith.index_cast %mul3A_254 : i32 to index
      %get3A_311 = tpu.vector_load %arg10[%get3A_309, %get3A_310] {strides = array<i32>} : memref<16x1024xf32, #tpu.memory_space<vmem>>, vector<1x16xf32>,
      %get3A_312 = vector.shape_cast %get3A_311 : vector<1x16xf32> to vector<16xf32>
      %swap3A_313 = arith.constant 5 : i32
      %swap3A_314 = arith.index_cast %swap3A_313 : i32 to index
      %swap3A_315 = arith.index_cast %mul3A_254 : i32 to index
      %swap3A_316 = tpu.vector_load %arg7[%swap3A_314, %swap3A_315] {strides = array<i32>} : memref<16x1024xf32, #tpu.memory_space<vmem>>, vector<1x16xf32>,
      %swap3A_317 = vector.shape_cast %swap3A_316 : vector<1x16xf32> to vector<16xf32>
      %swap3A_318 = vector.shape_cast %get3A_312 : vector<16xf32> to vector<1x16xf32>
      tpu.vector_store %arg7[%swap3A_314, %swap3A_315], %swap3A_318 {add = true, strides = array<i32>} : memref<16x1024xf32, #tpu.memory_space<vmem>>, vector<1x16xf32>,
      %get3A_319 = arith.constant 6 : i32
      %get3A_320 = arith.index_cast %get3A_319 : i32 to index
      %get3A_321 = arith.index_cast %mul3A_254 : i32 to index
      %get3A_322 = tpu.vector_load %arg10[%get3A_320, %get3A_321] {strides = array<i32>} : memref<16x1024xf32, #tpu.memory_space<vmem>>, vector<1x16xf32>,
      %get3A_323 = vector.shape_cast %get3A_322 : vector<1x16xf32> to vector<16xf32>
      %swap3A_324 = arith.constant 6 : i32
      %swap3A_325 = arith.index_cast %swap3A_324 : i32 to index
      %swap3A_326 = arith.index_cast %mul3A_254 : i32 to index
      %swap3A_327 = tpu.vector_load %arg7[%swap3A_325, %swap3A_326] {strides = array<i32>} : memref<16x1024xf32, #tpu.memory_space<vmem>>, vector<1x16xf32>,
      %swap3A_328 = vector.shape_cast %swap3A_327 : vector<1x16xf32> to vector<16xf32>
      %swap3A_329 = vector.shape_cast %get3A_323 : vector<16xf32> to vector<1x16xf32>
      tpu.vector_store %arg7[%swap3A_325, %swap3A_326], %swap3A_329 {add = true, strides = array<i32>} : memref<16x1024xf32, #tpu.memory_space<vmem>>, vector<1x16xf32>,
      %get3A_330 = arith.constant 7 : i32
      %get3A_331 = arith.index_cast %get3A_330 : i32 to index
      %get3A_332 = arith.index_cast %mul3A_254 : i32 to index
      %get3A_333 = tpu.vector_load %arg10[%get3A_331, %get3A_332] {strides = array<i32>} : memref<16x1024xf32, #tpu.memory_space<vmem>>, vector<1x16xf32>,
      %get3A_334 = vector.shape_cast %get3A_333 : vector<1x16xf32> to vector<16xf32>
      %swap3A_335 = arith.constant 7 : i32
      %swap3A_336 = arith.index_cast %swap3A_335 : i32 to index
      %swap3A_337 = arith.index_cast %mul3A_254 : i32 to index
      %swap3A_338 = tpu.vector_load %arg7[%swap3A_336, %swap3A_337] {strides = array<i32>} : memref<16x1024xf32, #tpu.memory_space<vmem>>, vector<1x16xf32>,
      %swap3A_339 = vector.shape_cast %swap3A_338 : vector<1x16xf32> to vector<16xf32>
      %swap3A_340 = vector.shape_cast %get3A_334 : vector<16xf32> to vector<1x16xf32>
      tpu.vector_store %arg7[%swap3A_336, %swap3A_337], %swap3A_340 {add = true, strides = array<i32>} : memref<16x1024xf32, #tpu.memory_space<vmem>>, vector<1x16xf32>,
      %get3A_341 = arith.constant 8 : i32
      %get3A_342 = arith.index_cast %get3A_341 : i32 to index
      %get3A_343 = arith.index_cast %mul3A_254 : i32 to index
      %get3A_344 = tpu.vector_load %arg10[%get3A_342, %get3A_343] {strides = array<i32>} : memref<16x1024xf32, #tpu.memory_space<vmem>>, vector<1x16xf32>,
      %get3A_345 = vector.shape_cast %get3A_344 : vector<1x16xf32> to vector<16xf32>
      %swap3A_346 = arith.constant 8 : i32
      %swap3A_347 = arith.index_cast %swap3A_346 : i32 to index
      %swap3A_348 = arith.index_cast %mul3A_254 : i32 to index
      %swap3A_349 = tpu.vector_load %arg7[%swap3A_347, %swap3A_348] {strides = array<i32>} : memref<16x1024xf32, #tpu.memory_space<vmem>>, vector<1x16xf32>,
      %swap3A_350 = vector.shape_cast %swap3A_349 : vector<1x16xf32> to vector<16xf32>
      %swap3A_351 = vector.shape_cast %get3A_345 : vector<16xf32> to vector<1x16xf32>
      tpu.vector_store %arg7[%swap3A_347, %swap3A_348], %swap3A_351 {add = true, strides = array<i32>} : memref<16x1024xf32, #tpu.memory_space<vmem>>, vector<1x16xf32>,
      %get3A_352 = arith.constant 9 : i32
      %get3A_353 = arith.index_cast %get3A_352 : i32 to index
      %get3A_354 = arith.index_cast %mul3A_254 : i32 to index
      %get3A_355 = tpu.vector_load %arg10[%get3A_353, %get3A_354] {strides = array<i32>} : memref<16x1024xf32, #tpu.memory_space<vmem>>, vector<1x16xf32>,
      %get3A_356 = vector.shape_cast %get3A_355 : vector<1x16xf32> to vector<16xf32>
      %swap3A_357 = arith.constant 9 : i32
      %swap3A_358 = arith.index_cast %swap3A_357 : i32 to index
      %swap3A_359 = arith.index_cast %mul3A_254 : i32 to index
      %swap3A_360 = tpu.vector_load %arg7[%swap3A_358, %swap3A_359] {strides = array<i32>} : memref<16x1024xf32, #tpu.memory_space<vmem>>, vector<1x16xf32>,
      %swap3A_361 = vector.shape_cast %swap3A_360 : vector<1x16xf32> to vector<16xf32>
      %swap3A_362 = vector.shape_cast %get3A_356 : vector<16xf32> to vector<1x16xf32>
      tpu.vector_store %arg7[%swap3A_358, %swap3A_359], %swap3A_362 {add = true, strides = array<i32>} : memref<16x1024xf32, #tpu.memory_space<vmem>>, vector<1x16xf32>,
      %get3A_363 = arith.constant 10 : i32
      %get3A_364 = arith.index_cast %get3A_363 : i32 to index
      %get3A_365 = arith.index_cast %mul3A_254 : i32 to index
      %get3A_366 = tpu.vector_load %arg10[%get3A_364, %get3A_365] {strides = array<i32>} : memref<16x1024xf32, #tpu.memory_space<vmem>>, vector<1x16xf32>,
      %get3A_367 = vector.shape_cast %get3A_366 : vector<1x16xf32> to vector<16xf32>
      %swap3A_368 = arith.constant 10 : i32
      %swap3A_369 = arith.index_cast %swap3A_368 : i32 to index
      %swap3A_370 = arith.index_cast %mul3A_254 : i32 to index
      %swap3A_371 = tpu.vector_load %arg7[%swap3A_369, %swap3A_370] {strides = array<i32>} : memref<16x1024xf32, #tpu.memory_space<vmem>>, vector<1x16xf32>,
      %swap3A_372 = vector.shape_cast %swap3A_371 : vector<1x16xf32> to vector<16xf32>
      %swap3A_373 = vector.shape_cast %get3A_367 : vector<16xf32> to vector<1x16xf32>
      tpu.vector_store %arg7[%swap3A_369, %swap3A_370], %swap3A_373 {add = true, strides = array<i32>} : memref<16x1024xf32, #tpu.memory_space<vmem>>, vector<1x16xf32>,
      %get3A_374 = arith.constant 11 : i32
      %get3A_375 = arith.index_cast %get3A_374 : i32 to index
      %get3A_376 = arith.index_cast %mul3A_254 : i32 to index
      %get3A_377 = tpu.vector_load %arg10[%get3A_375, %get3A_376] {strides = array<i32>} : memref<16x1024xf32, #tpu.memory_space<vmem>>, vector<1x16xf32>,
      %get3A_378 = vector.shape_cast %get3A_377 : vector<1x16xf32> to vector<16xf32>
      %swap3A_379 = arith.constant 11 : i32
      %swap3A_380 = arith.index_cast %swap3A_379 : i32 to index
      %swap3A_381 = arith.index_cast %mul3A_254 : i32 to index
      %swap3A_382 = tpu.vector_load %arg7[%swap3A_380, %swap3A_381] {strides = array<i32>} : memref<16x1024xf32, #tpu.memory_space<vmem>>, vector<1x16xf32>,
      %swap3A_383 = vector.shape_cast %swap3A_382 : vector<1x16xf32> to vector<16xf32>
      %swap3A_384 = vector.shape_cast %get3A_378 : vector<16xf32> to vector<1x16xf32>
      tpu.vector_store %arg7[%swap3A_380, %swap3A_381], %swap3A_384 {add = true, strides = array<i32>} : memref<16x1024xf32, #tpu.memory_space<vmem>>, vector<1x16xf32>,
      %get3A_385 = arith.constant 12 : i32
      %get3A_386 = arith.index_cast %get3A_385 : i32 to index
      %get3A_387 = arith.index_cast %mul3A_254 : i32 to index
      %get3A_388 = tpu.vector_load %arg10[%get3A_386, %get3A_387] {strides = array<i32>} : memref<16x1024xf32, #tpu.memory_space<vmem>>, vector<1x16xf32>,
      %get3A_389 = vector.shape_cast %get3A_388 : vector<1x16xf32> to vector<16xf32>
      %swap3A_390 = arith.constant 12 : i32
      %swap3A_391 = arith.index_cast %swap3A_390 : i32 to index
      %swap3A_392 = arith.index_cast %mul3A_254 : i32 to index
      %swap3A_393 = tpu.vector_load %arg7[%swap3A_391, %swap3A_392] {strides = array<i32>} : memref<16x1024xf32, #tpu.memory_space<vmem>>, vector<1x16xf32>,
      %swap3A_394 = vector.shape_cast %swap3A_393 : vector<1x16xf32> to vector<16xf32>
      %swap3A_395 = vector.shape_cast %get3A_389 : vector<16xf32> to vector<1x16xf32>
      tpu.vector_store %arg7[%swap3A_391, %swap3A_392], %swap3A_395 {add = true, strides = array<i32>} : memref<16x1024xf32, #tpu.memory_space<vmem>>, vector<1x16xf32>,
      %get3A_396 = arith.constant 13 : i32
      %get3A_397 = arith.index_cast %get3A_396 : i32 to index
      %get3A_398 = arith.index_cast %mul3A_254 : i32 to index
      %get3A_399 = tpu.vector_load %arg10[%get3A_397, %get3A_398] {strides = array<i32>} : memref<16x1024xf32, #tpu.memory_space<vmem>>, vector<1x16xf32>,
      %get3A_400 = vector.shape_cast %get3A_399 : vector<1x16xf32> to vector<16xf32>
      %swap3A_401 = arith.constant 13 : i32
      %swap3A_402 = arith.index_cast %swap3A_401 : i32 to index
      %swap3A_403 = arith.index_cast %mul3A_254 : i32 to index
      %swap3A_404 = tpu.vector_load %arg7[%swap3A_402, %swap3A_403] {strides = array<i32>} : memref<16x1024xf32, #tpu.memory_space<vmem>>, vector<1x16xf32>,
      %swap3A_405 = vector.shape_cast %swap3A_404 : vector<1x16xf32> to vector<16xf32>
      %swap3A_406 = vector.shape_cast %get3A_400 : vector<16xf32> to vector<1x16xf32>
      tpu.vector_store %arg7[%swap3A_402, %swap3A_403], %swap3A_406 {add = true, strides = array<i32>} : memref<16x1024xf32, #tpu.memory_space<vmem>>, vector<1x16xf32>,
      %get3A_407 = arith.constant 14 : i32
      %get3A_408 = arith.index_cast %get3A_407 : i32 to index
      %get3A_409 = arith.index_cast %mul3A_254 : i32 to index
      %get3A_410 = tpu.vector_load %arg10[%get3A_408, %get3A_409] {strides = array<i32>} : memref<16x1024xf32, #tpu.memory_space<vmem>>, vector<1x16xf32>,
      %get3A_411 = vector.shape_cast %get3A_410 : vector<1x16xf32> to vector<16xf32>
      %swap3A_412 = arith.constant 14 : i32
      %swap3A_413 = arith.index_cast %swap3A_412 : i32 to index
      %swap3A_414 = arith.index_cast %mul3A_254 : i32 to index
      %swap3A_415 = tpu.vector_load %arg7[%swap3A_413, %swap3A_414] {strides = array<i32>} : memref<16x1024xf32, #tpu.memory_space<vmem>>, vector<1x16xf32>,
      %swap3A_416 = vector.shape_cast %swap3A_415 : vector<1x16xf32> to vector<16xf32>
      %swap3A_417 = vector.shape_cast %get3A_411 : vector<16xf32> to vector<1x16xf32>
      tpu.vector_store %arg7[%swap3A_413, %swap3A_414], %swap3A_417 {add = true, strides = array<i32>} : memref<16x1024xf32, #tpu.memory_space<vmem>>, vector<1x16xf32>,
      %get3A_418 = arith.constant 15 : i32
      %get3A_419 = arith.index_cast %get3A_418 : i32 to index
      %get3A_420 = arith.index_cast %mul3A_254 : i32 to index
      %get3A_421 = tpu.vector_load %arg10[%get3A_419, %get3A_420] {strides = array<i32>} : memref<16x1024xf32, #tpu.memory_space<vmem>>, vector<1x16xf32>,
      %get3A_422 = vector.shape_cast %get3A_421 : vector<1x16xf32> to vector<16xf32>
      %swap3A_423 = arith.constant 15 : i32
      %swap3A_424 = arith.index_cast %swap3A_423 : i32 to index
      %swap3A_425 = arith.index_cast %mul3A_254 : i32 to index
      %swap3A_426 = tpu.vector_load %arg7[%swap3A_424, %swap3A_425] {strides = array<i32>} : memref<16x1024xf32, #tpu.memory_space<vmem>>, vector<1x16xf32>,
      %swap3A_427 = vector.shape_cast %swap3A_426 : vector<1x16xf32> to vector<16xf32>
      %swap3A_428 = vector.shape_cast %get3A_422 : vector<16xf32> to vector<1x16xf32>
      tpu.vector_store %arg7[%swap3A_424, %swap3A_425], %swap3A_428 {add = true, strides = array<i32>} : memref<16x1024xf32, #tpu.memory_space<vmem>>, vector<1x16xf32>,
    }
    %scan3A_227 = arith.constant 64 : i32
    %add3A_228 = arith.constant 80 : i32
    %add3A_229 = arith.addi %mul3A_2, %add3A_228 : i32
    %dma_start3A_230 = arith.constant 0 : i32
    %dma_start3A_231 = tpu.memref_slice %arg4[%add3A_229, %dma_start3A_230] : memref<3072x1024xf32, #tpu.memory_space<hbm>> -> memref<16x1024xf32, #tpu.memory_space<hbm>>
    %dma_start3A_232 = arith.constant 0 : i32
    %dma_start3A_233 = tpu.memref_slice %arg4[%add3A_229, %dma_start3A_232] : memref<3072x1024xf32, #tpu.memory_space<hbm>> -> memref<16x1024xf32, #tpu.memory_space<hbm>>
    tpu.enqueue_dma source(%arg7 : memref<16x1024xf32, #tpu.memory_space<vmem>>) target(%dma_start3A_233 : memref<16x1024xf32, #tpu.memory_space<hbm>>) target_semaphore(%arg19 : memref<!tpu.dma_semaphore, #tpu.memory_space<semaphore_mem>>)
    %add3A_234 = arith.constant 48 : i32
    %add3A_235 = arith.addi %mul3A_2, %add3A_234 : i32
    %dma_wait3A_236 = arith.constant 0 : i32
    %dma_wait3A_237 = tpu.memref_slice %arg4[%add3A_235, %dma_wait3A_236] : memref<3072x1024xf32, #tpu.memory_space<hbm>> -> memref<16x1024xf32, #tpu.memory_space<hbm>>
    %dma_wait3A_238 = arith.constant 0 : i32
    %dma_wait3A_239 = tpu.memref_slice %arg4[%add3A_235, %dma_wait3A_238] : memref<3072x1024xf32, #tpu.memory_space<hbm>> -> memref<16x1024xf32, #tpu.memory_space<hbm>>
    tpu.wait_dma2 semaphore(%arg17 : memref<!tpu.dma_semaphore, #tpu.memory_space<semaphore_mem>>) src(%arg5 : memref<16x1024xf32, #tpu.memory_space<vmem>>) dst(%dma_wait3A_239 : memref<16x1024xf32, #tpu.memory_space<hbm>>)
    %add3A_240 = arith.constant 64 : i32
    %add3A_241 = arith.addi %mul3A_2, %add3A_240 : i32
    %dma_wait3A_242 = arith.constant 0 : i32
    %dma_wait3A_243 = tpu.memref_slice %arg4[%add3A_241, %dma_wait3A_242] : memref<3072x1024xf32, #tpu.memory_space<hbm>> -> memref<16x1024xf32, #tpu.memory_space<hbm>>
    %dma_wait3A_244 = arith.constant 0 : i32
    %dma_wait3A_245 = tpu.memref_slice %arg4[%add3A_241, %dma_wait3A_244] : memref<3072x1024xf32, #tpu.memory_space<hbm>> -> memref<16x1024xf32, #tpu.memory_space<hbm>>
    tpu.wait_dma2 semaphore(%arg18 : memref<!tpu.dma_semaphore, #tpu.memory_space<semaphore_mem>>) src(%arg6 : memref<16x1024xf32, #tpu.memory_space<vmem>>) dst(%dma_wait3A_245 : memref<16x1024xf32, #tpu.memory_space<hbm>>)
    %add3A_246 = arith.constant 80 : i32
    %add3A_247 = arith.addi %mul3A_2, %add3A_246 : i32
    %dma_wait3A_248 = arith.constant 0 : i32
    %dma_wait3A_249 = tpu.memref_slice %arg4[%add3A_247, %dma_wait3A_248] : memref<3072x1024xf32, #tpu.memory_space<hbm>> -> memref<16x1024xf32, #tpu.memory_space<hbm>>
    %dma_wait3A_250 = arith.constant 0 : i32
    %dma_wait3A_251 = tpu.memref_slice %arg4[%add3A_247, %dma_wait3A_250] : memref<3072x1024xf32, #tpu.memory_space<hbm>> -> memref<16x1024xf32, #tpu.memory_space<hbm>>
    tpu.wait_dma2 semaphore(%arg19 : memref<!tpu.dma_semaphore, #tpu.memory_space<semaphore_mem>>) src(%arg7 : memref<16x1024xf32, #tpu.memory_space<vmem>>) dst(%dma_wait3A_251 : memref<16x1024xf32, #tpu.memory_space<hbm>>)
    return
  }
}

module attributes {stable_mosaic.version = 14 : i64} {
  func.func @_tc_add(%arg0: i32, %arg1: memref<1024x1024xf32, #tpu.memory_space<vmem>>, %arg2: memref<1024x1024xf32, #tpu.memory_space<vmem>>, %arg3: memref<1024x1024xf32, #tpu.memory_space<vmem>>) attributes {dimension_semantics = [#tpu.dimension_semantics<arbitrary>], iteration_bounds = array<i64: 5>, scalar_prefetch = 0 : i64, scratch_operands = 0 : i64, tpu.core_type = #tpu.core_type<tc>, window_params = [{transform_indices = @transform_0, window_bounds = array<i64: 1024, 1024>}, {transform_indices = @transform_1, window_bounds = array<i64: 1024, 1024>}, {transform_indices = @transform_2, window_bounds = array<i64: 1024, 1024>}]} {
    %get3A = arith.constant 0 : index
    %get3A_0 = arith.constant 0 : index
    %get3A_1 = vector.load %arg1[%get3A, %get3A_0] : memref<1024x1024xf32, #tpu.memory_space<vmem>>, vector<1024x1024xf32>
    %get3A_2 = arith.constant 0 : index
    %get3A_3 = arith.constant 0 : index
    %get3A_4 = vector.load %arg2[%get3A_2, %get3A_3] : memref<1024x1024xf32, #tpu.memory_space<vmem>>, vector<1024x1024xf32>
    %add3A = arith.addf %get3A_1, %get3A_4 : vector<1024x1024xf32>
    %swap3A = arith.constant 0 : index
    %swap3A_5 = arith.constant 0 : index
    %swap3A_6 = vector.load %arg3[%swap3A, %swap3A_5] : memref<1024x1024xf32, #tpu.memory_space<vmem>>, vector<1024x1024xf32>
    tpu.vector_store %arg3[%swap3A, %swap3A_5], %add3A {strides = array<i32>} : memref<1024x1024xf32, #tpu.memory_space<vmem>>, vector<1024x1024xf32>,
    return
  }
  func.func @transform_0(%arg0: i32) -> (i32, i32) {
    %c0_i32 = arith.constant 0 : i32
    %c0_i32_0 = arith.constant 0 : i32
    return %arg0, %c0_i32 : i32, i32
  }
  func.func @transform_1(%arg0: i32) -> (i32, i32) {
    %c0_i32 = arith.constant 0 : i32
    %c0_i32_0 = arith.constant 0 : i32
    return %arg0, %c0_i32 : i32, i32
  }
  func.func @transform_2(%arg0: i32) -> (i32, i32) {
    %c0_i32 = arith.constant 0 : i32
    %c0_i32_0 = arith.constant 0 : i32
    return %arg0, %c0_i32 : i32, i32
  }
}

</mosaic_0001>

<sc_bundles>
// kernel: kernel.4.cloned.1.call-start
scs
__scs_entry_jumppad:
0x0: {  	(pc) =	sbr.rel $0x88, $3  }
0x1: {  	(tag) =	ssettag $0x0;
	lr =	simm.s32 $0x1  }
0x2: {  	[smem:$0x3F9F] =	sst lr;
	_ =	strace $0xD0000000  }
0x3: {  	_ = 	snop  }
0x4: {  	_ = 	snop  }
0x5: {  	_ = 	snop  }
0x6: {  	_ = 	snop  }
0x7: {  	_ = 	snop  }
__scs_overlays_trampoline_lowered:
0x8: {  	[smem:$0x3FAE] =	sst s0  }
0x9: {  	[smem:$0x3FAF] =	sst s1  }
0xa: {  	[smem:$0x3FB0] =	sst s2  }
0xb: {  	[smem:$0x3FB1] =	sst s3  }
0xc: {  	[smem:$0x3FB2] =	sst s4  }
0xd: {  	[smem:$0x3FB3] =	sst s5  }
0xe: {  	[smem:$0x3FB4] =	sst s6  }
0xf: {  	[smem:$0x3FB5] =	sst s7  }
0x10: {  	[smem:$0x3FB6] =	sst s8  }
0x11: {  	[smem:$0x3FB7] =	sst s9;
	s0 =	simm.s32 @!p0 $0x0  }
0x12: {  	s1 =	sld [smem:$0x3F9D];
	s0 =	simm.s32 @p0 $0x1  }
0x13: {  	[smem:$0x3FB8] =	sst s0;
	s0 =	simm.s32 @!p1 $0x0  }
0x14: {  	s2 =	sld [smem:$0x3F9C];
	s0 =	simm.s32 @p1 $0x1  }
0x15: {  	[smem:$0x3FB9] =	sst s0;
	s0 =	simm.s32 @!p2 $0x0  }
0x16: {  	s3 =	sld [smem:$0x3FDB];
	s0 =	simm.s32 @p2 $0x1  }
0x17: {  	s4 =	simm.s32 $0x1BF5;
	[smem:$0x3FBB] =	sst s0  }
0x18: {  	s0 =	sld [smem:$0x3F9E];
	_ =	swait.ge [sflag:s4], $0x0  }
0x19: {  	s7 =	sld [smem:$0x3F9F]  }
0x1a: {  	s8 =	sadd.s32 $0xFFFFE003, lr  }
0x1b: {  	s9 =	sadd.s32 $0xFFFFFEF7, lr;
	s5 =	simm.s32 $0xFFFFFFFF;
	p2 =	slt.u32 s8, $0xFFFFF086  }
0x1c: {  	p1 =	slt.u32 s9, $0xF7A;
	s5 =	simm.s32 @!p2 $0x0  }
0x1d: {  	s5 =	simm.s32 @p1 $0x1;
	p0 =	seq.s32 s7, s2  }
0x1e: {  	s7 =	smul.u32 @!p0 $0xF7A, s2;
	p2 =	seq.s32 @!p0 s5, $0x0  }
0x1f: {  	s9 =	smul.u32 $0xF7A, s1;
	s8 =	simm.s32 @!p0 $0x1BF5;
	p2 =	por !p2, p0  }
0x20: {  	[sflag:s8] =	ssyncset.s32 @!p0 $0xFFFFF086;
	s6 =	sadd.s32 @!p0 s3, s7;
	s7 =	simm.s32 @!p0 $0x108  }
0x21: {  	s3 =	sadd.s32 s3, s9;
	s6 =	sadd.s32 @!p0 $0x88, s6;
	s7 =	simm.s32 @p2 $0x1082  }
0x22: {  	[simem:s7], [sflag:s8] =	dma.local @!p0 [hbm:s6], $0xF7A  }
0x23: {  	s9 =	sor.u32 $0xD0000000, s2;
	s6 =	simm.s32 $0x108;
	_ =	swait.ge @!p0 [sflag:s8], $0x0  }
0x24: {  	s3 =	sadd.s32 $0x88, s3;
	s6 =	simm.s32 @!p1 $0x1082;
	[sflag:s4] =	ssyncset.s32 $0xFFFFF086  }
0x25: {  	[simem:s6], [sflag:s4] =	dma.local [hbm:s3], $0xF7A  }
0x26: {  	[smem:$0x3F9F] =	sst s1;
	(tag) =	ssettag s2;
	_ =	strace s9  }
0x27: {  	s1 =	sld [smem:$0x3FAF]  }
0x28: {  	s2 =	sld [smem:$0x3FB0]  }
0x29: {  	s4 =	sld [smem:$0x3FB2]  }
0x2a: {  	p0 =	seq.s32 s5, $0x0;
	s5 =	sld [smem:$0x3FB3]  }
0x2b: {  	s6 =	sld [smem:$0x3FB4]  }
0x2c: {  	s7 =	sld [smem:$0x3FB5]  }
0x2d: {  	s3 =	simm.s32 $0x108;
	s8 =	sld [smem:$0x3FB6]  }
0x2e: {  	s3 =	simm.s32 @!p0 $0x1082;
	s9 =	sld [smem:$0x3FB7]  }
0x2f: {  	lr =	sadd.s32 s0, s3;
	s0 =	sld [smem:$0x3FAE]  }
0x30: {  	s3 =	sld [smem:$0x3FB1]  }
0x31: {  	[smem:$0x3FBA] =	sst s10  }
0x32: {  	s10 =	sld [smem:$0x3FB8];
	_ =	sdelay $0x3  }
0x33: {  	p0 =	seq.s32 s10, $0x1;
	s10 =	sld [smem:$0x3FBA];
	_ =	sdelay $0x3  }
0x34: {  	[smem:$0x3FBA] =	sst s10  }
0x35: {  	s10 =	sld [smem:$0x3FB9];
	_ =	sdelay $0x3  }
0x36: {  	p1 =	seq.s32 s10, $0x1;
	s10 =	sld [smem:$0x3FBA];
	_ =	sdelay $0x3  }
0x37: {  	[smem:$0x3FBA] =	sst s10  }
0x38: {  	s10 =	sld [smem:$0x3FBB]  }
0x39: {  	_ = 	snop;
	(pc) =	sbr.ind lr, $3  }
0x3a: {  	_ = 	snop  }
0x3b: {  	_ = 	snop  }
0x3c: {  	p2 =	seq.s32 s10, $0x1;
	s10 =	sld [smem:$0x3FBA]  }
0x3d: {  	_ =	shalt  }
0x3e: {  	_ =	shalt  }
0x3f: {  	_ =	shalt  }
0x40: {  	_ =	shalt  }
0x41: {  	_ =	shalt  }
0x42: {  	_ =	shalt  }
0x43: {  	_ =	shalt  }
0x44: {  	_ =	shalt  }
0x45: {  	_ =	shalt  }
0x46: {  	_ =	shalt  }
0x47: {  	_ =	shalt  }
0x48: {  	_ =	shalt  }
0x49: {  	_ =	shalt  }
0x4a: {  	_ =	shalt  }
0x4b: {  	_ =	shalt  }
0x4c: {  	_ =	shalt  }
0x4d: {  	_ =	shalt  }
0x4e: {  	_ =	shalt  }
0x4f: {  	_ =	shalt  }
0x50: {  	_ =	shalt  }
0x51: {  	_ =	shalt  }
0x52: {  	_ =	shalt  }
0x53: {  	_ =	shalt  }
0x54: {  	_ =	shalt  }
0x55: {  	_ =	shalt  }
0x56: {  	_ =	shalt  }
0x57: {  	_ =	shalt  }
0x58: {  	_ =	shalt  }
0x59: {  	_ =	shalt  }
0x5a: {  	_ =	shalt  }
0x5b: {  	_ =	shalt  }
0x5c: {  	_ =	shalt  }
0x5d: {  	_ =	shalt  }
0x5e: {  	_ =	shalt  }
0x5f: {  	_ =	shalt  }
0x60: {  	_ =	shalt  }
0x61: {  	_ =	shalt  }
0x62: {  	_ =	shalt  }
0x63: {  	_ =	shalt  }
0x64: {  	_ =	shalt  }
0x65: {  	_ =	shalt  }
0x66: {  	_ =	shalt  }
0x67: {  	_ =	shalt  }
0x68: {  	_ =	shalt  }
0x69: {  	_ =	shalt  }
0x6a: {  	_ =	shalt  }
0x6b: {  	_ =	shalt  }
0x6c: {  	_ =	shalt  }
0x6d: {  	_ =	shalt  }
0x6e: {  	_ =	shalt  }
0x6f: {  	_ =	shalt  }
0x70: {  	_ =	shalt  }
0x71: {  	_ =	shalt  }
0x72: {  	_ =	shalt  }
0x73: {  	_ =	shalt  }
0x74: {  	_ =	shalt  }
0x75: {  	_ =	shalt  }
0x76: {  	_ =	shalt  }
0x77: {  	_ =	shalt  }
0x78: {  	_ =	shalt  }
0x79: {  	_ =	shalt  }
0x7a: {  	_ =	shalt  }
0x7b: {  	_ =	shalt  }
0x7c: {  	_ =	shalt  }
0x7d: {  	_ =	shalt  }
0x7e: {  	_ =	shalt  }
0x7f: {  	_ =	shalt  }
0x80: {  	_ =	shalt  }
0x81: {  	_ =	shalt  }
0x82: {  	_ =	shalt  }
0x83: {  	_ =	shalt  }
0x84: {  	_ =	shalt  }
0x85: {  	_ =	shalt  }
0x86: {  	_ =	shalt  }
0x87: {  	_ =	shalt  }
.Lfunc_end0:
.L_simem_size_0:
called_computation_lowered:
.L_overlay_start_0:
0x88: {  	s2 =	sld [smem:$0x3FD9]  }
0x89: {  	s3 =	sld [smem:$0x3FFE];
	_ =	sdelay $0x1  }
0x8a: {  	s1 =	srdreg.scid  }
0x8b: {  	s0 =	sand.u32 $0x1, s1  }
0x8c: {  	s17 =	sshll.u32 s0, $0xA;
	s2 =	sadd.s32 s3, s2  }
0x8d: {  	s2 =	sadd.s32 s2, s17  }
0x8e: {  	[smem:$0x3FC6] =	sst s2  }
0x8f: {  	_ = 	snop  }
0x90: {  	s2 =	sld [smem:$0x3FC9]  }
0x91: {  	s18 =	sld [smem:$0x3FC8];
	(tm) =	ssettm $0x1  }
0x92: {  	s4 =	sld [smem:$0x3FFB];
	_ =	sdelay $0x3  }
0x93: {  	_ =	strace s4  }
0x94: {  	s4 =	sld [smem:$0x3FFC];
	_ =	sdelay $0x3  }
0x95: {  	_ =	strace s4  }
0x96: {  	s4 =	sld [smem:$0x3FFD];
	_ =	sdelay $0x3  }
0x97: {  	_ =	strace s4  }
0x98: {  	_ =	strace $0x8FFFFFFF  }
0x99: {  	s19 =	sld [smem:$0x3FDB];
	_ =	sdelay $0x1  }
0x9a: {  	s5 =	simm.s32 $_scs_section_size  }
0x9b: {  	s6 =	simm.s32 $_size__tile_overlayer_lowered;
	s7 =	simm.s32 $_tile_overlayer_lowered  }
0x9c: {  	s22 =	simm.s32 $0x1BFF;
	s21 =	sshll.u32 s7, $0x1;
	s4 =	sadd.s32 s5, s19  }
0x9d: {  	s8 =	simm.s32 $0x0;
	s20 =	sshll.u32 s6, $0x1;
	s6 =	sadd.s32 s21, s4  }
0x9e: {  	[timem:s8], [sflag:s22] =	dma.local [hbm:s6], s20  }
0x9f: {  	_ =	swait.ge [sflag:s22], s20  }
0xa0: {  	s5 =	ssub.s32 $0x0, s20;
	[sflag:s22] =	ssyncset.done $0x0  }
0xa1: {  	[sflag:s22] =	ssyncadd.s32 s5;
	_ =	sdelay $0x1  }
0xa2: {  	s23 =	simm.s32 $0x1B8B  }
0xa3: {  	_ =	swait.ge [sflag:s23], $0x1  }
0xa4: {  	[sflag:s23] =	ssyncset.done $0x0  }
0xa5: {  	s25 =	simm.s32 $0x1B8E;
	s24 =	sld [smem:$0x3FFE];
	[sflag:s23] =	ssyncadd.s32 $0xFFFFFFFF  }
0xa6: {  	s26 =	simm.s32 $execute0_lowered;
	[smem:$0x3FD2] =	sst s25  }
0xa7: {  	s6 =	sshll.u32 s26, $0x1;
	_ =	strace $0x80000046;
	[dreg:$0x1] =	wrdreg $0xFFFFFFFF  }
0xa8: {  	s28 =	simm.s32 $_size_execute0_lowered;
	s4 =	sadd.s32 s4, s6;
	[dreg:$0x0] =	wrdreg $0x0  }
0xa9: {  	s6 =	sshll.u32 s28, $0x1;
	[dreg:$0x2] =	wrdreg s4  }
0xaa: {  	[dreg:$0x3] =	wrdreg s6  }
0xab: {  	[dreg:$0x4] =	wrdreg $0xC0  }
0xac: {  	_ =	task [dreg:s8], $0x5FFFF  }
0xad: {  	[dreg:$0x1] =	wrdreg $0xFFFFFFFF  }
0xae: {  	[dreg:$0x0] =	wrdreg $0x60  }
0xaf: {  	[dreg:$0x2] =	wrdreg s2  }
0xb0: {  	[dreg:$0x3] =	wrdreg s18  }
0xb1: {  	[dreg:$0x4] =	wrdreg s24  }
0xb2: {  	[dreg:$0x5] =	wrdreg $0x9  }
0xb3: {  	_ =	task.clear_ibuf [dreg:s8], $0x6FFFF;
	_ =	strace $0x90000046  }
0xb4: {  	s29 =	simm.s32 $0x9;
	_ =	strace $0x80000048  }
0xb5: {  	_ =	swait.ge [sflag:s29], $0x1  }
0xb6: {  	[sflag:s29] =	ssyncadd.s32 $0xFFFFFFFF  }
0xb7: {  	_ =	strace $0x90000048  }
0xb8: {  	_ =	sfence  }
0xb9: {  	s30 =	sld [smem:$0x0];
	_ =	sdelay $0x2  }
0xba: {  	s31 =	sshll.u32 s1, $0xD;
	s1 =	sshrl.u32 s1, $0x2  }
0xbb: {  	s3 =	sand.u32 $0x4000, s31;
	s1 =	sadd.s32 s1, s30  }
0xbc: {  	s0 =	sor.u32 s3, s0;
	s1 =	sshll.u32 s1, $0x11  }
0xbd: {  	s0 =	sor.u32 s1, s0  }
0xbe: {  	s0 =	sadd.s32 $0x8F2B, s0  }
0xbf: {  	[sflag:s0] =	ssyncadd.remote.s32 $0x1  }
0xc0: {  	_ =	sfence.sel $0xFFFF  }
0xc1: {  	[dreg:$0x0] =	wrdreg $0xFFFFFFFF;
	(pc) =	sbr.abs _section_cstart, $3  }
0xc2: {  	[dreg:$0x1] =	wrdreg $0xFFFFFFFF  }
0xc3: {  	_ =	task.clear_ibuf [dreg:s8], $0x2FFFF;
	_ =	strace $0x9FFFFFFF  }
0xc4: {  	(tm) =	ssettm $0x7FFFFFFF  }
0xc5: {  	_ =	shalt  }
tec
execute0_lowered:
.L_overlay_start_1:
0x0: {  	(tag) =	ssettag $0x1  }
0x1: {  	s0 =	rddreg [dreg:$0x0]  }
0x2: {  	s1 =	srdreg.scid;
	s2 =	stileid.u32  }
0x3: {  	s3 =	rddreg [dreg:$0x1];
	s1 =	sand.u32 $0x1, s1;
	s2 =	sshll.u32 s2, $0x1  }
0x4: {  	s4 =	rddreg [dreg:$0x2];
	s28 =	simm.s32 $0x1;
	s5 =	sor.u32 s1, s2  }
0x5: {  	s29 =	simm.s32 $0x4;
	s30 =	simm.s32 $0x7;
	s6 =	smul.u32 $0x18000, s5  }
0x6: {  	s31 =	simm.s32 $0x2;
	s4 =	sadd.s32 $0x400, s4;
	s2 =	simm.s32 $0x0  }
0x7: {  	s1 =	ssub.s32 $0x2, s1;
	[smem:$0x7FF] =	sst s2;
	s6 =	sshrl.u32 s6, $0x3  }
0x8: {  	s7 =	sshrl.u32 s1, $0x1;
	s5 =	smul.u32 $0x3000, s5;
	s8 =	sadd.s32 $0xA0000, s6  }
0x9: {  	_ =	strace $0x80000047;
	s1 =	ssub.s32 s1, s7;
	s14 =	sadd.s32 s0, s8  }
0xa: {  	s16 =	sadd.s32 $0xA0800, s6;
	s15 =	sadd.s32 s3, s8;
	[dreg:$0x4] =	wrdreg s14  }
0xb: {  	s17 =	sadd.s32 $0xA1000, s6;
	s9 =	sadd.s32 s0, s16;
	[dreg:$0x5] =	wrdreg s15  }
0xc: {  	s20 =	sadd.s32 $0xA1800, s6;
	s7 =	sadd.s32 s3, s16;
	[dreg:$0x6] =	wrdreg s9  }
0xd: {  	s22 =	sadd.s32 $0xA2000, s6;
	s18 =	sadd.s32 s0, s17;
	[dreg:$0x7] =	wrdreg s7  }
0xe: {  	s26 =	sadd.s32 $0xA2800, s6;
	s19 =	sadd.s32 s3, s17;
	[dreg:$0x8] =	wrdreg s18  }
0xf: {  	s21 =	sadd.s32 s0, s20;
	s24 =	sadd.s32 s0, s22;
	[dreg:$0x9] =	wrdreg s19  }
0x10: {  	s0 =	sadd.s32 s0, s26;
	s17 =	sadd.s32 s3, s26;
	[dreg:$0xa] =	wrdreg s21  }
0x11: {  	s9 =	sadd.s32 s4, s5;
	s5 =	sadd.s32 s3, s20;
	[dreg:$0xd] =	wrdreg s24  }
0x12: {  	s4 =	sadd.s32 s4, s6;
	[dreg:$0x10] =	wrdreg s0;
	s21 =	smax.u32 s1, $0x1  }
0x13: {  	s1 =	simm.s32 $0x5;
	s0 =	simm.s32 $0x8;
	s24 =	simm.s32 $0x0  }
0x14: {  	[dreg:$0xb] =	wrdreg s5;
	s23 =	sadd.s32 $0x800, s9;
	s5 =	sadd.s32 s3, s22  }
0x15: {  	s25 =	sadd.s32 $0x1000, s4;
	s18 =	sadd.s32 $0x1800, s4;
	s19 =	sadd.s32 $0x2000, s4  }
0x16: {  	s20 =	sadd.s32 $0x2800, s4;
	s3 =	simm.s32 $0x3;
	[dreg:$0xc] =	wrdreg s23  }
0x17: {  	s22 =	simm.s32 $0x6;
	s4 =	simm.s32 $0x9;
	[dreg:$0xe] =	wrdreg s5  }
0x18: {  	[dreg:$0xf] =	wrdreg s25;
	s23 =	simm.s32 $0x4000;
	s25 =	simm.s32 $0x8000  }
.LBB2_1:
0x19: {  	s5 =	rddreg [dreg:$0x4]  }
0x1a: {  	[tilespmem:s2], [sflag:$0x1] =	stream.linear.gather [hbm4b:s5+s2], $0x4000, $0x38;
	[tilespmem:$0x18000] =	vst v63  }
0x1b: {  	s26 =	rddreg [dreg:$0x5];
	s6 =	simm.s32 $0xC000  }
0x1c: {  	[tilespmem:s6], [sflag:$0x4] =	stream.linear.gather [hbm4b:s26+s2], $0x4000, $0x38;
	[tilespmem:$0x18000] =	vst v63  }
0x1d: {  	s6 =	rddreg [dreg:$0x6]  }
0x1e: {  	[tilespmem:s23], [sflag:$0x2] =	stream.linear.gather [hbm4b:s6+s2], $0x4000, $0x38;
	[tilespmem:$0x18000] =	vst v63  }
0x1f: {  	s7 =	rddreg [dreg:$0x7];
	s8 =	simm.s32 $0x10000  }
0x20: {  	[tilespmem:s8], [sflag:$0x5] =	stream.linear.gather [hbm4b:s7+s2], $0x4000, $0x38;
	[tilespmem:$0x18000] =	vst v63  }
0x21: {  	s10 =	rddreg [dreg:$0x8]  }
0x22: {  	[tilespmem:s25], [sflag:$0x3] =	stream.linear.gather [hbm4b:s10+s2], $0x4000, $0x38;
	[tilespmem:$0x18000] =	vst v63  }
0x23: {  	s11 =	rddreg [dreg:$0x9];
	s12 =	simm.s32 $0x14000  }
0x24: {  	[tilespmem:s12], [sflag:$0x6] =	stream.linear.gather [hbm4b:s11+s2], $0x4000, $0x38;
	[tilespmem:$0x18000] =	vst v63  }
0x25: {  	_ =	swait.ge [sflag:s28], $0x4000  }
0x26: {  	[sflag:s28] =	ssyncset.done $0x0  }
0x27: {  	[sflag:s28] =	ssyncadd.s32 $0xFFFFC000  }
0x28: {  	_ =	swait.ge [sflag:s29], $0x4000  }
0x29: {  	s13 =	sand.u32 $0x70, s2;
	s14 =	sand.u32 $0x1C00, s2;
	[sflag:s29] =	ssyncset.done $0x0  }
0x2a: {  	s5 =	sor.u32 s13, s14;
	[sflag:s29] =	ssyncadd.s32 $0xFFFFC000  }
0x2b: {  	v0 =	vld [tilespmem:s5+$0xC000]  }
0x2c: {  	v1 =	vld [tilespmem:s5+$0xC080];
	_ =	sdelay $0x3  }
0x2d: {  	s6 =	sor.u32 $0x80, s5;
	[tilespmem:s5+$0x0] =	vst.add.f32.msk $0xffff, v0  }
0x2e: {  	[tilespmem:s6+$0x0] =	vst.add.f32.msk $0xffff, v1  }
0x2f: {  	v0 =	vld [tilespmem:s5+$0xC100];
	_ =	sdelay $0x3  }
0x30: {  	s15 =	sor.u32 $0x100, s5  }
0x31: {  	[tilespmem:s15+$0x0] =	vst.add.f32.msk $0xffff, v0  }
0x32: {  	v0 =	vld [tilespmem:s5+$0xC180];
	_ =	sdelay $0x3  }
0x33: {  	s16 =	sor.u32 $0x180, s5  }
0x34: {  	[tilespmem:s16+$0x0] =	vst.add.f32.msk $0xffff, v0  }
0x35: {  	v0 =	vld [tilespmem:s5+$0xC200];
	_ =	sdelay $0x3  }
0x36: {  	s26 =	sor.u32 $0x200, s5  }
0x37: {  	[tilespmem:s26+$0x0] =	vst.add.f32.msk $0xffff, v0  }
0x38: {  	v0 =	vld [tilespmem:s5+$0xC280];
	_ =	sdelay $0x3  }
0x39: {  	s7 =	sor.u32 $0x280, s5  }
0x3a: {  	[tilespmem:s7+$0x0] =	vst.add.f32.msk $0xffff, v0  }
0x3b: {  	v0 =	vld [tilespmem:s5+$0xC300];
	_ =	sdelay $0x3  }
0x3c: {  	s8 =	sor.u32 $0x300, s5;
	s7 =	sor.u32 s2, s2  }
0x3d: {  	s10 =	sor.u32 $0x380, s7;
	[tilespmem:s8+$0x0] =	vst.add.f32.msk $0xffff, v0  }
0x3e: {  	v0 =	vld [tilespmem:s10+$0xC000];
	_ =	sdelay $0x4  }
0x3f: {  	[tilespmem:s10+$0x0] =	vst.add.f32.msk $0xffff, v0  }
0x40: {  	v0 =	vld [tilespmem:s5+$0xE000];
	_ =	sdelay $0x3  }
0x41: {  	s11 =	sor.u32 $0x2000, s5  }
0x42: {  	[tilespmem:s11+$0x0] =	vst.add.f32.msk $0xffff, v0  }
0x43: {  	v0 =	vld [tilespmem:s5+$0xE080];
	_ =	sdelay $0x3  }
0x44: {  	s12 =	sor.u32 $0x2080, s5  }
0x45: {  	[tilespmem:s12+$0x0] =	vst.add.f32.msk $0xffff, v0  }
0x46: {  	v0 =	vld [tilespmem:s5+$0xE100];
	_ =	sdelay $0x3  }
0x47: {  	s13 =	sor.u32 $0x2100, s5  }
0x48: {  	[tilespmem:s13+$0x0] =	vst.add.f32.msk $0xffff, v0  }
0x49: {  	v0 =	vld [tilespmem:s5+$0xE180];
	_ =	sdelay $0x3  }
0x4a: {  	s14 =	sor.u32 $0x2180, s5  }
0x4b: {  	[tilespmem:s14+$0x0] =	vst.add.f32.msk $0xffff, v0  }
0x4c: {  	v0 =	vld [tilespmem:s5+$0xE200];
	_ =	sdelay $0x3  }
0x4d: {  	s15 =	sor.u32 $0x2200, s5  }
0x4e: {  	[tilespmem:s15+$0x0] =	vst.add.f32.msk $0xffff, v0  }
0x4f: {  	v0 =	vld [tilespmem:s5+$0xE280];
	_ =	sdelay $0x3  }
0x50: {  	s16 =	sor.u32 $0x2280, s5  }
0x51: {  	[tilespmem:s16+$0x0] =	vst.add.f32.msk $0xffff, v0  }
0x52: {  	v0 =	vld [tilespmem:s5+$0xE300];
	_ =	sdelay $0x3  }
0x53: {  	s26 =	sor.u32 $0x2300, s5  }
0x54: {  	s8 =	sor.u32 $0x2380, s7;
	[tilespmem:s26+$0x0] =	vst.add.f32.msk $0xffff, v0  }
0x55: {  	v0 =	vld [tilespmem:s8+$0xC000];
	_ =	sdelay $0x1  }
0x56: {  	s5 =	simm.s32 $0x10;
	s26 =	simm.s32 $0x80  }
0x57: {  	s6 =	simm.s32 $0x20;
	s7 =	sand.u32 $0x70, s5;
	s10 =	sand.u32 $0x1C00, s26  }
.LBB2_2:
0x58: {  	p0 =	sne.s32 s6, $0x3F0  }
0x59: {  	s7 =	sor.u32 s7, s10;
	[tilespmem:s8+$0x0] =	vst.add.f32.msk $0xffff, v0;
	s12 =	smov.u32 s6;
	s6 =	sadd.s32 $0x10, s6  }
0x5a: {  	v0 =	vld [tilespmem:s7+$0xC000];
	s11 =	sor.u32 $0x80, s7;
	s13 =	sor.u32 $0x100, s7;
	s14 =	sor.u32 $0x200, s7  }
0x5b: {  	s15 =	sor.u32 $0x280, s7;
	s16 =	sor.u32 $0x300, s7;
	s10 =	sor.u32 $0x2100, s7;
	v1 =	vld [tilespmem:s7+$0xC080]  }
0x5c: {  	s8 =	sor.u32 $0x2200, s7;
	_ =	sdelay $0x2  }
0x5d: {  	[tilespmem:s7+$0x0] =	vst.add.f32.msk $0xffff, v0  }
0x5e: {  	[tilespmem:s11+$0x0] =	vst.add.f32.msk $0xffff, v1  }
0x5f: {  	v0 =	vld [tilespmem:s7+$0xC100];
	_ =	sdelay $0x4  }
0x60: {  	[tilespmem:s13+$0x0] =	vst.add.f32.msk $0xffff, v0  }
0x61: {  	v0 =	vld [tilespmem:s7+$0xC180];
	_ =	sdelay $0x3  }
0x62: {  	s11 =	sor.u32 $0x180, s7  }
0x63: {  	[tilespmem:s11+$0x0] =	vst.add.f32.msk $0xffff, v0  }
0x64: {  	v0 =	vld [tilespmem:s7+$0xC200];
	_ =	sdelay $0x4  }
0x65: {  	[tilespmem:s14+$0x0] =	vst.add.f32.msk $0xffff, v0  }
0x66: {  	v0 =	vld [tilespmem:s7+$0xC280];
	_ =	sdelay $0x4  }
0x67: {  	[tilespmem:s15+$0x0] =	vst.add.f32.msk $0xffff, v0  }
0x68: {  	v0 =	vld [tilespmem:s7+$0xC300];
	_ =	sdelay $0x3  }
0x69: {  	s11 =	sor.u32 s5, s26;
	s5 =	smov.u32 s12  }
0x6a: {  	s12 =	sor.u32 $0x380, s11;
	[tilespmem:s16+$0x0] =	vst.add.f32.msk $0xffff, v0  }
0x6b: {  	v0 =	vld [tilespmem:s12+$0xC000];
	_ =	sdelay $0x4  }
0x6c: {  	[tilespmem:s12+$0x0] =	vst.add.f32.msk $0xffff, v0  }
0x6d: {  	v0 =	vld [tilespmem:s7+$0xE000];
	_ =	sdelay $0x3  }
0x6e: {  	s12 =	sor.u32 $0x2000, s7  }
0x6f: {  	[tilespmem:s12+$0x0] =	vst.add.f32.msk $0xffff, v0  }
0x70: {  	v0 =	vld [tilespmem:s7+$0xE080];
	_ =	sdelay $0x3  }
0x71: {  	s12 =	sor.u32 $0x2080, s7  }
0x72: {  	[tilespmem:s12+$0x0] =	vst.add.f32.msk $0xffff, v0  }
0x73: {  	v0 =	vld [tilespmem:s7+$0xE100];
	_ =	sdelay $0x4  }
0x74: {  	[tilespmem:s10+$0x0] =	vst.add.f32.msk $0xffff, v0  }
0x75: {  	v0 =	vld [tilespmem:s7+$0xE180];
	_ =	sdelay $0x3  }
0x76: {  	s10 =	sor.u32 $0x2180, s7  }
0x77: {  	[tilespmem:s10+$0x0] =	vst.add.f32.msk $0xffff, v0  }
0x78: {  	v0 =	vld [tilespmem:s7+$0xE200];
	_ =	sdelay $0x4  }
0x79: {  	[tilespmem:s8+$0x0] =	vst.add.f32.msk $0xffff, v0  }
0x7a: {  	v0 =	vld [tilespmem:s7+$0xE280];
	_ =	sdelay $0x3  }
0x7b: {  	s8 =	sor.u32 $0x2280, s7  }
0x7c: {  	[tilespmem:s8+$0x0] =	vst.add.f32.msk $0xffff, v0  }
0x7d: {  	v0 =	vld [tilespmem:s7+$0xE300];
	_ =	sdelay $0x3  }
0x7e: {  	s7 =	sor.u32 $0x2300, s7  }
0x7f: {  	s8 =	sor.u32 $0x2380, s11;
	[tilespmem:s7+$0x0] =	vst.add.f32.msk $0xffff, v0  }
.Ltmp0:
0x80: {  	v0 =	vld [tilespmem:s8+$0xC000];
	(pc) =	sbr.rel @p0 .LBB2_2-.Ltmp0, $3  }
0x81: {  	_ =	sdelay $0x1  }
0x82: {  	s26 =	sadd.s32 $0x80, s26  }
0x83: {  	s10 =	sand.u32 $0x1C00, s26;
	s7 =	sand.u32 $0x70, s5  }
0x84: {  	s6 =	sor.u32 s7, s10;
	[tilespmem:s8+$0x0] =	vst.add.f32.msk $0xffff, v0  }
0x85: {  	v0 =	vld [tilespmem:s6+$0xC000]  }
0x86: {  	v1 =	vld [tilespmem:s6+$0xC080];
	_ =	sdelay $0x3  }
0x87: {  	s7 =	sor.u32 $0x80, s6;
	[tilespmem:s6+$0x0] =	vst.add.f32.msk $0xffff, v0  }
0x88: {  	[tilespmem:s7+$0x0] =	vst.add.f32.msk $0xffff, v1  }
0x89: {  	v0 =	vld [tilespmem:s6+$0xC100];
	_ =	sdelay $0x3  }
0x8a: {  	s14 =	sor.u32 $0x100, s6  }
0x8b: {  	[tilespmem:s14+$0x0] =	vst.add.f32.msk $0xffff, v0  }
0x8c: {  	v0 =	vld [tilespmem:s6+$0xC180];
	_ =	sdelay $0x3  }
0x8d: {  	s15 =	sor.u32 $0x180, s6  }
0x8e: {  	[tilespmem:s15+$0x0] =	vst.add.f32.msk $0xffff, v0  }
0x8f: {  	v0 =	vld [tilespmem:s6+$0xC200];
	_ =	sdelay $0x3  }
0x90: {  	s16 =	sor.u32 $0x200, s6  }
0x91: {  	[tilespmem:s16+$0x0] =	vst.add.f32.msk $0xffff, v0  }
0x92: {  	v0 =	vld [tilespmem:s6+$0xC280];
	_ =	sdelay $0x3  }
0x93: {  	s8 =	sor.u32 $0x280, s6  }
0x94: {  	[tilespmem:s8+$0x0] =	vst.add.f32.msk $0xffff, v0  }
0x95: {  	v0 =	vld [tilespmem:s6+$0xC300];
	_ =	sdelay $0x3  }
0x96: {  	s5 =	sor.u32 s5, s26;
	s10 =	sor.u32 $0x300, s6  }
0x97: {  	s11 =	sor.u32 $0x380, s5;
	[tilespmem:s10+$0x0] =	vst.add.f32.msk $0xffff, v0  }
0x98: {  	v0 =	vld [tilespmem:s11+$0xC000];
	_ =	sdelay $0x4  }
0x99: {  	[tilespmem:s11+$0x0] =	vst.add.f32.msk $0xffff, v0  }
0x9a: {  	v0 =	vld [tilespmem:s6+$0xE000];
	_ =	sdelay $0x3  }
0x9b: {  	s12 =	sor.u32 $0x2000, s6  }
0x9c: {  	[tilespmem:s12+$0x0] =	vst.add.f32.msk $0xffff, v0  }
0x9d: {  	v0 =	vld [tilespmem:s6+$0xE080];
	_ =	sdelay $0x3  }
0x9e: {  	s13 =	sor.u32 $0x2080, s6  }
0x9f: {  	[tilespmem:s13+$0x0] =	vst.add.f32.msk $0xffff, v0  }
0xa0: {  	v0 =	vld [tilespmem:s6+$0xE100];
	_ =	sdelay $0x3  }
0xa1: {  	s14 =	sor.u32 $0x2100, s6  }
0xa2: {  	[tilespmem:s14+$0x0] =	vst.add.f32.msk $0xffff, v0  }
0xa3: {  	v0 =	vld [tilespmem:s6+$0xE180];
	_ =	sdelay $0x3  }
0xa4: {  	s15 =	sor.u32 $0x2180, s6  }
0xa5: {  	[tilespmem:s15+$0x0] =	vst.add.f32.msk $0xffff, v0  }
0xa6: {  	v0 =	vld [tilespmem:s6+$0xE200];
	_ =	sdelay $0x3  }
0xa7: {  	s16 =	sor.u32 $0x2200, s6  }
0xa8: {  	[tilespmem:s16+$0x0] =	vst.add.f32.msk $0xffff, v0  }
0xa9: {  	v0 =	vld [tilespmem:s6+$0xE280];
	_ =	sdelay $0x3  }
0xaa: {  	s26 =	sor.u32 $0x2280, s6  }
0xab: {  	[tilespmem:s26+$0x0] =	vst.add.f32.msk $0xffff, v0  }
0xac: {  	v0 =	vld [tilespmem:s6+$0xE300];
	_ =	sdelay $0x3  }
0xad: {  	s6 =	sor.u32 $0x2300, s6  }
0xae: {  	s5 =	sor.u32 $0x2380, s5;
	[tilespmem:s6+$0x0] =	vst.add.f32.msk $0xffff, v0  }
0xaf: {  	v0 =	vld [tilespmem:s5+$0xC000];
	_ =	sdelay $0x4  }
0xb0: {  	[tilespmem:s5+$0x0] =	vst.add.f32.msk $0xffff, v0;
	s5 =	simm.s32 $0x0  }
0xb1: {  	[hbm4b:s9+s5] =	stream.linear.scatter [tilespmem:s5], [sflag:$0x7], $0x4000, $0x38;
	[tilespmem:$0x18000] =	vst v63  }
0xb2: {  	_ =	swait.ge [sflag:s30], $0x4000  }
0xb3: {  	[sflag:s30] =	ssyncset.done $0x0  }
0xb4: {  	s8 =	rddreg [dreg:$0xa];
	[sflag:s30] =	ssyncadd.s32 $0xFFFFC000  }
0xb5: {  	[tilespmem:s5], [sflag:$0x1] =	stream.linear.gather [hbm4b:s8+s5], $0x4000, $0x38;
	[tilespmem:$0x18000] =	vst v63  }
0xb6: {  	s11 =	simm.s32 $0xC000;
	s10 =	rddreg [dreg:$0xb]  }
0xb7: {  	[tilespmem:s11], [sflag:$0x4] =	stream.linear.gather [hbm4b:s10+s5], $0x4000, $0x38;
	[tilespmem:$0x18000] =	vst v63  }
0xb8: {  	_ =	swait.ge [sflag:s31], $0x4000  }
0xb9: {  	[sflag:s31] =	ssyncset.done $0x0  }
0xba: {  	[sflag:s31] =	ssyncadd.s32 $0xFFFFC000  }
0xbb: {  	_ =	swait.ge [sflag:s1], $0x4000  }
0xbc: {  	s12 =	sand.u32 $0x70, s5;
	s13 =	sand.u32 $0x1C00, s5;
	[sflag:s1] =	ssyncset.done $0x0  }
0xbd: {  	s6 =	sor.u32 s12, s13;
	[sflag:s1] =	ssyncadd.s32 $0xFFFFC000  }
0xbe: {  	v0 =	vld [tilespmem:s6+$0x10000];
	_ =	sdelay $0x3  }
0xbf: {  	s7 =	sor.u32 $0x4000, s6  }
0xc0: {  	[tilespmem:s7+$0x0] =	vst.add.f32.msk $0xffff, v0  }
0xc1: {  	v0 =	vld [tilespmem:s6+$0x10080];
	_ =	sdelay $0x3  }
0xc2: {  	s14 =	sor.u32 $0x4080, s6  }
0xc3: {  	[tilespmem:s14+$0x0] =	vst.add.f32.msk $0xffff, v0  }
0xc4: {  	v0 =	vld [tilespmem:s6+$0x10100];
	_ =	sdelay $0x3  }
0xc5: {  	s15 =	sor.u32 $0x4100, s6  }
0xc6: {  	[tilespmem:s15+$0x0] =	vst.add.f32.msk $0xffff, v0  }
0xc7: {  	v0 =	vld [tilespmem:s6+$0x10180];
	_ =	sdelay $0x3  }
0xc8: {  	s16 =	sor.u32 $0x4180, s6  }
0xc9: {  	[tilespmem:s16+$0x0] =	vst.add.f32.msk $0xffff, v0  }
0xca: {  	v0 =	vld [tilespmem:s6+$0x10200];
	_ =	sdelay $0x3  }
0xcb: {  	s26 =	sor.u32 $0x4200, s6  }
0xcc: {  	[tilespmem:s26+$0x0] =	vst.add.f32.msk $0xffff, v0  }
0xcd: {  	v0 =	vld [tilespmem:s6+$0x10280];
	_ =	sdelay $0x3  }
0xce: {  	s8 =	sor.u32 $0x4280, s6  }
0xcf: {  	[tilespmem:s8+$0x0] =	vst.add.f32.msk $0xffff, v0  }
0xd0: {  	v0 =	vld [tilespmem:s6+$0x10300];
	_ =	sdelay $0x3  }
0xd1: {  	s10 =	sor.u32 $0x4300, s6;
	s5 =	sor.u32 s5, s5  }
0xd2: {  	s11 =	sor.u32 $0x380, s5;
	[tilespmem:s10+$0x0] =	vst.add.f32.msk $0xffff, v0  }
0xd3: {  	v0 =	vld [tilespmem:s11+$0x10000];
	_ =	sdelay $0x4  }
0xd4: {  	[tilespmem:s11+$0x4000] =	vst.add.f32.msk $0xffff, v0  }
0xd5: {  	v0 =	vld [tilespmem:s6+$0x12000];
	_ =	sdelay $0x3  }
0xd6: {  	s12 =	sor.u32 $0x6000, s6  }
0xd7: {  	[tilespmem:s12+$0x0] =	vst.add.f32.msk $0xffff, v0  }
0xd8: {  	v0 =	vld [tilespmem:s6+$0x12080];
	_ =	sdelay $0x3  }
0xd9: {  	s13 =	sor.u32 $0x6080, s6  }
0xda: {  	[tilespmem:s13+$0x0] =	vst.add.f32.msk $0xffff, v0  }
0xdb: {  	v0 =	vld [tilespmem:s6+$0x12100];
	_ =	sdelay $0x3  }
0xdc: {  	s14 =	sor.u32 $0x6100, s6  }
0xdd: {  	[tilespmem:s14+$0x0] =	vst.add.f32.msk $0xffff, v0  }
0xde: {  	v0 =	vld [tilespmem:s6+$0x12180];
	_ =	sdelay $0x3  }
0xdf: {  	s15 =	sor.u32 $0x6180, s6  }
0xe0: {  	[tilespmem:s15+$0x0] =	vst.add.f32.msk $0xffff, v0  }
0xe1: {  	v0 =	vld [tilespmem:s6+$0x12200];
	_ =	sdelay $0x3  }
0xe2: {  	s16 =	sor.u32 $0x6200, s6  }
0xe3: {  	[tilespmem:s16+$0x0] =	vst.add.f32.msk $0xffff, v0  }
0xe4: {  	v0 =	vld [tilespmem:s6+$0x12280];
	_ =	sdelay $0x3  }
0xe5: {  	s26 =	sor.u32 $0x6280, s6  }
0xe6: {  	[tilespmem:s26+$0x0] =	vst.add.f32.msk $0xffff, v0  }
0xe7: {  	v0 =	vld [tilespmem:s6+$0x12300];
	_ =	sdelay $0x3  }
0xe8: {  	s6 =	sor.u32 $0x6300, s6  }
0xe9: {  	s8 =	sor.u32 $0x2380, s5;
	[tilespmem:s6+$0x0] =	vst.add.f32.msk $0xffff, v0  }
0xea: {  	v0 =	vld [tilespmem:s8+$0x10000];
	_ =	sdelay $0x2  }
0xeb: {  	s5 =	simm.s32 $0x80;
	s26 =	simm.s32 $0x10  }
0xec: {  	s10 =	sand.u32 $0x1C00, s5;
	s7 =	sand.u32 $0x70, s26;
	s6 =	simm.s32 $0x20  }
.LBB2_4:
0xed: {  	p0 =	sne.s32 s6, $0x3F0;
	s7 =	sor.u32 s7, s10;
	[tilespmem:s8+$0x4000] =	vst.add.f32.msk $0xffff, v0  }
0xee: {  	v0 =	vld [tilespmem:s7+$0x10000];
	_ =	sdelay $0x3  }
0xef: {  	s8 =	sor.u32 $0x4000, s7  }
0xf0: {  	[tilespmem:s8+$0x0] =	vst.add.f32.msk $0xffff, v0  }
0xf1: {  	v0 =	vld [tilespmem:s7+$0x10080];
	_ =	sdelay $0x3  }
0xf2: {  	s8 =	sor.u32 $0x4080, s7  }
0xf3: {  	[tilespmem:s8+$0x0] =	vst.add.f32.msk $0xffff, v0  }
0xf4: {  	v0 =	vld [tilespmem:s7+$0x10100];
	_ =	sdelay $0x3  }
0xf5: {  	s8 =	sor.u32 $0x4100, s7  }
0xf6: {  	[tilespmem:s8+$0x0] =	vst.add.f32.msk $0xffff, v0  }
0xf7: {  	v0 =	vld [tilespmem:s7+$0x10180];
	_ =	sdelay $0x3  }
0xf8: {  	s8 =	sor.u32 $0x4180, s7  }
0xf9: {  	[tilespmem:s8+$0x0] =	vst.add.f32.msk $0xffff, v0  }
0xfa: {  	v0 =	vld [tilespmem:s7+$0x10200];
	_ =	sdelay $0x3  }
0xfb: {  	s8 =	sor.u32 $0x4200, s7  }
0xfc: {  	[tilespmem:s8+$0x0] =	vst.add.f32.msk $0xffff, v0  }
0xfd: {  	v0 =	vld [tilespmem:s7+$0x10280];
	_ =	sdelay $0x3  }
0xfe: {  	s8 =	sor.u32 $0x4280, s7  }
0xff: {  	[tilespmem:s8+$0x0] =	vst.add.f32.msk $0xffff, v0  }
0x100: {  	v0 =	vld [tilespmem:s7+$0x10300];
	_ =	sdelay $0x3  }
0x101: {  	s10 =	sor.u32 $0x4300, s7;
	s8 =	sor.u32 s26, s5;
	s26 =	smov.u32 s6  }
0x102: {  	[tilespmem:s10+$0x0] =	vst.add.f32.msk $0xffff, v0;
	s10 =	sor.u32 $0x380, s8  }
0x103: {  	v0 =	vld [tilespmem:s10+$0x10000];
	_ =	sdelay $0x4  }
0x104: {  	[tilespmem:s10+$0x4000] =	vst.add.f32.msk $0xffff, v0  }
0x105: {  	v0 =	vld [tilespmem:s7+$0x12000];
	_ =	sdelay $0x3  }
0x106: {  	s10 =	sor.u32 $0x6000, s7  }
0x107: {  	[tilespmem:s10+$0x0] =	vst.add.f32.msk $0xffff, v0  }
0x108: {  	v0 =	vld [tilespmem:s7+$0x12080];
	_ =	sdelay $0x3  }
0x109: {  	s10 =	sor.u32 $0x6080, s7  }
0x10a: {  	[tilespmem:s10+$0x0] =	vst.add.f32.msk $0xffff, v0  }
0x10b: {  	v0 =	vld [tilespmem:s7+$0x12100];
	_ =	sdelay $0x3  }
0x10c: {  	s10 =	sor.u32 $0x6100, s7  }
0x10d: {  	[tilespmem:s10+$0x0] =	vst.add.f32.msk $0xffff, v0  }
0x10e: {  	v0 =	vld [tilespmem:s7+$0x12180];
	_ =	sdelay $0x3  }
0x10f: {  	s10 =	sor.u32 $0x6180, s7  }
0x110: {  	[tilespmem:s10+$0x0] =	vst.add.f32.msk $0xffff, v0  }
0x111: {  	v0 =	vld [tilespmem:s7+$0x12200];
	_ =	sdelay $0x3  }
0x112: {  	s10 =	sor.u32 $0x6200, s7  }
0x113: {  	[tilespmem:s10+$0x0] =	vst.add.f32.msk $0xffff, v0  }
0x114: {  	v0 =	vld [tilespmem:s7+$0x12280];
	_ =	sdelay $0x3  }
0x115: {  	s10 =	sor.u32 $0x6280, s7  }
0x116: {  	[tilespmem:s10+$0x0] =	vst.add.f32.msk $0xffff, v0  }
0x117: {  	v0 =	vld [tilespmem:s7+$0x12300];
	_ =	sdelay $0x3  }
0x118: {  	s7 =	sor.u32 $0x6300, s7  }
0x119: {  	s8 =	sor.u32 $0x2380, s8;
	[tilespmem:s7+$0x0] =	vst.add.f32.msk $0xffff, v0  }
.Ltmp1:
0x11a: {  	v0 =	vld [tilespmem:s8+$0x10000];
	(pc) =	sbr.rel @p0 .LBB2_4-.Ltmp1, $3  }
0x11b: {  	_ =	sdelay $0x1  }
0x11c: {  	s5 =	sadd.s32 $0x80, s5  }
0x11d: {  	s6 =	sadd.s32 $0x10, s6;
	s10 =	sand.u32 $0x1C00, s5;
	s7 =	sand.u32 $0x70, s26  }
0x11e: {  	s6 =	sor.u32 s7, s10;
	[tilespmem:s8+$0x4000] =	vst.add.f32.msk $0xffff, v0  }
0x11f: {  	v0 =	vld [tilespmem:s6+$0x10000];
	_ =	sdelay $0x3  }
0x120: {  	s7 =	sor.u32 $0x4000, s6  }
0x121: {  	[tilespmem:s7+$0x0] =	vst.add.f32.msk $0xffff, v0  }
0x122: {  	v0 =	vld [tilespmem:s6+$0x10080];
	_ =	sdelay $0x3  }
0x123: {  	s13 =	sor.u32 $0x4080, s6  }
0x124: {  	[tilespmem:s13+$0x0] =	vst.add.f32.msk $0xffff, v0  }
0x125: {  	v0 =	vld [tilespmem:s6+$0x10100];
	_ =	sdelay $0x3  }
0x126: {  	s14 =	sor.u32 $0x4100, s6  }
0x127: {  	[tilespmem:s14+$0x0] =	vst.add.f32.msk $0xffff, v0  }
0x128: {  	v0 =	vld [tilespmem:s6+$0x10180];
	_ =	sdelay $0x3  }
0x129: {  	s15 =	sor.u32 $0x4180, s6  }
0x12a: {  	[tilespmem:s15+$0x0] =	vst.add.f32.msk $0xffff, v0  }
0x12b: {  	v0 =	vld [tilespmem:s6+$0x10200];
	_ =	sdelay $0x3  }
0x12c: {  	s16 =	sor.u32 $0x4200, s6  }
0x12d: {  	[tilespmem:s16+$0x0] =	vst.add.f32.msk $0xffff, v0  }
0x12e: {  	v0 =	vld [tilespmem:s6+$0x10280];
	_ =	sdelay $0x3  }
0x12f: {  	s8 =	sor.u32 $0x4280, s6  }
0x130: {  	[tilespmem:s8+$0x0] =	vst.add.f32.msk $0xffff, v0  }
0x131: {  	v0 =	vld [tilespmem:s6+$0x10300];
	_ =	sdelay $0x3  }
0x132: {  	s5 =	sor.u32 s26, s5;
	s10 =	sor.u32 $0x4300, s6  }
0x133: {  	s11 =	sor.u32 $0x380, s5;
	[tilespmem:s10+$0x0] =	vst.add.f32.msk $0xffff, v0  }
0x134: {  	v0 =	vld [tilespmem:s11+$0x10000];
	_ =	sdelay $0x4  }
0x135: {  	[tilespmem:s11+$0x4000] =	vst.add.f32.msk $0xffff, v0  }
0x136: {  	v0 =	vld [tilespmem:s6+$0x12000];
	_ =	sdelay $0x3  }
0x137: {  	s12 =	sor.u32 $0x6000, s6  }
0x138: {  	[tilespmem:s12+$0x0] =	vst.add.f32.msk $0xffff, v0  }
0x139: {  	v0 =	vld [tilespmem:s6+$0x12080];
	_ =	sdelay $0x3  }
0x13a: {  	s13 =	sor.u32 $0x6080, s6  }
0x13b: {  	[tilespmem:s13+$0x0] =	vst.add.f32.msk $0xffff, v0  }
0x13c: {  	v0 =	vld [tilespmem:s6+$0x12100];
	_ =	sdelay $0x3  }
0x13d: {  	s14 =	sor.u32 $0x6100, s6  }
0x13e: {  	[tilespmem:s14+$0x0] =	vst.add.f32.msk $0xffff, v0  }
0x13f: {  	v0 =	vld [tilespmem:s6+$0x12180];
	_ =	sdelay $0x3  }
0x140: {  	s15 =	sor.u32 $0x6180, s6  }
0x141: {  	[tilespmem:s15+$0x0] =	vst.add.f32.msk $0xffff, v0  }
0x142: {  	v0 =	vld [tilespmem:s6+$0x12200];
	_ =	sdelay $0x3  }
0x143: {  	s16 =	sor.u32 $0x6200, s6  }
0x144: {  	[tilespmem:s16+$0x0] =	vst.add.f32.msk $0xffff, v0  }
0x145: {  	v0 =	vld [tilespmem:s6+$0x12280];
	_ =	sdelay $0x3  }
0x146: {  	s26 =	sor.u32 $0x6280, s6  }
0x147: {  	[tilespmem:s26+$0x0] =	vst.add.f32.msk $0xffff, v0  }
0x148: {  	v0 =	vld [tilespmem:s6+$0x12300];
	_ =	sdelay $0x3  }
0x149: {  	s6 =	sor.u32 $0x6300, s6  }
0x14a: {  	s5 =	sor.u32 $0x2380, s5;
	[tilespmem:s6+$0x0] =	vst.add.f32.msk $0xffff, v0  }
0x14b: {  	v0 =	vld [tilespmem:s5+$0x10000];
	_ =	sdelay $0x4  }
0x14c: {  	s7 =	rddreg [dreg:$0xc];
	[tilespmem:s5+$0x4000] =	vst.add.f32.msk $0xffff, v0;
	s5 =	simm.s32 $0x0  }
0x14d: {  	[hbm4b:s7+s5] =	stream.linear.scatter [tilespmem:s23], [sflag:$0x8], $0x4000, $0x38;
	[tilespmem:$0x18000] =	vst v63  }
0x14e: {  	_ =	swait.ge [sflag:s0], $0x4000  }
0x14f: {  	[sflag:s0] =	ssyncset.done $0x0  }
0x150: {  	s8 =	rddreg [dreg:$0xd];
	[sflag:s0] =	ssyncadd.s32 $0xFFFFC000  }
0x151: {  	[tilespmem:s23], [sflag:$0x2] =	stream.linear.gather [hbm4b:s8+s5], $0x4000, $0x38;
	[tilespmem:$0x18000] =	vst v63  }
0x152: {  	s11 =	simm.s32 $0x10000;
	s10 =	rddreg [dreg:$0xe]  }
0x153: {  	[tilespmem:s11], [sflag:$0x5] =	stream.linear.gather [hbm4b:s10+s5], $0x4000, $0x38;
	[tilespmem:$0x18000] =	vst v63  }
0x154: {  	_ =	swait.ge [sflag:s3], $0x4000  }
0x155: {  	[sflag:s3] =	ssyncset.done $0x0  }
0x156: {  	[sflag:s3] =	ssyncadd.s32 $0xFFFFC000  }
0x157: {  	_ =	swait.ge [sflag:s22], $0x4000  }
0x158: {  	s12 =	sand.u32 $0x70, s5;
	s13 =	sand.u32 $0x1C00, s5;
	[sflag:s22] =	ssyncset.done $0x0  }
0x159: {  	s6 =	sor.u32 s12, s13;
	[sflag:s22] =	ssyncadd.s32 $0xFFFFC000  }
0x15a: {  	v0 =	vld [tilespmem:s6+$0x14000];
	_ =	sdelay $0x3  }
0x15b: {  	s7 =	sor.u32 $0x8000, s6  }
0x15c: {  	[tilespmem:s7+$0x0] =	vst.add.f32.msk $0xffff, v0  }
0x15d: {  	v0 =	vld [tilespmem:s6+$0x14080];
	_ =	sdelay $0x3  }
0x15e: {  	s14 =	sor.u32 $0x8080, s6  }
0x15f: {  	[tilespmem:s14+$0x0] =	vst.add.f32.msk $0xffff, v0  }
0x160: {  	v0 =	vld [tilespmem:s6+$0x14100];
	_ =	sdelay $0x3  }
0x161: {  	s15 =	sor.u32 $0x8100, s6  }
0x162: {  	[tilespmem:s15+$0x0] =	vst.add.f32.msk $0xffff, v0  }
0x163: {  	v0 =	vld [tilespmem:s6+$0x14180];
	_ =	sdelay $0x3  }
0x164: {  	s16 =	sor.u32 $0x8180, s6  }
0x165: {  	[tilespmem:s16+$0x0] =	vst.add.f32.msk $0xffff, v0  }
0x166: {  	v0 =	vld [tilespmem:s6+$0x14200];
	_ =	sdelay $0x3  }
0x167: {  	s26 =	sor.u32 $0x8200, s6  }
0x168: {  	[tilespmem:s26+$0x0] =	vst.add.f32.msk $0xffff, v0  }
0x169: {  	v0 =	vld [tilespmem:s6+$0x14280];
	_ =	sdelay $0x3  }
0x16a: {  	s8 =	sor.u32 $0x8280, s6  }
0x16b: {  	[tilespmem:s8+$0x0] =	vst.add.f32.msk $0xffff, v0  }
0x16c: {  	v0 =	vld [tilespmem:s6+$0x14300];
	_ =	sdelay $0x3  }
0x16d: {  	s10 =	sor.u32 $0x8300, s6;
	s5 =	sor.u32 s5, s5  }
0x16e: {  	s11 =	sor.u32 $0x380, s5;
	[tilespmem:s10+$0x0] =	vst.add.f32.msk $0xffff, v0  }
0x16f: {  	v0 =	vld [tilespmem:s11+$0x14000];
	_ =	sdelay $0x4  }
0x170: {  	[tilespmem:s11+$0x8000] =	vst.add.f32.msk $0xffff, v0  }
0x171: {  	v0 =	vld [tilespmem:s6+$0x16000];
	_ =	sdelay $0x3  }
0x172: {  	s12 =	sor.u32 $0xA000, s6  }
0x173: {  	[tilespmem:s12+$0x0] =	vst.add.f32.msk $0xffff, v0  }
0x174: {  	v0 =	vld [tilespmem:s6+$0x16080];
	_ =	sdelay $0x3  }
0x175: {  	s13 =	sor.u32 $0xA080, s6  }
0x176: {  	[tilespmem:s13+$0x0] =	vst.add.f32.msk $0xffff, v0  }
0x177: {  	v0 =	vld [tilespmem:s6+$0x16100];
	_ =	sdelay $0x3  }
0x178: {  	s14 =	sor.u32 $0xA100, s6  }
0x179: {  	[tilespmem:s14+$0x0] =	vst.add.f32.msk $0xffff, v0  }
0x17a: {  	v0 =	vld [tilespmem:s6+$0x16180];
	_ =	sdelay $0x3  }
0x17b: {  	s15 =	sor.u32 $0xA180, s6  }
0x17c: {  	[tilespmem:s15+$0x0] =	vst.add.f32.msk $0xffff, v0  }
0x17d: {  	v0 =	vld [tilespmem:s6+$0x16200];
	_ =	sdelay $0x3  }
0x17e: {  	s16 =	sor.u32 $0xA200, s6  }
0x17f: {  	[tilespmem:s16+$0x0] =	vst.add.f32.msk $0xffff, v0  }
0x180: {  	v0 =	vld [tilespmem:s6+$0x16280];
	_ =	sdelay $0x3  }
0x181: {  	s26 =	sor.u32 $0xA280, s6  }
0x182: {  	[tilespmem:s26+$0x0] =	vst.add.f32.msk $0xffff, v0  }
0x183: {  	v0 =	vld [tilespmem:s6+$0x16300];
	_ =	sdelay $0x3  }
0x184: {  	s6 =	sor.u32 $0xA300, s6  }
0x185: {  	s8 =	sor.u32 $0x2380, s5;
	[tilespmem:s6+$0x0] =	vst.add.f32.msk $0xffff, v0  }
0x186: {  	v0 =	vld [tilespmem:s8+$0x14000];
	_ =	sdelay $0x2  }
0x187: {  	s5 =	simm.s32 $0x80;
	s26 =	simm.s32 $0x10  }
0x188: {  	s10 =	sand.u32 $0x1C00, s5;
	s7 =	sand.u32 $0x70, s26;
	s6 =	simm.s32 $0x20  }
.LBB2_6:
0x189: {  	p0 =	sne.s32 s6, $0x3F0;
	s7 =	sor.u32 s7, s10;
	[tilespmem:s8+$0x8000] =	vst.add.f32.msk $0xffff, v0  }
0x18a: {  	v0 =	vld [tilespmem:s7+$0x14000];
	_ =	sdelay $0x3  }
0x18b: {  	s8 =	sor.u32 $0x8000, s7  }
0x18c: {  	[tilespmem:s8+$0x0] =	vst.add.f32.msk $0xffff, v0  }
0x18d: {  	v0 =	vld [tilespmem:s7+$0x14080];
	_ =	sdelay $0x3  }
0x18e: {  	s8 =	sor.u32 $0x8080, s7  }
0x18f: {  	[tilespmem:s8+$0x0] =	vst.add.f32.msk $0xffff, v0  }
0x190: {  	v0 =	vld [tilespmem:s7+$0x14100];
	_ =	sdelay $0x3  }
0x191: {  	s8 =	sor.u32 $0x8100, s7  }
0x192: {  	[tilespmem:s8+$0x0] =	vst.add.f32.msk $0xffff, v0  }
0x193: {  	v0 =	vld [tilespmem:s7+$0x14180];
	_ =	sdelay $0x3  }
0x194: {  	s8 =	sor.u32 $0x8180, s7  }
0x195: {  	[tilespmem:s8+$0x0] =	vst.add.f32.msk $0xffff, v0  }
0x196: {  	v0 =	vld [tilespmem:s7+$0x14200];
	_ =	sdelay $0x3  }
0x197: {  	s8 =	sor.u32 $0x8200, s7  }
0x198: {  	[tilespmem:s8+$0x0] =	vst.add.f32.msk $0xffff, v0  }
0x199: {  	v0 =	vld [tilespmem:s7+$0x14280];
	_ =	sdelay $0x3  }
0x19a: {  	s8 =	sor.u32 $0x8280, s7  }
0x19b: {  	[tilespmem:s8+$0x0] =	vst.add.f32.msk $0xffff, v0  }
0x19c: {  	v0 =	vld [tilespmem:s7+$0x14300];
	_ =	sdelay $0x3  }
0x19d: {  	s10 =	sor.u32 $0x8300, s7;
	s8 =	sor.u32 s26, s5;
	s26 =	smov.u32 s6  }
0x19e: {  	[tilespmem:s10+$0x0] =	vst.add.f32.msk $0xffff, v0;
	s10 =	sor.u32 $0x380, s8  }
0x19f: {  	v0 =	vld [tilespmem:s10+$0x14000];
	_ =	sdelay $0x4  }
0x1a0: {  	[tilespmem:s10+$0x8000] =	vst.add.f32.msk $0xffff, v0  }
0x1a1: {  	v0 =	vld [tilespmem:s7+$0x16000];
	_ =	sdelay $0x3  }
0x1a2: {  	s10 =	sor.u32 $0xA000, s7  }
0x1a3: {  	[tilespmem:s10+$0x0] =	vst.add.f32.msk $0xffff, v0  }
0x1a4: {  	v0 =	vld [tilespmem:s7+$0x16080];
	_ =	sdelay $0x3  }
0x1a5: {  	s10 =	sor.u32 $0xA080, s7  }
0x1a6: {  	[tilespmem:s10+$0x0] =	vst.add.f32.msk $0xffff, v0  }
0x1a7: {  	v0 =	vld [tilespmem:s7+$0x16100];
	_ =	sdelay $0x3  }
0x1a8: {  	s10 =	sor.u32 $0xA100, s7  }
0x1a9: {  	[tilespmem:s10+$0x0] =	vst.add.f32.msk $0xffff, v0  }
0x1aa: {  	v0 =	vld [tilespmem:s7+$0x16180];
	_ =	sdelay $0x3  }
0x1ab: {  	s10 =	sor.u32 $0xA180, s7  }
0x1ac: {  	[tilespmem:s10+$0x0] =	vst.add.f32.msk $0xffff, v0  }
0x1ad: {  	v0 =	vld [tilespmem:s7+$0x16200];
	_ =	sdelay $0x3  }
0x1ae: {  	s10 =	sor.u32 $0xA200, s7  }
0x1af: {  	[tilespmem:s10+$0x0] =	vst.add.f32.msk $0xffff, v0  }
0x1b0: {  	v0 =	vld [tilespmem:s7+$0x16280];
	_ =	sdelay $0x3  }
0x1b1: {  	s10 =	sor.u32 $0xA280, s7  }
0x1b2: {  	[tilespmem:s10+$0x0] =	vst.add.f32.msk $0xffff, v0  }
0x1b3: {  	v0 =	vld [tilespmem:s7+$0x16300];
	_ =	sdelay $0x3  }
0x1b4: {  	s7 =	sor.u32 $0xA300, s7  }
0x1b5: {  	s8 =	sor.u32 $0x2380, s8;
	[tilespmem:s7+$0x0] =	vst.add.f32.msk $0xffff, v0  }
.Ltmp2:
0x1b6: {  	v0 =	vld [tilespmem:s8+$0x14000];
	(pc) =	sbr.rel @p0 .LBB2_6-.Ltmp2, $3  }
0x1b7: {  	_ =	sdelay $0x1  }
0x1b8: {  	s5 =	sadd.s32 $0x80, s5  }
0x1b9: {  	s6 =	sadd.s32 $0x10, s6;
	s10 =	sand.u32 $0x1C00, s5;
	s7 =	sand.u32 $0x70, s26  }
0x1ba: {  	s6 =	sor.u32 s7, s10;
	[tilespmem:s8+$0x8000] =	vst.add.f32.msk $0xffff, v0  }
0x1bb: {  	v0 =	vld [tilespmem:s6+$0x14000];
	_ =	sdelay $0x3  }
0x1bc: {  	s7 =	sor.u32 $0x8000, s6  }
0x1bd: {  	[tilespmem:s7+$0x0] =	vst.add.f32.msk $0xffff, v0  }
0x1be: {  	v0 =	vld [tilespmem:s6+$0x14080];
	_ =	sdelay $0x3  }
0x1bf: {  	s14 =	sor.u32 $0x8080, s6  }
0x1c0: {  	[tilespmem:s14+$0x0] =	vst.add.f32.msk $0xffff, v0  }
0x1c1: {  	v0 =	vld [tilespmem:s6+$0x14100];
	_ =	sdelay $0x3  }
0x1c2: {  	s15 =	sor.u32 $0x8100, s6  }
0x1c3: {  	[tilespmem:s15+$0x0] =	vst.add.f32.msk $0xffff, v0  }
0x1c4: {  	v0 =	vld [tilespmem:s6+$0x14180];
	_ =	sdelay $0x3  }
0x1c5: {  	s16 =	sor.u32 $0x8180, s6  }
0x1c6: {  	[tilespmem:s16+$0x0] =	vst.add.f32.msk $0xffff, v0  }
0x1c7: {  	v0 =	vld [tilespmem:s6+$0x14200];
	_ =	sdelay $0x3  }
0x1c8: {  	s8 =	sor.u32 $0x8200, s6  }
0x1c9: {  	[tilespmem:s8+$0x0] =	vst.add.f32.msk $0xffff, v0  }
0x1ca: {  	v0 =	vld [tilespmem:s6+$0x14280];
	_ =	sdelay $0x3  }
0x1cb: {  	s10 =	sor.u32 $0x8280, s6  }
0x1cc: {  	[tilespmem:s10+$0x0] =	vst.add.f32.msk $0xffff, v0  }
0x1cd: {  	v0 =	vld [tilespmem:s6+$0x14300];
	_ =	sdelay $0x3  }
0x1ce: {  	s5 =	sor.u32 s26, s5;
	s11 =	sor.u32 $0x8300, s6  }
0x1cf: {  	s12 =	sor.u32 $0x380, s5;
	[tilespmem:s11+$0x0] =	vst.add.f32.msk $0xffff, v0  }
0x1d0: {  	v0 =	vld [tilespmem:s12+$0x14000];
	_ =	sdelay $0x4  }
0x1d1: {  	[tilespmem:s12+$0x8000] =	vst.add.f32.msk $0xffff, v0  }
0x1d2: {  	v0 =	vld [tilespmem:s6+$0x16000];
	_ =	sdelay $0x3  }
0x1d3: {  	s13 =	sor.u32 $0xA000, s6  }
0x1d4: {  	[tilespmem:s13+$0x0] =	vst.add.f32.msk $0xffff, v0  }
0x1d5: {  	v0 =	vld [tilespmem:s6+$0x16080];
	_ =	sdelay $0x3  }
0x1d6: {  	s14 =	sor.u32 $0xA080, s6  }
0x1d7: {  	[tilespmem:s14+$0x0] =	vst.add.f32.msk $0xffff, v0  }
0x1d8: {  	v0 =	vld [tilespmem:s6+$0x16100];
	_ =	sdelay $0x3  }
0x1d9: {  	s15 =	sor.u32 $0xA100, s6  }
0x1da: {  	[tilespmem:s15+$0x0] =	vst.add.f32.msk $0xffff, v0  }
0x1db: {  	v0 =	vld [tilespmem:s6+$0x16180];
	_ =	sdelay $0x3  }
0x1dc: {  	s16 =	sor.u32 $0xA180, s6  }
0x1dd: {  	[tilespmem:s16+$0x0] =	vst.add.f32.msk $0xffff, v0  }
0x1de: {  	v0 =	vld [tilespmem:s6+$0x16200];
	_ =	sdelay $0x3  }
0x1df: {  	s26 =	sor.u32 $0xA200, s6  }
0x1e0: {  	[tilespmem:s26+$0x0] =	vst.add.f32.msk $0xffff, v0  }
0x1e1: {  	v0 =	vld [tilespmem:s6+$0x16280];
	_ =	sdelay $0x3  }
0x1e2: {  	s8 =	sor.u32 $0xA280, s6  }
0x1e3: {  	[tilespmem:s8+$0x0] =	vst.add.f32.msk $0xffff, v0  }
0x1e4: {  	v0 =	vld [tilespmem:s6+$0x16300];
	_ =	sdelay $0x3  }
0x1e5: {  	s6 =	sor.u32 $0xA300, s6  }
0x1e6: {  	s5 =	sor.u32 $0x2380, s5;
	[tilespmem:s6+$0x0] =	vst.add.f32.msk $0xffff, v0  }
0x1e7: {  	v0 =	vld [tilespmem:s5+$0x14000];
	_ =	sdelay $0x4  }
0x1e8: {  	s10 =	rddreg [dreg:$0xf];
	[tilespmem:s5+$0x8000] =	vst.add.f32.msk $0xffff, v0;
	s5 =	simm.s32 $0x0  }
0x1e9: {  	[hbm4b:s10+s5] =	stream.linear.scatter [tilespmem:s25], [sflag:$0x9], $0x4000, $0x38;
	[tilespmem:$0x18000] =	vst v63  }
0x1ea: {  	_ =	swait.ge [sflag:s4], $0x4000  }
0x1eb: {  	[sflag:s4] =	ssyncset.done $0x0  }
0x1ec: {  	s11 =	rddreg [dreg:$0x10];
	[sflag:s4] =	ssyncadd.s32 $0xFFFFC000  }
0x1ed: {  	[tilespmem:s25], [sflag:$0x3] =	stream.linear.gather [hbm4b:s11+s5], $0x4000, $0x38;
	[tilespmem:$0x18000] =	vst v63  }
0x1ee: {  	s12 =	simm.s32 $0x14000  }
0x1ef: {  	[tilespmem:s12], [sflag:$0x6] =	stream.linear.gather [hbm4b:s17+s5], $0x4000, $0x38;
	[tilespmem:$0x18000] =	vst v63  }
0x1f0: {  	_ =	swait.ge [sflag:s28], $0x4000  }
0x1f1: {  	[sflag:s28] =	ssyncset.done $0x0  }
0x1f2: {  	[sflag:s28] =	ssyncadd.s32 $0xFFFFC000  }
0x1f3: {  	_ =	swait.ge [sflag:s29], $0x4000  }
0x1f4: {  	s13 =	sand.u32 $0x70, s5;
	s14 =	sand.u32 $0x1C00, s5;
	[sflag:s29] =	ssyncset.done $0x0  }
0x1f5: {  	s6 =	sor.u32 s13, s14;
	[sflag:s29] =	ssyncadd.s32 $0xFFFFC000  }
0x1f6: {  	v0 =	vld [tilespmem:s6+$0xC000]  }
0x1f7: {  	v1 =	vld [tilespmem:s6+$0xC080];
	_ =	sdelay $0x3  }
0x1f8: {  	s7 =	sor.u32 $0x80, s6;
	[tilespmem:s6+$0x0] =	vst.add.f32.msk $0xffff, v0  }
0x1f9: {  	[tilespmem:s7+$0x0] =	vst.add.f32.msk $0xffff, v1  }
0x1fa: {  	v0 =	vld [tilespmem:s6+$0xC100];
	_ =	sdelay $0x3  }
0x1fb: {  	s15 =	sor.u32 $0x100, s6  }
0x1fc: {  	[tilespmem:s15+$0x0] =	vst.add.f32.msk $0xffff, v0  }
0x1fd: {  	v0 =	vld [tilespmem:s6+$0xC180];
	_ =	sdelay $0x3  }
0x1fe: {  	s16 =	sor.u32 $0x180, s6  }
0x1ff: {  	[tilespmem:s16+$0x0] =	vst.add.f32.msk $0xffff, v0  }
0x200: {  	v0 =	vld [tilespmem:s6+$0xC200];
	_ =	sdelay $0x3  }
0x201: {  	s26 =	sor.u32 $0x200, s6  }
0x202: {  	[tilespmem:s26+$0x0] =	vst.add.f32.msk $0xffff, v0  }
0x203: {  	v0 =	vld [tilespmem:s6+$0xC280];
	_ =	sdelay $0x3  }
0x204: {  	s8 =	sor.u32 $0x280, s6  }
0x205: {  	[tilespmem:s8+$0x0] =	vst.add.f32.msk $0xffff, v0  }
0x206: {  	v0 =	vld [tilespmem:s6+$0xC300];
	_ =	sdelay $0x3  }
0x207: {  	s10 =	sor.u32 $0x300, s6;
	s11 =	sor.u32 s5, s5  }
0x208: {  	s5 =	sor.u32 $0x380, s11;
	[tilespmem:s10+$0x0] =	vst.add.f32.msk $0xffff, v0  }
0x209: {  	v0 =	vld [tilespmem:s5+$0xC000];
	_ =	sdelay $0x4  }
0x20a: {  	[tilespmem:s5+$0x0] =	vst.add.f32.msk $0xffff, v0  }
0x20b: {  	v0 =	vld [tilespmem:s6+$0xE000];
	_ =	sdelay $0x3  }
0x20c: {  	s12 =	sor.u32 $0x2000, s6  }
0x20d: {  	[tilespmem:s12+$0x0] =	vst.add.f32.msk $0xffff, v0  }
0x20e: {  	v0 =	vld [tilespmem:s6+$0xE080];
	_ =	sdelay $0x3  }
0x20f: {  	s13 =	sor.u32 $0x2080, s6  }
0x210: {  	[tilespmem:s13+$0x0] =	vst.add.f32.msk $0xffff, v0  }
0x211: {  	v0 =	vld [tilespmem:s6+$0xE100];
	_ =	sdelay $0x3  }
0x212: {  	s14 =	sor.u32 $0x2100, s6  }
0x213: {  	[tilespmem:s14+$0x0] =	vst.add.f32.msk $0xffff, v0  }
0x214: {  	v0 =	vld [tilespmem:s6+$0xE180];
	_ =	sdelay $0x3  }
0x215: {  	s15 =	sor.u32 $0x2180, s6  }
0x216: {  	[tilespmem:s15+$0x0] =	vst.add.f32.msk $0xffff, v0  }
0x217: {  	v0 =	vld [tilespmem:s6+$0xE200];
	_ =	sdelay $0x3  }
0x218: {  	s16 =	sor.u32 $0x2200, s6  }
0x219: {  	[tilespmem:s16+$0x0] =	vst.add.f32.msk $0xffff, v0  }
0x21a: {  	v0 =	vld [tilespmem:s6+$0xE280];
	_ =	sdelay $0x3  }
0x21b: {  	s26 =	sor.u32 $0x2280, s6  }
0x21c: {  	[tilespmem:s26+$0x0] =	vst.add.f32.msk $0xffff, v0  }
0x21d: {  	v0 =	vld [tilespmem:s6+$0xE300];
	_ =	sdelay $0x3  }
0x21e: {  	s6 =	sor.u32 $0x2300, s6  }
0x21f: {  	s8 =	sor.u32 $0x2380, s11;
	[tilespmem:s6+$0x0] =	vst.add.f32.msk $0xffff, v0  }
0x220: {  	v0 =	vld [tilespmem:s8+$0xC000];
	_ =	sdelay $0x1  }
0x221: {  	s5 =	simm.s32 $0x10;
	s26 =	simm.s32 $0x80  }
0x222: {  	s7 =	sand.u32 $0x70, s5;
	s10 =	sand.u32 $0x1C00, s26;
	s6 =	simm.s32 $0x20  }
.LBB2_8:
0x223: {  	p0 =	sne.s32 s6, $0x3F0  }
0x224: {  	s7 =	sor.u32 s7, s10;
	[tilespmem:s8+$0x0] =	vst.add.f32.msk $0xffff, v0;
	s12 =	smov.u32 s6;
	s6 =	sadd.s32 $0x10, s6  }
0x225: {  	v0 =	vld [tilespmem:s7+$0xC000];
	s11 =	sor.u32 $0x80, s7;
	s13 =	sor.u32 $0x100, s7;
	s14 =	sor.u32 $0x200, s7  }
0x226: {  	s15 =	sor.u32 $0x280, s7;
	s16 =	sor.u32 $0x300, s7;
	s10 =	sor.u32 $0x2100, s7;
	v1 =	vld [tilespmem:s7+$0xC080]  }
0x227: {  	s8 =	sor.u32 $0x2200, s7;
	_ =	sdelay $0x2  }
0x228: {  	[tilespmem:s7+$0x0] =	vst.add.f32.msk $0xffff, v0  }
0x229: {  	[tilespmem:s11+$0x0] =	vst.add.f32.msk $0xffff, v1  }
0x22a: {  	v0 =	vld [tilespmem:s7+$0xC100];
	_ =	sdelay $0x4  }
0x22b: {  	[tilespmem:s13+$0x0] =	vst.add.f32.msk $0xffff, v0  }
0x22c: {  	v0 =	vld [tilespmem:s7+$0xC180];
	_ =	sdelay $0x3  }
0x22d: {  	s11 =	sor.u32 $0x180, s7  }
0x22e: {  	[tilespmem:s11+$0x0] =	vst.add.f32.msk $0xffff, v0  }
0x22f: {  	v0 =	vld [tilespmem:s7+$0xC200];
	_ =	sdelay $0x4  }
0x230: {  	[tilespmem:s14+$0x0] =	vst.add.f32.msk $0xffff, v0  }
0x231: {  	v0 =	vld [tilespmem:s7+$0xC280];
	_ =	sdelay $0x4  }
0x232: {  	[tilespmem:s15+$0x0] =	vst.add.f32.msk $0xffff, v0  }
0x233: {  	v0 =	vld [tilespmem:s7+$0xC300];
	_ =	sdelay $0x3  }
0x234: {  	s11 =	sor.u32 s5, s26;
	s5 =	smov.u32 s12  }
0x235: {  	s12 =	sor.u32 $0x380, s11;
	[tilespmem:s16+$0x0] =	vst.add.f32.msk $0xffff, v0  }
0x236: {  	v0 =	vld [tilespmem:s12+$0xC000];
	_ =	sdelay $0x4  }
0x237: {  	[tilespmem:s12+$0x0] =	vst.add.f32.msk $0xffff, v0  }
0x238: {  	v0 =	vld [tilespmem:s7+$0xE000];
	_ =	sdelay $0x3  }
0x239: {  	s12 =	sor.u32 $0x2000, s7  }
0x23a: {  	[tilespmem:s12+$0x0] =	vst.add.f32.msk $0xffff, v0  }
0x23b: {  	v0 =	vld [tilespmem:s7+$0xE080];
	_ =	sdelay $0x3  }
0x23c: {  	s12 =	sor.u32 $0x2080, s7  }
0x23d: {  	[tilespmem:s12+$0x0] =	vst.add.f32.msk $0xffff, v0  }
0x23e: {  	v0 =	vld [tilespmem:s7+$0xE100];
	_ =	sdelay $0x4  }
0x23f: {  	[tilespmem:s10+$0x0] =	vst.add.f32.msk $0xffff, v0  }
0x240: {  	v0 =	vld [tilespmem:s7+$0xE180];
	_ =	sdelay $0x3  }
0x241: {  	s10 =	sor.u32 $0x2180, s7  }
0x242: {  	[tilespmem:s10+$0x0] =	vst.add.f32.msk $0xffff, v0  }
0x243: {  	v0 =	vld [tilespmem:s7+$0xE200];
	_ =	sdelay $0x4  }
0x244: {  	[tilespmem:s8+$0x0] =	vst.add.f32.msk $0xffff, v0  }
0x245: {  	v0 =	vld [tilespmem:s7+$0xE280];
	_ =	sdelay $0x3  }
0x246: {  	s8 =	sor.u32 $0x2280, s7  }
0x247: {  	[tilespmem:s8+$0x0] =	vst.add.f32.msk $0xffff, v0  }
0x248: {  	v0 =	vld [tilespmem:s7+$0xE300];
	_ =	sdelay $0x3  }
0x249: {  	s7 =	sor.u32 $0x2300, s7  }
0x24a: {  	s8 =	sor.u32 $0x2380, s11;
	[tilespmem:s7+$0x0] =	vst.add.f32.msk $0xffff, v0  }
.Ltmp3:
0x24b: {  	v0 =	vld [tilespmem:s8+$0xC000];
	(pc) =	sbr.rel @p0 .LBB2_8-.Ltmp3, $3  }
0x24c: {  	_ =	sdelay $0x1  }
0x24d: {  	s26 =	sadd.s32 $0x80, s26  }
0x24e: {  	s10 =	sand.u32 $0x1C00, s26;
	s7 =	sand.u32 $0x70, s5  }
0x24f: {  	s6 =	sor.u32 s7, s10;
	[tilespmem:s8+$0x0] =	vst.add.f32.msk $0xffff, v0  }
0x250: {  	v0 =	vld [tilespmem:s6+$0xC000]  }
0x251: {  	v1 =	vld [tilespmem:s6+$0xC080];
	_ =	sdelay $0x3  }
0x252: {  	s7 =	sor.u32 $0x80, s6;
	[tilespmem:s6+$0x0] =	vst.add.f32.msk $0xffff, v0  }
0x253: {  	[tilespmem:s7+$0x0] =	vst.add.f32.msk $0xffff, v1  }
0x254: {  	v0 =	vld [tilespmem:s6+$0xC100];
	_ =	sdelay $0x3  }
0x255: {  	s16 =	sor.u32 $0x100, s6  }
0x256: {  	[tilespmem:s16+$0x0] =	vst.add.f32.msk $0xffff, v0  }
0x257: {  	v0 =	vld [tilespmem:s6+$0xC180];
	_ =	sdelay $0x3  }
0x258: {  	s8 =	sor.u32 $0x180, s6  }
0x259: {  	[tilespmem:s8+$0x0] =	vst.add.f32.msk $0xffff, v0  }
0x25a: {  	v0 =	vld [tilespmem:s6+$0xC200];
	_ =	sdelay $0x3  }
0x25b: {  	s10 =	sor.u32 $0x200, s6  }
0x25c: {  	[tilespmem:s10+$0x0] =	vst.add.f32.msk $0xffff, v0  }
0x25d: {  	v0 =	vld [tilespmem:s6+$0xC280];
	_ =	sdelay $0x3  }
0x25e: {  	s11 =	sor.u32 $0x280, s6  }
0x25f: {  	[tilespmem:s11+$0x0] =	vst.add.f32.msk $0xffff, v0  }
0x260: {  	v0 =	vld [tilespmem:s6+$0xC300];
	_ =	sdelay $0x3  }
0x261: {  	s5 =	sor.u32 s5, s26;
	s12 =	sor.u32 $0x300, s6  }
0x262: {  	s13 =	sor.u32 $0x380, s5;
	[tilespmem:s12+$0x0] =	vst.add.f32.msk $0xffff, v0  }
0x263: {  	v0 =	vld [tilespmem:s13+$0xC000];
	_ =	sdelay $0x4  }
0x264: {  	[tilespmem:s13+$0x0] =	vst.add.f32.msk $0xffff, v0  }
0x265: {  	v0 =	vld [tilespmem:s6+$0xE000];
	_ =	sdelay $0x3  }
0x266: {  	s14 =	sor.u32 $0x2000, s6  }
0x267: {  	[tilespmem:s14+$0x0] =	vst.add.f32.msk $0xffff, v0  }
0x268: {  	v0 =	vld [tilespmem:s6+$0xE080];
	_ =	sdelay $0x3  }
0x269: {  	s15 =	sor.u32 $0x2080, s6  }
0x26a: {  	[tilespmem:s15+$0x0] =	vst.add.f32.msk $0xffff, v0  }
0x26b: {  	v0 =	vld [tilespmem:s6+$0xE100];
	_ =	sdelay $0x3  }
0x26c: {  	s16 =	sor.u32 $0x2100, s6  }
0x26d: {  	[tilespmem:s16+$0x0] =	vst.add.f32.msk $0xffff, v0  }
0x26e: {  	v0 =	vld [tilespmem:s6+$0xE180];
	_ =	sdelay $0x3  }
0x26f: {  	s26 =	sor.u32 $0x2180, s6  }
0x270: {  	[tilespmem:s26+$0x0] =	vst.add.f32.msk $0xffff, v0  }
0x271: {  	v0 =	vld [tilespmem:s6+$0xE200];
	_ =	sdelay $0x3  }
0x272: {  	s8 =	sor.u32 $0x2200, s6  }
0x273: {  	[tilespmem:s8+$0x0] =	vst.add.f32.msk $0xffff, v0  }
0x274: {  	v0 =	vld [tilespmem:s6+$0xE280];
	_ =	sdelay $0x3  }
0x275: {  	s10 =	sor.u32 $0x2280, s6  }
0x276: {  	[tilespmem:s10+$0x0] =	vst.add.f32.msk $0xffff, v0  }
0x277: {  	v0 =	vld [tilespmem:s6+$0xE300];
	_ =	sdelay $0x3  }
0x278: {  	s6 =	sor.u32 $0x2300, s6  }
0x279: {  	s5 =	sor.u32 $0x2380, s5;
	[tilespmem:s6+$0x0] =	vst.add.f32.msk $0xffff, v0  }
0x27a: {  	v0 =	vld [tilespmem:s5+$0xC000];
	_ =	sdelay $0x4  }
0x27b: {  	s11 =	simm.s32 $0x0;
	[tilespmem:s5+$0x0] =	vst.add.f32.msk $0xffff, v0  }
0x27c: {  	[hbm4b:s18+s11] =	stream.linear.scatter [tilespmem:s11], [sflag:$0x7], $0x4000, $0x38;
	[tilespmem:$0x18000] =	vst v63  }
0x27d: {  	_ =	swait.ge [sflag:s31], $0x4000  }
0x27e: {  	[sflag:s31] =	ssyncset.done $0x0  }
0x27f: {  	[sflag:s31] =	ssyncadd.s32 $0xFFFFC000  }
0x280: {  	_ =	swait.ge [sflag:s1], $0x4000  }
0x281: {  	s12 =	sand.u32 $0x70, s11;
	s13 =	sand.u32 $0x1C00, s11;
	[sflag:s1] =	ssyncset.done $0x0  }
0x282: {  	s6 =	sor.u32 s12, s13;
	[sflag:s1] =	ssyncadd.s32 $0xFFFFC000  }
0x283: {  	v0 =	vld [tilespmem:s6+$0x10000];
	_ =	sdelay $0x3  }
0x284: {  	s7 =	sor.u32 $0x4000, s6  }
0x285: {  	[tilespmem:s7+$0x0] =	vst.add.f32.msk $0xffff, v0  }
0x286: {  	v0 =	vld [tilespmem:s6+$0x10080];
	_ =	sdelay $0x3  }
0x287: {  	s14 =	sor.u32 $0x4080, s6  }
0x288: {  	[tilespmem:s14+$0x0] =	vst.add.f32.msk $0xffff, v0  }
0x289: {  	v0 =	vld [tilespmem:s6+$0x10100];
	_ =	sdelay $0x3  }
0x28a: {  	s15 =	sor.u32 $0x4100, s6  }
0x28b: {  	[tilespmem:s15+$0x0] =	vst.add.f32.msk $0xffff, v0  }
0x28c: {  	v0 =	vld [tilespmem:s6+$0x10180];
	_ =	sdelay $0x3  }
0x28d: {  	s16 =	sor.u32 $0x4180, s6  }
0x28e: {  	[tilespmem:s16+$0x0] =	vst.add.f32.msk $0xffff, v0  }
0x28f: {  	v0 =	vld [tilespmem:s6+$0x10200];
	_ =	sdelay $0x3  }
0x290: {  	s26 =	sor.u32 $0x4200, s6  }
0x291: {  	[tilespmem:s26+$0x0] =	vst.add.f32.msk $0xffff, v0  }
0x292: {  	v0 =	vld [tilespmem:s6+$0x10280];
	_ =	sdelay $0x3  }
0x293: {  	s8 =	sor.u32 $0x4280, s6  }
0x294: {  	[tilespmem:s8+$0x0] =	vst.add.f32.msk $0xffff, v0  }
0x295: {  	v0 =	vld [tilespmem:s6+$0x10300];
	_ =	sdelay $0x3  }
0x296: {  	s10 =	sor.u32 $0x4300, s6;
	s5 =	sor.u32 s11, s11  }
0x297: {  	s11 =	sor.u32 $0x380, s5;
	[tilespmem:s10+$0x0] =	vst.add.f32.msk $0xffff, v0  }
0x298: {  	v0 =	vld [tilespmem:s11+$0x10000];
	_ =	sdelay $0x4  }
0x299: {  	[tilespmem:s11+$0x4000] =	vst.add.f32.msk $0xffff, v0  }
0x29a: {  	v0 =	vld [tilespmem:s6+$0x12000];
	_ =	sdelay $0x3  }
0x29b: {  	s12 =	sor.u32 $0x6000, s6  }
0x29c: {  	[tilespmem:s12+$0x0] =	vst.add.f32.msk $0xffff, v0  }
0x29d: {  	v0 =	vld [tilespmem:s6+$0x12080];
	_ =	sdelay $0x3  }
0x29e: {  	s13 =	sor.u32 $0x6080, s6  }
0x29f: {  	[tilespmem:s13+$0x0] =	vst.add.f32.msk $0xffff, v0  }
0x2a0: {  	v0 =	vld [tilespmem:s6+$0x12100];
	_ =	sdelay $0x3  }
0x2a1: {  	s14 =	sor.u32 $0x6100, s6  }
0x2a2: {  	[tilespmem:s14+$0x0] =	vst.add.f32.msk $0xffff, v0  }
0x2a3: {  	v0 =	vld [tilespmem:s6+$0x12180];
	_ =	sdelay $0x3  }
0x2a4: {  	s15 =	sor.u32 $0x6180, s6  }
0x2a5: {  	[tilespmem:s15+$0x0] =	vst.add.f32.msk $0xffff, v0  }
0x2a6: {  	v0 =	vld [tilespmem:s6+$0x12200];
	_ =	sdelay $0x3  }
0x2a7: {  	s16 =	sor.u32 $0x6200, s6  }
0x2a8: {  	[tilespmem:s16+$0x0] =	vst.add.f32.msk $0xffff, v0  }
0x2a9: {  	v0 =	vld [tilespmem:s6+$0x12280];
	_ =	sdelay $0x3  }
0x2aa: {  	s26 =	sor.u32 $0x6280, s6  }
0x2ab: {  	[tilespmem:s26+$0x0] =	vst.add.f32.msk $0xffff, v0  }
0x2ac: {  	v0 =	vld [tilespmem:s6+$0x12300];
	_ =	sdelay $0x3  }
0x2ad: {  	s6 =	sor.u32 $0x6300, s6  }
0x2ae: {  	s8 =	sor.u32 $0x2380, s5;
	[tilespmem:s6+$0x0] =	vst.add.f32.msk $0xffff, v0  }
0x2af: {  	v0 =	vld [tilespmem:s8+$0x10000];
	_ =	sdelay $0x2  }
0x2b0: {  	s5 =	simm.s32 $0x80;
	s26 =	simm.s32 $0x10  }
0x2b1: {  	s10 =	sand.u32 $0x1C00, s5;
	s7 =	sand.u32 $0x70, s26;
	s6 =	simm.s32 $0x20  }
.LBB2_10:
0x2b2: {  	p0 =	sne.s32 s6, $0x3F0;
	s7 =	sor.u32 s7, s10;
	[tilespmem:s8+$0x4000] =	vst.add.f32.msk $0xffff, v0  }
0x2b3: {  	v0 =	vld [tilespmem:s7+$0x10000];
	_ =	sdelay $0x3  }
0x2b4: {  	s8 =	sor.u32 $0x4000, s7  }
0x2b5: {  	[tilespmem:s8+$0x0] =	vst.add.f32.msk $0xffff, v0  }
0x2b6: {  	v0 =	vld [tilespmem:s7+$0x10080];
	_ =	sdelay $0x3  }
0x2b7: {  	s8 =	sor.u32 $0x4080, s7  }
0x2b8: {  	[tilespmem:s8+$0x0] =	vst.add.f32.msk $0xffff, v0  }
0x2b9: {  	v0 =	vld [tilespmem:s7+$0x10100];
	_ =	sdelay $0x3  }
0x2ba: {  	s8 =	sor.u32 $0x4100, s7  }
0x2bb: {  	[tilespmem:s8+$0x0] =	vst.add.f32.msk $0xffff, v0  }
0x2bc: {  	v0 =	vld [tilespmem:s7+$0x10180];
	_ =	sdelay $0x3  }
0x2bd: {  	s8 =	sor.u32 $0x4180, s7  }
0x2be: {  	[tilespmem:s8+$0x0] =	vst.add.f32.msk $0xffff, v0  }
0x2bf: {  	v0 =	vld [tilespmem:s7+$0x10200];
	_ =	sdelay $0x3  }
0x2c0: {  	s8 =	sor.u32 $0x4200, s7  }
0x2c1: {  	[tilespmem:s8+$0x0] =	vst.add.f32.msk $0xffff, v0  }
0x2c2: {  	v0 =	vld [tilespmem:s7+$0x10280];
	_ =	sdelay $0x3  }
0x2c3: {  	s8 =	sor.u32 $0x4280, s7  }
0x2c4: {  	[tilespmem:s8+$0x0] =	vst.add.f32.msk $0xffff, v0  }
0x2c5: {  	v0 =	vld [tilespmem:s7+$0x10300];
	_ =	sdelay $0x3  }
0x2c6: {  	s10 =	sor.u32 $0x4300, s7;
	s8 =	sor.u32 s26, s5;
	s26 =	smov.u32 s6  }
0x2c7: {  	[tilespmem:s10+$0x0] =	vst.add.f32.msk $0xffff, v0;
	s10 =	sor.u32 $0x380, s8  }
0x2c8: {  	v0 =	vld [tilespmem:s10+$0x10000];
	_ =	sdelay $0x4  }
0x2c9: {  	[tilespmem:s10+$0x4000] =	vst.add.f32.msk $0xffff, v0  }
0x2ca: {  	v0 =	vld [tilespmem:s7+$0x12000];
	_ =	sdelay $0x3  }
0x2cb: {  	s10 =	sor.u32 $0x6000, s7  }
0x2cc: {  	[tilespmem:s10+$0x0] =	vst.add.f32.msk $0xffff, v0  }
0x2cd: {  	v0 =	vld [tilespmem:s7+$0x12080];
	_ =	sdelay $0x3  }
0x2ce: {  	s10 =	sor.u32 $0x6080, s7  }
0x2cf: {  	[tilespmem:s10+$0x0] =	vst.add.f32.msk $0xffff, v0  }
0x2d0: {  	v0 =	vld [tilespmem:s7+$0x12100];
	_ =	sdelay $0x3  }
0x2d1: {  	s10 =	sor.u32 $0x6100, s7  }
0x2d2: {  	[tilespmem:s10+$0x0] =	vst.add.f32.msk $0xffff, v0  }
0x2d3: {  	v0 =	vld [tilespmem:s7+$0x12180];
	_ =	sdelay $0x3  }
0x2d4: {  	s10 =	sor.u32 $0x6180, s7  }
0x2d5: {  	[tilespmem:s10+$0x0] =	vst.add.f32.msk $0xffff, v0  }
0x2d6: {  	v0 =	vld [tilespmem:s7+$0x12200];
	_ =	sdelay $0x3  }
0x2d7: {  	s10 =	sor.u32 $0x6200, s7  }
0x2d8: {  	[tilespmem:s10+$0x0] =	vst.add.f32.msk $0xffff, v0  }
0x2d9: {  	v0 =	vld [tilespmem:s7+$0x12280];
	_ =	sdelay $0x3  }
0x2da: {  	s10 =	sor.u32 $0x6280, s7  }
0x2db: {  	[tilespmem:s10+$0x0] =	vst.add.f32.msk $0xffff, v0  }
0x2dc: {  	v0 =	vld [tilespmem:s7+$0x12300];
	_ =	sdelay $0x3  }
0x2dd: {  	s7 =	sor.u32 $0x6300, s7  }
0x2de: {  	s8 =	sor.u32 $0x2380, s8;
	[tilespmem:s7+$0x0] =	vst.add.f32.msk $0xffff, v0  }
.Ltmp4:
0x2df: {  	v0 =	vld [tilespmem:s8+$0x10000];
	(pc) =	sbr.rel @p0 .LBB2_10-.Ltmp4, $3  }
0x2e0: {  	_ =	sdelay $0x1  }
0x2e1: {  	s5 =	sadd.s32 $0x80, s5  }
0x2e2: {  	s6 =	sadd.s32 $0x10, s6;
	s10 =	sand.u32 $0x1C00, s5;
	s7 =	sand.u32 $0x70, s26  }
0x2e3: {  	s6 =	sor.u32 s7, s10;
	[tilespmem:s8+$0x4000] =	vst.add.f32.msk $0xffff, v0  }
0x2e4: {  	v0 =	vld [tilespmem:s6+$0x10000];
	_ =	sdelay $0x3  }
0x2e5: {  	s7 =	sor.u32 $0x4000, s6  }
0x2e6: {  	[tilespmem:s7+$0x0] =	vst.add.f32.msk $0xffff, v0  }
0x2e7: {  	v0 =	vld [tilespmem:s6+$0x10080];
	_ =	sdelay $0x3  }
0x2e8: {  	s15 =	sor.u32 $0x4080, s6  }
0x2e9: {  	[tilespmem:s15+$0x0] =	vst.add.f32.msk $0xffff, v0  }
0x2ea: {  	v0 =	vld [tilespmem:s6+$0x10100];
	_ =	sdelay $0x3  }
0x2eb: {  	s16 =	sor.u32 $0x4100, s6  }
0x2ec: {  	[tilespmem:s16+$0x0] =	vst.add.f32.msk $0xffff, v0  }
0x2ed: {  	v0 =	vld [tilespmem:s6+$0x10180];
	_ =	sdelay $0x3  }
0x2ee: {  	s8 =	sor.u32 $0x4180, s6  }
0x2ef: {  	[tilespmem:s8+$0x0] =	vst.add.f32.msk $0xffff, v0  }
0x2f0: {  	v0 =	vld [tilespmem:s6+$0x10200];
	_ =	sdelay $0x3  }
0x2f1: {  	s10 =	sor.u32 $0x4200, s6  }
0x2f2: {  	[tilespmem:s10+$0x0] =	vst.add.f32.msk $0xffff, v0  }
0x2f3: {  	v0 =	vld [tilespmem:s6+$0x10280];
	_ =	sdelay $0x3  }
0x2f4: {  	s11 =	sor.u32 $0x4280, s6  }
0x2f5: {  	[tilespmem:s11+$0x0] =	vst.add.f32.msk $0xffff, v0  }
0x2f6: {  	v0 =	vld [tilespmem:s6+$0x10300];
	_ =	sdelay $0x3  }
0x2f7: {  	s5 =	sor.u32 s26, s5;
	s12 =	sor.u32 $0x4300, s6  }
0x2f8: {  	s13 =	sor.u32 $0x380, s5;
	[tilespmem:s12+$0x0] =	vst.add.f32.msk $0xffff, v0  }
0x2f9: {  	v0 =	vld [tilespmem:s13+$0x10000];
	_ =	sdelay $0x4  }
0x2fa: {  	[tilespmem:s13+$0x4000] =	vst.add.f32.msk $0xffff, v0  }
0x2fb: {  	v0 =	vld [tilespmem:s6+$0x12000];
	_ =	sdelay $0x3  }
0x2fc: {  	s14 =	sor.u32 $0x6000, s6  }
0x2fd: {  	[tilespmem:s14+$0x0] =	vst.add.f32.msk $0xffff, v0  }
0x2fe: {  	v0 =	vld [tilespmem:s6+$0x12080];
	_ =	sdelay $0x3  }
0x2ff: {  	s15 =	sor.u32 $0x6080, s6  }
0x300: {  	[tilespmem:s15+$0x0] =	vst.add.f32.msk $0xffff, v0  }
0x301: {  	v0 =	vld [tilespmem:s6+$0x12100];
	_ =	sdelay $0x3  }
0x302: {  	s16 =	sor.u32 $0x6100, s6  }
0x303: {  	[tilespmem:s16+$0x0] =	vst.add.f32.msk $0xffff, v0  }
0x304: {  	v0 =	vld [tilespmem:s6+$0x12180];
	_ =	sdelay $0x3  }
0x305: {  	s26 =	sor.u32 $0x6180, s6  }
0x306: {  	[tilespmem:s26+$0x0] =	vst.add.f32.msk $0xffff, v0  }
0x307: {  	v0 =	vld [tilespmem:s6+$0x12200];
	_ =	sdelay $0x3  }
0x308: {  	s8 =	sor.u32 $0x6200, s6  }
0x309: {  	[tilespmem:s8+$0x0] =	vst.add.f32.msk $0xffff, v0  }
0x30a: {  	v0 =	vld [tilespmem:s6+$0x12280];
	_ =	sdelay $0x3  }
0x30b: {  	s10 =	sor.u32 $0x6280, s6  }
0x30c: {  	[tilespmem:s10+$0x0] =	vst.add.f32.msk $0xffff, v0  }
0x30d: {  	v0 =	vld [tilespmem:s6+$0x12300];
	_ =	sdelay $0x3  }
0x30e: {  	s6 =	sor.u32 $0x6300, s6  }
0x30f: {  	s5 =	sor.u32 $0x2380, s5;
	[tilespmem:s6+$0x0] =	vst.add.f32.msk $0xffff, v0  }
0x310: {  	v0 =	vld [tilespmem:s5+$0x10000];
	_ =	sdelay $0x4  }
0x311: {  	s11 =	simm.s32 $0x0;
	[tilespmem:s5+$0x4000] =	vst.add.f32.msk $0xffff, v0  }
0x312: {  	[hbm4b:s19+s11] =	stream.linear.scatter [tilespmem:s23], [sflag:$0x8], $0x4000, $0x38;
	[tilespmem:$0x18000] =	vst v63  }
0x313: {  	_ =	swait.ge [sflag:s3], $0x4000  }
0x314: {  	[sflag:s3] =	ssyncset.done $0x0  }
0x315: {  	[sflag:s3] =	ssyncadd.s32 $0xFFFFC000  }
0x316: {  	_ =	swait.ge [sflag:s22], $0x4000  }
0x317: {  	s12 =	sand.u32 $0x70, s11;
	s13 =	sand.u32 $0x1C00, s11;
	[sflag:s22] =	ssyncset.done $0x0  }
0x318: {  	s6 =	sor.u32 s12, s13;
	[sflag:s22] =	ssyncadd.s32 $0xFFFFC000  }
0x319: {  	v0 =	vld [tilespmem:s6+$0x14000];
	_ =	sdelay $0x3  }
0x31a: {  	s7 =	sor.u32 $0x8000, s6  }
0x31b: {  	[tilespmem:s7+$0x0] =	vst.add.f32.msk $0xffff, v0  }
0x31c: {  	v0 =	vld [tilespmem:s6+$0x14080];
	_ =	sdelay $0x3  }
0x31d: {  	s14 =	sor.u32 $0x8080, s6  }
0x31e: {  	[tilespmem:s14+$0x0] =	vst.add.f32.msk $0xffff, v0  }
0x31f: {  	v0 =	vld [tilespmem:s6+$0x14100];
	_ =	sdelay $0x3  }
0x320: {  	s15 =	sor.u32 $0x8100, s6  }
0x321: {  	[tilespmem:s15+$0x0] =	vst.add.f32.msk $0xffff, v0  }
0x322: {  	v0 =	vld [tilespmem:s6+$0x14180];
	_ =	sdelay $0x3  }
0x323: {  	s16 =	sor.u32 $0x8180, s6  }
0x324: {  	[tilespmem:s16+$0x0] =	vst.add.f32.msk $0xffff, v0  }
0x325: {  	v0 =	vld [tilespmem:s6+$0x14200];
	_ =	sdelay $0x3  }
0x326: {  	s26 =	sor.u32 $0x8200, s6  }
0x327: {  	[tilespmem:s26+$0x0] =	vst.add.f32.msk $0xffff, v0  }
0x328: {  	v0 =	vld [tilespmem:s6+$0x14280];
	_ =	sdelay $0x3  }
0x329: {  	s8 =	sor.u32 $0x8280, s6  }
0x32a: {  	[tilespmem:s8+$0x0] =	vst.add.f32.msk $0xffff, v0  }
0x32b: {  	v0 =	vld [tilespmem:s6+$0x14300];
	_ =	sdelay $0x3  }
0x32c: {  	s10 =	sor.u32 $0x8300, s6;
	s5 =	sor.u32 s11, s11  }
0x32d: {  	s11 =	sor.u32 $0x380, s5;
	[tilespmem:s10+$0x0] =	vst.add.f32.msk $0xffff, v0  }
0x32e: {  	v0 =	vld [tilespmem:s11+$0x14000];
	_ =	sdelay $0x4  }
0x32f: {  	[tilespmem:s11+$0x8000] =	vst.add.f32.msk $0xffff, v0  }
0x330: {  	v0 =	vld [tilespmem:s6+$0x16000];
	_ =	sdelay $0x3  }
0x331: {  	s12 =	sor.u32 $0xA000, s6  }
0x332: {  	[tilespmem:s12+$0x0] =	vst.add.f32.msk $0xffff, v0  }
0x333: {  	v0 =	vld [tilespmem:s6+$0x16080];
	_ =	sdelay $0x3  }
0x334: {  	s13 =	sor.u32 $0xA080, s6  }
0x335: {  	[tilespmem:s13+$0x0] =	vst.add.f32.msk $0xffff, v0  }
0x336: {  	v0 =	vld [tilespmem:s6+$0x16100];
	_ =	sdelay $0x3  }
0x337: {  	s14 =	sor.u32 $0xA100, s6  }
0x338: {  	[tilespmem:s14+$0x0] =	vst.add.f32.msk $0xffff, v0  }
0x339: {  	v0 =	vld [tilespmem:s6+$0x16180];
	_ =	sdelay $0x3  }
0x33a: {  	s15 =	sor.u32 $0xA180, s6  }
0x33b: {  	[tilespmem:s15+$0x0] =	vst.add.f32.msk $0xffff, v0  }
0x33c: {  	v0 =	vld [tilespmem:s6+$0x16200];
	_ =	sdelay $0x3  }
0x33d: {  	s16 =	sor.u32 $0xA200, s6  }
0x33e: {  	[tilespmem:s16+$0x0] =	vst.add.f32.msk $0xffff, v0  }
0x33f: {  	v0 =	vld [tilespmem:s6+$0x16280];
	_ =	sdelay $0x3  }
0x340: {  	s26 =	sor.u32 $0xA280, s6  }
0x341: {  	[tilespmem:s26+$0x0] =	vst.add.f32.msk $0xffff, v0  }
0x342: {  	v0 =	vld [tilespmem:s6+$0x16300];
	_ =	sdelay $0x3  }
0x343: {  	s6 =	sor.u32 $0xA300, s6  }
0x344: {  	s8 =	sor.u32 $0x2380, s5;
	[tilespmem:s6+$0x0] =	vst.add.f32.msk $0xffff, v0  }
0x345: {  	v0 =	vld [tilespmem:s8+$0x14000];
	_ =	sdelay $0x2  }
0x346: {  	s5 =	simm.s32 $0x80;
	s26 =	simm.s32 $0x10  }
0x347: {  	s10 =	sand.u32 $0x1C00, s5;
	s7 =	sand.u32 $0x70, s26;
	s6 =	simm.s32 $0x20  }
.LBB2_12:
0x348: {  	p0 =	sne.s32 s6, $0x3F0;
	s7 =	sor.u32 s7, s10;
	[tilespmem:s8+$0x8000] =	vst.add.f32.msk $0xffff, v0  }
0x349: {  	v0 =	vld [tilespmem:s7+$0x14000];
	_ =	sdelay $0x3  }
0x34a: {  	s8 =	sor.u32 $0x8000, s7  }
0x34b: {  	[tilespmem:s8+$0x0] =	vst.add.f32.msk $0xffff, v0  }
0x34c: {  	v0 =	vld [tilespmem:s7+$0x14080];
	_ =	sdelay $0x3  }
0x34d: {  	s8 =	sor.u32 $0x8080, s7  }
0x34e: {  	[tilespmem:s8+$0x0] =	vst.add.f32.msk $0xffff, v0  }
0x34f: {  	v0 =	vld [tilespmem:s7+$0x14100];
	_ =	sdelay $0x3  }
0x350: {  	s8 =	sor.u32 $0x8100, s7  }
0x351: {  	[tilespmem:s8+$0x0] =	vst.add.f32.msk $0xffff, v0  }
0x352: {  	v0 =	vld [tilespmem:s7+$0x14180];
	_ =	sdelay $0x3  }
0x353: {  	s8 =	sor.u32 $0x8180, s7  }
0x354: {  	[tilespmem:s8+$0x0] =	vst.add.f32.msk $0xffff, v0  }
0x355: {  	v0 =	vld [tilespmem:s7+$0x14200];
	_ =	sdelay $0x3  }
0x356: {  	s8 =	sor.u32 $0x8200, s7  }
0x357: {  	[tilespmem:s8+$0x0] =	vst.add.f32.msk $0xffff, v0  }
0x358: {  	v0 =	vld [tilespmem:s7+$0x14280];
	_ =	sdelay $0x3  }
0x359: {  	s8 =	sor.u32 $0x8280, s7  }
0x35a: {  	[tilespmem:s8+$0x0] =	vst.add.f32.msk $0xffff, v0  }
0x35b: {  	v0 =	vld [tilespmem:s7+$0x14300];
	_ =	sdelay $0x3  }
0x35c: {  	s10 =	sor.u32 $0x8300, s7;
	s8 =	sor.u32 s26, s5;
	s26 =	smov.u32 s6  }
0x35d: {  	[tilespmem:s10+$0x0] =	vst.add.f32.msk $0xffff, v0;
	s10 =	sor.u32 $0x380, s8  }
0x35e: {  	v0 =	vld [tilespmem:s10+$0x14000];
	_ =	sdelay $0x4  }
0x35f: {  	[tilespmem:s10+$0x8000] =	vst.add.f32.msk $0xffff, v0  }
0x360: {  	v0 =	vld [tilespmem:s7+$0x16000];
	_ =	sdelay $0x3  }
0x361: {  	s10 =	sor.u32 $0xA000, s7  }
0x362: {  	[tilespmem:s10+$0x0] =	vst.add.f32.msk $0xffff, v0  }
0x363: {  	v0 =	vld [tilespmem:s7+$0x16080];
	_ =	sdelay $0x3  }
0x364: {  	s10 =	sor.u32 $0xA080, s7  }
0x365: {  	[tilespmem:s10+$0x0] =	vst.add.f32.msk $0xffff, v0  }
0x366: {  	v0 =	vld [tilespmem:s7+$0x16100];
	_ =	sdelay $0x3  }
0x367: {  	s10 =	sor.u32 $0xA100, s7  }
0x368: {  	[tilespmem:s10+$0x0] =	vst.add.f32.msk $0xffff, v0  }
0x369: {  	v0 =	vld [tilespmem:s7+$0x16180];
	_ =	sdelay $0x3  }
0x36a: {  	s10 =	sor.u32 $0xA180, s7  }
0x36b: {  	[tilespmem:s10+$0x0] =	vst.add.f32.msk $0xffff, v0  }
0x36c: {  	v0 =	vld [tilespmem:s7+$0x16200];
	_ =	sdelay $0x3  }
0x36d: {  	s10 =	sor.u32 $0xA200, s7  }
0x36e: {  	[tilespmem:s10+$0x0] =	vst.add.f32.msk $0xffff, v0  }
0x36f: {  	v0 =	vld [tilespmem:s7+$0x16280];
	_ =	sdelay $0x3  }
0x370: {  	s10 =	sor.u32 $0xA280, s7  }
0x371: {  	[tilespmem:s10+$0x0] =	vst.add.f32.msk $0xffff, v0  }
0x372: {  	v0 =	vld [tilespmem:s7+$0x16300];
	_ =	sdelay $0x3  }
0x373: {  	s7 =	sor.u32 $0xA300, s7  }
0x374: {  	s8 =	sor.u32 $0x2380, s8;
	[tilespmem:s7+$0x0] =	vst.add.f32.msk $0xffff, v0  }
.Ltmp5:
0x375: {  	v0 =	vld [tilespmem:s8+$0x14000];
	(pc) =	sbr.rel @p0 .LBB2_12-.Ltmp5, $3  }
0x376: {  	_ =	sdelay $0x1  }
0x377: {  	s5 =	sadd.s32 $0x80, s5  }
0x378: {  	s6 =	sadd.s32 $0x10, s6;
	s10 =	sand.u32 $0x1C00, s5;
	s7 =	sand.u32 $0x70, s26  }
0x379: {  	s6 =	sor.u32 s7, s10;
	[tilespmem:s8+$0x8000] =	vst.add.f32.msk $0xffff, v0  }
0x37a: {  	v0 =	vld [tilespmem:s6+$0x14000];
	_ =	sdelay $0x3  }
0x37b: {  	s7 =	sor.u32 $0x8000, s6  }
0x37c: {  	[tilespmem:s7+$0x0] =	vst.add.f32.msk $0xffff, v0  }
0x37d: {  	v0 =	vld [tilespmem:s6+$0x14080];
	_ =	sdelay $0x3  }
0x37e: {  	s13 =	sor.u32 $0x8080, s6  }
0x37f: {  	[tilespmem:s13+$0x0] =	vst.add.f32.msk $0xffff, v0  }
0x380: {  	v0 =	vld [tilespmem:s6+$0x14100];
	_ =	sdelay $0x3  }
0x381: {  	s14 =	sor.u32 $0x8100, s6  }
0x382: {  	[tilespmem:s14+$0x0] =	vst.add.f32.msk $0xffff, v0  }
0x383: {  	v0 =	vld [tilespmem:s6+$0x14180];
	_ =	sdelay $0x3  }
0x384: {  	s15 =	sor.u32 $0x8180, s6  }
0x385: {  	[tilespmem:s15+$0x0] =	vst.add.f32.msk $0xffff, v0  }
0x386: {  	v0 =	vld [tilespmem:s6+$0x14200];
	_ =	sdelay $0x3  }
0x387: {  	s16 =	sor.u32 $0x8200, s6  }
0x388: {  	[tilespmem:s16+$0x0] =	vst.add.f32.msk $0xffff, v0  }
0x389: {  	v0 =	vld [tilespmem:s6+$0x14280];
	_ =	sdelay $0x3  }
0x38a: {  	s8 =	sor.u32 $0x8280, s6  }
0x38b: {  	[tilespmem:s8+$0x0] =	vst.add.f32.msk $0xffff, v0  }
0x38c: {  	v0 =	vld [tilespmem:s6+$0x14300];
	_ =	sdelay $0x3  }
0x38d: {  	s5 =	sor.u32 s26, s5;
	s10 =	sor.u32 $0x8300, s6  }
0x38e: {  	s11 =	sor.u32 $0x380, s5;
	[tilespmem:s10+$0x0] =	vst.add.f32.msk $0xffff, v0  }
0x38f: {  	v0 =	vld [tilespmem:s11+$0x14000];
	_ =	sdelay $0x4  }
0x390: {  	[tilespmem:s11+$0x8000] =	vst.add.f32.msk $0xffff, v0  }
0x391: {  	v0 =	vld [tilespmem:s6+$0x16000];
	_ =	sdelay $0x3  }
0x392: {  	s12 =	sor.u32 $0xA000, s6  }
0x393: {  	[tilespmem:s12+$0x0] =	vst.add.f32.msk $0xffff, v0  }
0x394: {  	v0 =	vld [tilespmem:s6+$0x16080];
	_ =	sdelay $0x3  }
0x395: {  	s13 =	sor.u32 $0xA080, s6  }
0x396: {  	[tilespmem:s13+$0x0] =	vst.add.f32.msk $0xffff, v0  }
0x397: {  	v0 =	vld [tilespmem:s6+$0x16100];
	_ =	sdelay $0x3  }
0x398: {  	s14 =	sor.u32 $0xA100, s6  }
0x399: {  	[tilespmem:s14+$0x0] =	vst.add.f32.msk $0xffff, v0  }
0x39a: {  	v0 =	vld [tilespmem:s6+$0x16180];
	_ =	sdelay $0x3  }
0x39b: {  	s15 =	sor.u32 $0xA180, s6  }
0x39c: {  	[tilespmem:s15+$0x0] =	vst.add.f32.msk $0xffff, v0  }
0x39d: {  	v0 =	vld [tilespmem:s6+$0x16200];
	_ =	sdelay $0x3  }
0x39e: {  	s16 =	sor.u32 $0xA200, s6  }
0x39f: {  	[tilespmem:s16+$0x0] =	vst.add.f32.msk $0xffff, v0  }
0x3a0: {  	v0 =	vld [tilespmem:s6+$0x16280];
	_ =	sdelay $0x3  }
0x3a1: {  	s26 =	sor.u32 $0xA280, s6  }
0x3a2: {  	[tilespmem:s26+$0x0] =	vst.add.f32.msk $0xffff, v0  }
0x3a3: {  	v0 =	vld [tilespmem:s6+$0x16300];
	_ =	sdelay $0x3  }
0x3a4: {  	s6 =	sor.u32 $0xA300, s6  }
0x3a5: {  	s5 =	sor.u32 $0x2380, s5;
	[tilespmem:s6+$0x0] =	vst.add.f32.msk $0xffff, v0  }
0x3a6: {  	v0 =	vld [tilespmem:s5+$0x14000];
	_ =	sdelay $0x4  }
0x3a7: {  	[tilespmem:s5+$0x8000] =	vst.add.f32.msk $0xffff, v0  }
0x3a8: {  	[hbm4b:s20+s2] =	stream.linear.scatter [tilespmem:s25], [sflag:$0x9], $0x4000, $0x38;
	[tilespmem:$0x18000] =	vst v63  }
0x3a9: {  	_ =	swait.ge [sflag:s30], $0x4000  }
0x3aa: {  	[sflag:s30] =	ssyncset.done $0x0  }
0x3ab: {  	s24 =	sadd.s32 $0x1, s24;
	[sflag:s30] =	ssyncadd.s32 $0xFFFFC000  }
0x3ac: {  	p0 =	sne.s32 s24, s21;
	_ =	swait.ge [sflag:s0], $0x4000  }
.Ltmp6:
0x3ad: {  	[sflag:s0] =	ssyncset.done $0x0;
	(pc) =	sbr.rel @p0 .LBB2_1-.Ltmp6, $4  }
0x3ae: {  	[sflag:s0] =	ssyncadd.s32 $0xFFFFC000  }
0x3af: {  	_ =	swait.ge [sflag:s4], $0x4000  }
0x3b0: {  	[sflag:s4] =	ssyncset.done $0x0  }
0x3b1: {  	[sflag:s4] =	ssyncadd.s32 $0xFFFFC000  }
0x3b2: {  	_ =	sfence.sel $0x180000  }
0x3b3: {  	[bflag:$0x0] =	sbarrier.arrive $0xFFFF  }
0x3b4: {  	_ =	strace $0x90000047  }
0x3b5: {  	s0 =	stileid.u32;
	[bflag:$0x2] =	sbarrier.arrive $0xFFFF  }
0x3b6: {  	p0 =	sne.s32 s0, $0x0;
	s0 =	rddreg [dreg:$0x3]  }
0x3b7: {  	s0 =	sadd.s32 @!p0 $0x100000, s0  }
0x3b8: {  	[sflag:s0] =	ssyncadd.tile.s32 @!p0 $0x1;
	_ =	shalt  }
.Lfunc_end2:
_tile_overlayer_lowered:
.L_overlay_start_2:
0x3b9: {  	(tag) =	ssettag $0x2  }
0x3ba: {  	s0 =	rddreg [dreg:$0x0];
	s2 =	stileid.u32  }
0x3bb: {  	s1 =	rddreg [dreg:$0x1];
	p0 =	sne.s32 s2, $0x0  }
0x3bc: {  	s3 =	rddreg [dreg:$0x2];
	[bflag:$0x3] =	sbarrier.arrive $0xFFFF;
	s2 =	simm.s32 @!p0 $0x1C0A  }
0x3bd: {  	[timem:s3], [sflag:s2] =	dma.local @!p0 [hbm:s0], s1  }
0x3be: {  	s0 =	simm.s32 @!p0 $0xA  }
0x3bf: {  	_ =	swait.ge @!p0 [sflag:s0], s1  }
0x3c0: {  	s1 =	ssub.s32 @!p0 $0x0, s1;
	[sflag:s0] =	ssyncset.done @!p0 $0x0  }
0x3c1: {  	[sflag:s0] =	ssyncadd.s32 @!p0 s1  }
0x3c2: {  	[bflag:$0x3] =	sbarrier.arrive $0xFFFF  }
0x3c3: {  	_ =	shalt  }

</sc_bundles>
